<compile_context>
chip_gen: v7x
topology: tpu7x:2x2x1
jax: 0.10.2.dev20260603
libtpu: 0.0.44.dev20260713+nightly
codegen_flags: <defaults>
</compile_context>

<pallas_src>
import functools

import jax
import jax.numpy as jnp
from jax import lax
from jax.experimental import pallas as pl
from jax.experimental.pallas import tpu as pltpu
from jax.experimental.pallas import tpu_sc as plsc

N = 10000
N_PAD = 10240
E = 320000
D_IN = 128
D_H = 128
D_OUT = 64

NC = 2
NS = 16
NW = NC * NS
CHUNK = 128
NCHUNKS = E // CHUNK
ROWS_PER_TILE = N_PAD // NS

_sc_mesh = plsc.VectorSubcoreMesh(core_axis_name="c", subcore_axis_name="s")


@functools.partial(
    pl.kernel,
    out_type=jax.ShapeDtypeStruct((NC, N_PAD), jnp.float32),
    mesh=_sc_mesh,
    scratch_types=[
        pltpu.VMEM((CHUNK,), jnp.int32),
        pltpu.VMEM((CHUNK,), jnp.float32),
        pltpu.VMEM((ROWS_PER_TILE,), jnp.float32),
        pltpu.VMEM_SHARED((N_PAD,), jnp.float32),
    ],
)
def _sc_degree(dst_hbm, out_hbm, dst_v, ones_v, zeros_v, acc_sh):
    c = lax.axis_index("c")
    s = lax.axis_index("s")
    wid = s * NC + c
    for j in range(CHUNK // 16):
        ones_v[pl.ds(j * 16, 16)] = jnp.full((16,), 1.0, jnp.float32)
    for j in range(ROWS_PER_TILE // 16):
        zeros_v[pl.ds(j * 16, 16)] = jnp.zeros((16,), jnp.float32)
    pltpu.sync_copy(zeros_v, acc_sh.at[pl.ds(s * ROWS_PER_TILE,
                                             ROWS_PER_TILE)])
    plsc.subcore_barrier()

    nloc = jnp.where(wid < NCHUNKS - (NCHUNKS // NW) * NW,
                     NCHUNKS // NW + 1, NCHUNKS // NW)

    def body(i, carry):
        base = (wid + i * NW) * CHUNK
        pltpu.sync_copy(dst_hbm.at[pl.ds(base, CHUNK)], dst_v)
        pltpu.sync_copy(ones_v, acc_sh.at[dst_v], add=True)
        return carry

    lax.fori_loop(0, nloc, body, 0)
    plsc.subcore_barrier()
    pltpu.sync_copy(acc_sh.at[pl.ds(s * ROWS_PER_TILE, ROWS_PER_TILE)],
                    out_hbm.at[c, pl.ds(s * ROWS_PER_TILE, ROWS_PER_TILE)])


@functools.partial(
    pl.kernel,
    out_type=jax.ShapeDtypeStruct((NC, N_PAD, D_H), jnp.float32),
    mesh=_sc_mesh,
    scratch_types=[
        pltpu.VMEM((CHUNK,), jnp.int32),
        pltpu.VMEM((CHUNK,), jnp.int32),
        pltpu.VMEM((CHUNK, D_H), jnp.float32),
        pltpu.VMEM((CHUNK, D_H), jnp.float32),
        pltpu.VMEM_SHARED((N_PAD, D_H), jnp.float32),
        pltpu.SemaphoreType.DMA,
    ],
)
def _sc_scatter(hs_hbm, src_hbm, dst_hbm, out_hbm,
                src_v, dst_v, rows_v, zeros_v, acc_sh, sem):
    c = lax.axis_index("c")
    s = lax.axis_index("s")
    wid = s * NC + c

    def zbody(i, carry):
        for j in range(D_H // 16):
            zeros_v[i, pl.ds(j * 16, 16)] = jnp.zeros((16,), jnp.float32)
        return carry

    lax.fori_loop(0, CHUNK, zbody, 0)
    for k in range(ROWS_PER_TILE // CHUNK):
        pltpu.sync_copy(zeros_v,
                        acc_sh.at[pl.ds(s * ROWS_PER_TILE + k * CHUNK,
                                        CHUNK)])
    plsc.subcore_barrier()

    nloc = jnp.where(wid < NCHUNKS - (NCHUNKS // NW) * NW,
                     NCHUNKS // NW + 1, NCHUNKS // NW)

    def body(i, carry):
        base = (wid + i * NW) * CHUNK
        pltpu.sync_copy(src_hbm.at[pl.ds(base, CHUNK)], src_v)
        pltpu.sync_copy(dst_hbm.at[pl.ds(base, CHUNK)], dst_v)
        pltpu.async_copy(hs_hbm.at[src_v], rows_v, sem).wait()
        pltpu.sync_copy(rows_v, acc_sh.at[dst_v], add=True)
        return carry

    lax.fori_loop(0, nloc, body, 0)
    plsc.subcore_barrier()

    for k in range(ROWS_PER_TILE // CHUNK):
        r0 = s * ROWS_PER_TILE + k * CHUNK
        pltpu.sync_copy(acc_sh.at[pl.ds(r0, CHUNK)],
                        out_hbm.at[c].at[pl.ds(r0, CHUNK)])


_BM = 1000


def _tc_a_body(x_ref, w1_ref, b1_ref, wc1_ref, d0_ref, d1_ref,
               h0_ref, hs1_ref, dis_ref):
    h0 = jnp.maximum(
        jnp.dot(x_ref[...], w1_ref[...], preferred_element_type=jnp.float32)
        + b1_ref[...], 0.0)
    deg = d0_ref[...] + d1_ref[...]
    dis = jnp.where(deg > 0.0,
                    1.0 / jnp.sqrt(jnp.where(deg > 0.0, deg, 1.0)), 0.0)
    h0_ref[...] = h0
    dis_ref[...] = dis
    hs1_ref[...] = dis * jnp.dot(h0, wc1_ref[...],
                                 preferred_element_type=jnp.float32)


def _tc_b_body(p0_ref, p1_ref, dis_ref, bc1_ref, wc2_ref, h1_ref, hs2_ref):
    dis = dis_ref[...]
    h1 = dis * (p0_ref[...] + p1_ref[...]) + bc1_ref[...]
    h1_ref[...] = h1
    hs2_ref[...] = dis * jnp.dot(h1, wc2_ref[...],
                                 preferred_element_type=jnp.float32)


def _tc_c_body(q0_ref, q1_ref, dis_ref, bc2_ref, h0_ref, h1_ref,
               wf0_ref, wf1_ref, wf2_ref, bf_ref, out_ref):
    h2 = dis_ref[...] * (q0_ref[...] + q1_ref[...]) + bc2_ref[...]
    out_ref[...] = (
        jnp.dot(h0_ref[...], wf0_ref[...], preferred_element_type=jnp.float32)
        + jnp.dot(h1_ref[...], wf1_ref[...], preferred_element_type=jnp.float32)
        + jnp.dot(h2, wf2_ref[...], preferred_element_type=jnp.float32)
        + bf_ref[...])


def _row_spec(d):
    return pl.BlockSpec((_BM, d), lambda i: (i, 0))


def _full_spec(r, cdim):
    return pl.BlockSpec((r, cdim), lambda i: (0, 0))


def _tc_a(x, W1, b1, Wc1, d0, d1):
    return pl.pallas_call(
        _tc_a_body,
        grid=(N // _BM,),
        in_specs=[_row_spec(D_IN), _full_spec(D_IN, D_H), _full_spec(1, D_H),
                  _full_spec(D_H, D_H), _row_spec(1), _row_spec(1)],
        out_specs=[_row_spec(D_H), _row_spec(D_H), _row_spec(1)],
        out_shape=[jax.ShapeDtypeStruct((N, D_H), jnp.float32),
                   jax.ShapeDtypeStruct((N, D_H), jnp.float32),
                   jax.ShapeDtypeStruct((N, 1), jnp.float32)],
    )(x, W1, b1, Wc1, d0, d1)


def _tc_b(p0, p1, dis, bc1, Wc2):
    return pl.pallas_call(
        _tc_b_body,
        grid=(N // _BM,),
        in_specs=[_row_spec(D_H), _row_spec(D_H), _row_spec(1),
                  _full_spec(1, D_H), _full_spec(D_H, D_H)],
        out_specs=[_row_spec(D_H), _row_spec(D_H)],
        out_shape=[jax.ShapeDtypeStruct((N, D_H), jnp.float32),
                   jax.ShapeDtypeStruct((N, D_H), jnp.float32)],
    )(p0, p1, dis, bc1, Wc2)


def _tc_c(q0, q1, dis, bc2, h0, h1, Wf0, Wf1, Wf2, bf):
    return pl.pallas_call(
        _tc_c_body,
        grid=(N // _BM,),
        in_specs=[_row_spec(D_H), _row_spec(D_H), _row_spec(1),
                  _full_spec(1, D_H), _row_spec(D_H), _row_spec(D_H),
                  _full_spec(D_H, D_OUT), _full_spec(D_H, D_OUT),
                  _full_spec(D_H, D_OUT), _full_spec(1, D_OUT)],
        out_specs=pl.BlockSpec((_BM, D_OUT), lambda i: (i, 0)),
        out_shape=jax.ShapeDtypeStruct((N, D_OUT), jnp.float32),
    )(q0, q1, dis, bc2, h0, h1, Wf0, Wf1, Wf2, bf)


def kernel(x, edge_index, W1, b1, Wc1, bc1, Wc2, bc2, Wf, bf):
    src = edge_index[0].astype(jnp.int32)
    dst = edge_index[1].astype(jnp.int32)

    degp = _sc_degree(dst)
    d0 = degp[0].reshape(N_PAD, 1)
    d1 = degp[1].reshape(N_PAD, 1)

    h0, hs1, dis = _tc_a(x, W1, b1.reshape(1, D_H), Wc1, d0, d1)

    p = _sc_scatter(hs1, src, dst)
    h1, hs2 = _tc_b(p[0], p[1], dis, bc1.reshape(1, D_H), Wc2)

    q = _sc_scatter(hs2, src, dst)
    out = _tc_c(q[0], q[1], dis, bc2.reshape(1, D_H), h0, h1,
                Wf[0:D_H], Wf[D_H:2 * D_H], Wf[2 * D_H:3 * D_H],
                bf.reshape(1, D_OUT))
    return out

# --- scband reference (transcript-rebuilt; emitter-appended) ---
"""Pipeline reference for scband-h2-gcn-net-36945308680872 (READ-ONLY COPY).

The authoritative reference and input builder live on the scoring server;
editing this copy changes nothing except your own understanding.
"""

import jax, jax.numpy as jnp
import numpy as np

N = 10000
E = 320000
D_IN = 128
D_H = 128
D_OUT = 64


def setup_inputs(seed: int = 0) -> dict:
    key = jax.random.key(seed)
    ks = jax.random.split(key, 10)
    x = jax.random.normal(ks[0], (N, D_IN), dtype=jnp.float32)
    edge_index = jax.random.randint(ks[1], (2, E), 0, N)
    s = 0.05
    W1 = jax.random.normal(ks[2], (D_IN, D_H), dtype=jnp.float32) * s
    b1 = jnp.zeros((D_H,), dtype=jnp.float32)
    Wc1 = jax.random.normal(ks[3], (D_H, D_H), dtype=jnp.float32) * s
    bc1 = jnp.zeros((D_H,), dtype=jnp.float32)
    Wc2 = jax.random.normal(ks[4], (D_H, D_H), dtype=jnp.float32) * s
    bc2 = jnp.zeros((D_H,), dtype=jnp.float32)
    Wf = jax.random.normal(ks[5], (3 * D_H, D_OUT), dtype=jnp.float32) * s
    bf = jnp.zeros((D_OUT,), dtype=jnp.float32)
    return {"x": x, "edge_index": edge_index, "W1": W1, "b1": b1,
            "Wc1": Wc1, "bc1": bc1, "Wc2": Wc2, "bc2": bc2,
            "Wf": Wf, "bf": bf}


def gcn_conv(x, W, b, src, dst):
    # PyG GCNConv with normalize=True, add_self_loops=False:
    # deg computed on dst (col); norm = deg^{-1/2}[src] * deg^{-1/2}[dst]
    deg = jax.ops.segment_sum(jnp.ones((src.shape[0],), dtype=x.dtype), dst, num_segments=N)
    dis = jnp.where(deg > 0, 1.0 / jnp.sqrt(jnp.where(deg > 0, deg, 1.0)), 0.0)
    norm = dis[src] * dis[dst]
    h = x @ W
    msg = h[src] * norm[:, None]
    out = jax.ops.segment_sum(msg, dst, num_segments=N)
    return out + b


def reference(x, edge_index, W1, b1, Wc1, bc1, Wc2, bc2, Wf, bf):
    src = edge_index[0]
    dst = edge_index[1]
    h0 = jax.nn.relu(x @ W1 + b1)
    # dropout p=0.5 is identity in eval mode
    h1 = gcn_conv(h0, Wc1, bc1, src, dst)
    h2 = gcn_conv(h1, Wc2, bc2, src, dst)
    h_concat = jnp.concatenate([h0, h1, h2], axis=1)
    return h_concat @ Wf + bf

if __name__ == "__main__":
    import jax
    _d = setup_inputs()
    print(jax.jit(kernel)(*tuple(_d.values())))

</pallas_src>

<mosaic_0001>
#map = affine_map<(d0, d1) -> (0, 0)>
#map1 = affine_map<(d0, d1) -> (0)>
#map2 = affine_map<(d0, d1) -> (0, 0, 0)>
module attributes {stable_mosaic.version = 14 : i64} {
  func.func @_sc_scatter(%arg0: i32, %arg1: i32, %arg2: memref<10000x128xf32, #tpu.memory_space<hbm>>, %arg3: memref<320000xi32, #tpu.memory_space<hbm>>, %arg4: memref<320000xi32, #tpu.memory_space<hbm>>, %arg5: memref<2x10240x128xf32, #tpu.memory_space<hbm>>, %arg6: memref<128xi32, #tpu.memory_space<vmem>>, %arg7: memref<128xi32, #tpu.memory_space<vmem>>, %arg8: memref<128x128xf32, #tpu.memory_space<vmem>>, %arg9: memref<128x128xf32, #tpu.memory_space<vmem>>, %arg10: memref<10240x128xf32, #tpu.memory_space<vmem_shared>>, %arg11: memref<!tpu.dma_semaphore, #tpu.memory_space<semaphore_mem>>) attributes {dimension_semantics = [#tpu.dimension_semantics<core_parallel>, #tpu.dimension_semantics<subcore_parallel>], iteration_bounds = array<i64: 2, 16>, scalar_prefetch = 0 : i64, scratch_operands = 6 : i64, tpu.core_type = #tpu.core_type<sc_vector_subcore>, window_params = [{transform_indices = #map}, {transform_indices = #map1}, {transform_indices = #map1}, {transform_indices = #map2}]} {
    %mul3A = arith.constant 2 : i32
    %mul3A_0 = arith.muli %arg1, %mul3A : i32
    %add3A = arith.addi %mul3A_0, %arg0 : i32
    %scan3A = arith.constant 0 : i32
    %scan3A_1 = arith.constant 0 : i32
    %scan3A_2 = arith.constant 128 : i32
    %scan3A_3 = arith.addi %scan3A_1, %scan3A_2 : i32
    %scan3A_4 = arith.constant 1 : i32
    scf.for %scan3A_58 = %scan3A_1 to %scan3A_3 step %scan3A_4  : i32 {
      %broadcast_in_dim3A = arith.constant 0.000000e+00 : f32
      %broadcast_in_dim3A_59 = vector.broadcast %broadcast_in_dim3A : f32 to vector<16xf32>
      %swap3A = arith.index_cast %scan3A_58 : i32 to index
      %swap3A_60 = arith.constant 0 : index
      %swap3A_61 = tpu.vector_load %arg9[%swap3A, %swap3A_60] {strides = array<i32>} : memref<128x128xf32, #tpu.memory_space<vmem>>, vector<1x16xf32>,
      %swap3A_62 = vector.shape_cast %swap3A_61 : vector<1x16xf32> to vector<16xf32>
      %swap3A_63 = vector.shape_cast %broadcast_in_dim3A_59 : vector<16xf32> to vector<1x16xf32>
      tpu.vector_store %arg9[%swap3A, %swap3A_60], %swap3A_63 {strides = array<i32>} : memref<128x128xf32, #tpu.memory_space<vmem>>, vector<1x16xf32>,
      %broadcast_in_dim3A_64 = arith.constant 0.000000e+00 : f32
      %broadcast_in_dim3A_65 = vector.broadcast %broadcast_in_dim3A_64 : f32 to vector<16xf32>
      %swap3A_66 = arith.index_cast %scan3A_58 : i32 to index
      %swap3A_67 = arith.constant 16 : index
      %swap3A_68 = tpu.vector_load %arg9[%swap3A_66, %swap3A_67] {strides = array<i32>} : memref<128x128xf32, #tpu.memory_space<vmem>>, vector<1x16xf32>,
      %swap3A_69 = vector.shape_cast %swap3A_68 : vector<1x16xf32> to vector<16xf32>
      %swap3A_70 = vector.shape_cast %broadcast_in_dim3A_65 : vector<16xf32> to vector<1x16xf32>
      tpu.vector_store %arg9[%swap3A_66, %swap3A_67], %swap3A_70 {strides = array<i32>} : memref<128x128xf32, #tpu.memory_space<vmem>>, vector<1x16xf32>,
      %broadcast_in_dim3A_71 = arith.constant 0.000000e+00 : f32
      %broadcast_in_dim3A_72 = vector.broadcast %broadcast_in_dim3A_71 : f32 to vector<16xf32>
      %swap3A_73 = arith.index_cast %scan3A_58 : i32 to index
      %swap3A_74 = arith.constant 32 : index
      %swap3A_75 = tpu.vector_load %arg9[%swap3A_73, %swap3A_74] {strides = array<i32>} : memref<128x128xf32, #tpu.memory_space<vmem>>, vector<1x16xf32>,
      %swap3A_76 = vector.shape_cast %swap3A_75 : vector<1x16xf32> to vector<16xf32>
      %swap3A_77 = vector.shape_cast %broadcast_in_dim3A_72 : vector<16xf32> to vector<1x16xf32>
      tpu.vector_store %arg9[%swap3A_73, %swap3A_74], %swap3A_77 {strides = array<i32>} : memref<128x128xf32, #tpu.memory_space<vmem>>, vector<1x16xf32>,
      %broadcast_in_dim3A_78 = arith.constant 0.000000e+00 : f32
      %broadcast_in_dim3A_79 = vector.broadcast %broadcast_in_dim3A_78 : f32 to vector<16xf32>
      %swap3A_80 = arith.index_cast %scan3A_58 : i32 to index
      %swap3A_81 = arith.constant 48 : index
      %swap3A_82 = tpu.vector_load %arg9[%swap3A_80, %swap3A_81] {strides = array<i32>} : memref<128x128xf32, #tpu.memory_space<vmem>>, vector<1x16xf32>,
      %swap3A_83 = vector.shape_cast %swap3A_82 : vector<1x16xf32> to vector<16xf32>
      %swap3A_84 = vector.shape_cast %broadcast_in_dim3A_79 : vector<16xf32> to vector<1x16xf32>
      tpu.vector_store %arg9[%swap3A_80, %swap3A_81], %swap3A_84 {strides = array<i32>} : memref<128x128xf32, #tpu.memory_space<vmem>>, vector<1x16xf32>,
      %broadcast_in_dim3A_85 = arith.constant 0.000000e+00 : f32
      %broadcast_in_dim3A_86 = vector.broadcast %broadcast_in_dim3A_85 : f32 to vector<16xf32>
      %swap3A_87 = arith.index_cast %scan3A_58 : i32 to index
      %swap3A_88 = arith.constant 64 : index
      %swap3A_89 = tpu.vector_load %arg9[%swap3A_87, %swap3A_88] {strides = array<i32>} : memref<128x128xf32, #tpu.memory_space<vmem>>, vector<1x16xf32>,
      %swap3A_90 = vector.shape_cast %swap3A_89 : vector<1x16xf32> to vector<16xf32>
      %swap3A_91 = vector.shape_cast %broadcast_in_dim3A_86 : vector<16xf32> to vector<1x16xf32>
      tpu.vector_store %arg9[%swap3A_87, %swap3A_88], %swap3A_91 {strides = array<i32>} : memref<128x128xf32, #tpu.memory_space<vmem>>, vector<1x16xf32>,
      %broadcast_in_dim3A_92 = arith.constant 0.000000e+00 : f32
      %broadcast_in_dim3A_93 = vector.broadcast %broadcast_in_dim3A_92 : f32 to vector<16xf32>
      %swap3A_94 = arith.index_cast %scan3A_58 : i32 to index
      %swap3A_95 = arith.constant 80 : index
      %swap3A_96 = tpu.vector_load %arg9[%swap3A_94, %swap3A_95] {strides = array<i32>} : memref<128x128xf32, #tpu.memory_space<vmem>>, vector<1x16xf32>,
      %swap3A_97 = vector.shape_cast %swap3A_96 : vector<1x16xf32> to vector<16xf32>
      %swap3A_98 = vector.shape_cast %broadcast_in_dim3A_93 : vector<16xf32> to vector<1x16xf32>
      tpu.vector_store %arg9[%swap3A_94, %swap3A_95], %swap3A_98 {strides = array<i32>} : memref<128x128xf32, #tpu.memory_space<vmem>>, vector<1x16xf32>,
      %broadcast_in_dim3A_99 = arith.constant 0.000000e+00 : f32
      %broadcast_in_dim3A_100 = vector.broadcast %broadcast_in_dim3A_99 : f32 to vector<16xf32>
      %swap3A_101 = arith.index_cast %scan3A_58 : i32 to index
      %swap3A_102 = arith.constant 96 : index
      %swap3A_103 = tpu.vector_load %arg9[%swap3A_101, %swap3A_102] {strides = array<i32>} : memref<128x128xf32, #tpu.memory_space<vmem>>, vector<1x16xf32>,
      %swap3A_104 = vector.shape_cast %swap3A_103 : vector<1x16xf32> to vector<16xf32>
      %swap3A_105 = vector.shape_cast %broadcast_in_dim3A_100 : vector<16xf32> to vector<1x16xf32>
      tpu.vector_store %arg9[%swap3A_101, %swap3A_102], %swap3A_105 {strides = array<i32>} : memref<128x128xf32, #tpu.memory_space<vmem>>, vector<1x16xf32>,
      %broadcast_in_dim3A_106 = arith.constant 0.000000e+00 : f32
      %broadcast_in_dim3A_107 = vector.broadcast %broadcast_in_dim3A_106 : f32 to vector<16xf32>
      %swap3A_108 = arith.index_cast %scan3A_58 : i32 to index
      %swap3A_109 = arith.constant 112 : index
      %swap3A_110 = tpu.vector_load %arg9[%swap3A_108, %swap3A_109] {strides = array<i32>} : memref<128x128xf32, #tpu.memory_space<vmem>>, vector<1x16xf32>,
      %swap3A_111 = vector.shape_cast %swap3A_110 : vector<1x16xf32> to vector<16xf32>
      %swap3A_112 = vector.shape_cast %broadcast_in_dim3A_107 : vector<16xf32> to vector<1x16xf32>
      tpu.vector_store %arg9[%swap3A_108, %swap3A_109], %swap3A_112 {strides = array<i32>} : memref<128x128xf32, #tpu.memory_space<vmem>>, vector<1x16xf32>,
    }
    %scan3A_5 = arith.constant 128 : i32
    %mul3A_6 = arith.constant 640 : i32
    %mul3A_7 = arith.muli %arg1, %mul3A_6 : i32
    %add3A_8 = arith.constant 0 : i32
    %add3A_9 = arith.addi %mul3A_7, %add3A_8 : i32
    "tpu.region"() ({
      %run_scoped3A = tpu.sem_alloc : memref<!tpu.dma_semaphore, #tpu.memory_space<semaphore_mem>>
      %dma_start3A = arith.constant 0 : i32
      %dma_start3A_58 = tpu.memref_slice %arg10[%add3A_9, %dma_start3A] : memref<10240x128xf32, #tpu.memory_space<vmem_shared>> -> memref<128x128xf32, #tpu.memory_space<vmem_shared>>
      %dma_start3A_59 = arith.constant 0 : i32
      %dma_start3A_60 = tpu.memref_slice %arg10[%add3A_9, %dma_start3A_59] : memref<10240x128xf32, #tpu.memory_space<vmem_shared>> -> memref<128x128xf32, #tpu.memory_space<vmem_shared>>
      tpu.enqueue_dma source(%arg9 : memref<128x128xf32, #tpu.memory_space<vmem>>) target(%dma_start3A_60 : memref<128x128xf32, #tpu.memory_space<vmem_shared>>) target_semaphore(%run_scoped3A : memref<!tpu.dma_semaphore, #tpu.memory_space<semaphore_mem>>)
      %dma_wait3A = arith.constant 0 : i32
      %dma_wait3A_61 = tpu.memref_slice %arg10[%add3A_9, %dma_wait3A] : memref<10240x128xf32, #tpu.memory_space<vmem_shared>> -> memref<128x128xf32, #tpu.memory_space<vmem_shared>>
      %dma_wait3A_62 = arith.constant 0 : i32
      %dma_wait3A_63 = tpu.memref_slice %arg10[%add3A_9, %dma_wait3A_62] : memref<10240x128xf32, #tpu.memory_space<vmem_shared>> -> memref<128x128xf32, #tpu.memory_space<vmem_shared>>
      tpu.wait_dma2 semaphore(%run_scoped3A : memref<!tpu.dma_semaphore, #tpu.memory_space<semaphore_mem>>) src(%arg9 : memref<128x128xf32, #tpu.memory_space<vmem>>) dst(%dma_wait3A_63 : memref<128x128xf32, #tpu.memory_space<vmem_shared>>)
      tpu.yield
    }) : () -> ()
    %mul3A_10 = arith.constant 640 : i32
    %mul3A_11 = arith.muli %arg1, %mul3A_10 : i32
    %add3A_12 = arith.constant 128 : i32
    %add3A_13 = arith.addi %mul3A_11, %add3A_12 : i32
    "tpu.region"() ({
      %run_scoped3A = tpu.sem_alloc : memref<!tpu.dma_semaphore, #tpu.memory_space<semaphore_mem>>
      %dma_start3A = arith.constant 0 : i32
      %dma_start3A_58 = tpu.memref_slice %arg10[%add3A_13, %dma_start3A] : memref<10240x128xf32, #tpu.memory_space<vmem_shared>> -> memref<128x128xf32, #tpu.memory_space<vmem_shared>>
      %dma_start3A_59 = arith.constant 0 : i32
      %dma_start3A_60 = tpu.memref_slice %arg10[%add3A_13, %dma_start3A_59] : memref<10240x128xf32, #tpu.memory_space<vmem_shared>> -> memref<128x128xf32, #tpu.memory_space<vmem_shared>>
      tpu.enqueue_dma source(%arg9 : memref<128x128xf32, #tpu.memory_space<vmem>>) target(%dma_start3A_60 : memref<128x128xf32, #tpu.memory_space<vmem_shared>>) target_semaphore(%run_scoped3A : memref<!tpu.dma_semaphore, #tpu.memory_space<semaphore_mem>>)
      %dma_wait3A = arith.constant 0 : i32
      %dma_wait3A_61 = tpu.memref_slice %arg10[%add3A_13, %dma_wait3A] : memref<10240x128xf32, #tpu.memory_space<vmem_shared>> -> memref<128x128xf32, #tpu.memory_space<vmem_shared>>
      %dma_wait3A_62 = arith.constant 0 : i32
      %dma_wait3A_63 = tpu.memref_slice %arg10[%add3A_13, %dma_wait3A_62] : memref<10240x128xf32, #tpu.memory_space<vmem_shared>> -> memref<128x128xf32, #tpu.memory_space<vmem_shared>>
      tpu.wait_dma2 semaphore(%run_scoped3A : memref<!tpu.dma_semaphore, #tpu.memory_space<semaphore_mem>>) src(%arg9 : memref<128x128xf32, #tpu.memory_space<vmem>>) dst(%dma_wait3A_63 : memref<128x128xf32, #tpu.memory_space<vmem_shared>>)
      tpu.yield
    }) : () -> ()
    %mul3A_14 = arith.constant 640 : i32
    %mul3A_15 = arith.muli %arg1, %mul3A_14 : i32
    %add3A_16 = arith.constant 256 : i32
    %add3A_17 = arith.addi %mul3A_15, %add3A_16 : i32
    "tpu.region"() ({
      %run_scoped3A = tpu.sem_alloc : memref<!tpu.dma_semaphore, #tpu.memory_space<semaphore_mem>>
      %dma_start3A = arith.constant 0 : i32
      %dma_start3A_58 = tpu.memref_slice %arg10[%add3A_17, %dma_start3A] : memref<10240x128xf32, #tpu.memory_space<vmem_shared>> -> memref<128x128xf32, #tpu.memory_space<vmem_shared>>
      %dma_start3A_59 = arith.constant 0 : i32
      %dma_start3A_60 = tpu.memref_slice %arg10[%add3A_17, %dma_start3A_59] : memref<10240x128xf32, #tpu.memory_space<vmem_shared>> -> memref<128x128xf32, #tpu.memory_space<vmem_shared>>
      tpu.enqueue_dma source(%arg9 : memref<128x128xf32, #tpu.memory_space<vmem>>) target(%dma_start3A_60 : memref<128x128xf32, #tpu.memory_space<vmem_shared>>) target_semaphore(%run_scoped3A : memref<!tpu.dma_semaphore, #tpu.memory_space<semaphore_mem>>)
      %dma_wait3A = arith.constant 0 : i32
      %dma_wait3A_61 = tpu.memref_slice %arg10[%add3A_17, %dma_wait3A] : memref<10240x128xf32, #tpu.memory_space<vmem_shared>> -> memref<128x128xf32, #tpu.memory_space<vmem_shared>>
      %dma_wait3A_62 = arith.constant 0 : i32
      %dma_wait3A_63 = tpu.memref_slice %arg10[%add3A_17, %dma_wait3A_62] : memref<10240x128xf32, #tpu.memory_space<vmem_shared>> -> memref<128x128xf32, #tpu.memory_space<vmem_shared>>
      tpu.wait_dma2 semaphore(%run_scoped3A : memref<!tpu.dma_semaphore, #tpu.memory_space<semaphore_mem>>) src(%arg9 : memref<128x128xf32, #tpu.memory_space<vmem>>) dst(%dma_wait3A_63 : memref<128x128xf32, #tpu.memory_space<vmem_shared>>)
      tpu.yield
    }) : () -> ()
    %mul3A_18 = arith.constant 640 : i32
    %mul3A_19 = arith.muli %arg1, %mul3A_18 : i32
    %add3A_20 = arith.constant 384 : i32
    %add3A_21 = arith.addi %mul3A_19, %add3A_20 : i32
    "tpu.region"() ({
      %run_scoped3A = tpu.sem_alloc : memref<!tpu.dma_semaphore, #tpu.memory_space<semaphore_mem>>
      %dma_start3A = arith.constant 0 : i32
      %dma_start3A_58 = tpu.memref_slice %arg10[%add3A_21, %dma_start3A] : memref<10240x128xf32, #tpu.memory_space<vmem_shared>> -> memref<128x128xf32, #tpu.memory_space<vmem_shared>>
      %dma_start3A_59 = arith.constant 0 : i32
      %dma_start3A_60 = tpu.memref_slice %arg10[%add3A_21, %dma_start3A_59] : memref<10240x128xf32, #tpu.memory_space<vmem_shared>> -> memref<128x128xf32, #tpu.memory_space<vmem_shared>>
      tpu.enqueue_dma source(%arg9 : memref<128x128xf32, #tpu.memory_space<vmem>>) target(%dma_start3A_60 : memref<128x128xf32, #tpu.memory_space<vmem_shared>>) target_semaphore(%run_scoped3A : memref<!tpu.dma_semaphore, #tpu.memory_space<semaphore_mem>>)
      %dma_wait3A = arith.constant 0 : i32
      %dma_wait3A_61 = tpu.memref_slice %arg10[%add3A_21, %dma_wait3A] : memref<10240x128xf32, #tpu.memory_space<vmem_shared>> -> memref<128x128xf32, #tpu.memory_space<vmem_shared>>
      %dma_wait3A_62 = arith.constant 0 : i32
      %dma_wait3A_63 = tpu.memref_slice %arg10[%add3A_21, %dma_wait3A_62] : memref<10240x128xf32, #tpu.memory_space<vmem_shared>> -> memref<128x128xf32, #tpu.memory_space<vmem_shared>>
      tpu.wait_dma2 semaphore(%run_scoped3A : memref<!tpu.dma_semaphore, #tpu.memory_space<semaphore_mem>>) src(%arg9 : memref<128x128xf32, #tpu.memory_space<vmem>>) dst(%dma_wait3A_63 : memref<128x128xf32, #tpu.memory_space<vmem_shared>>)
      tpu.yield
    }) : () -> ()
    %mul3A_22 = arith.constant 640 : i32
    %mul3A_23 = arith.muli %arg1, %mul3A_22 : i32
    %add3A_24 = arith.constant 512 : i32
    %add3A_25 = arith.addi %mul3A_23, %add3A_24 : i32
    "tpu.region"() ({
      %run_scoped3A = tpu.sem_alloc : memref<!tpu.dma_semaphore, #tpu.memory_space<semaphore_mem>>
      %dma_start3A = arith.constant 0 : i32
      %dma_start3A_58 = tpu.memref_slice %arg10[%add3A_25, %dma_start3A] : memref<10240x128xf32, #tpu.memory_space<vmem_shared>> -> memref<128x128xf32, #tpu.memory_space<vmem_shared>>
      %dma_start3A_59 = arith.constant 0 : i32
      %dma_start3A_60 = tpu.memref_slice %arg10[%add3A_25, %dma_start3A_59] : memref<10240x128xf32, #tpu.memory_space<vmem_shared>> -> memref<128x128xf32, #tpu.memory_space<vmem_shared>>
      tpu.enqueue_dma source(%arg9 : memref<128x128xf32, #tpu.memory_space<vmem>>) target(%dma_start3A_60 : memref<128x128xf32, #tpu.memory_space<vmem_shared>>) target_semaphore(%run_scoped3A : memref<!tpu.dma_semaphore, #tpu.memory_space<semaphore_mem>>)
      %dma_wait3A = arith.constant 0 : i32
      %dma_wait3A_61 = tpu.memref_slice %arg10[%add3A_25, %dma_wait3A] : memref<10240x128xf32, #tpu.memory_space<vmem_shared>> -> memref<128x128xf32, #tpu.memory_space<vmem_shared>>
      %dma_wait3A_62 = arith.constant 0 : i32
      %dma_wait3A_63 = tpu.memref_slice %arg10[%add3A_25, %dma_wait3A_62] : memref<10240x128xf32, #tpu.memory_space<vmem_shared>> -> memref<128x128xf32, #tpu.memory_space<vmem_shared>>
      tpu.wait_dma2 semaphore(%run_scoped3A : memref<!tpu.dma_semaphore, #tpu.memory_space<semaphore_mem>>) src(%arg9 : memref<128x128xf32, #tpu.memory_space<vmem>>) dst(%dma_wait3A_63 : memref<128x128xf32, #tpu.memory_space<vmem_shared>>)
      tpu.yield
    }) : () -> ()
    %barrier3A = arith.constant 0 : index
    tpu.barrier barrier_id(%barrier3A)
    %lt3A = arith.constant 4 : i32
    %lt3A_26 = arith.cmpi slt, %add3A, %lt3A : i32
    %jit3A = arith.constant 79 : i32
    %jit3A_27 = arith.constant 78 : i32
    %select_n3A = arith.select %lt3A_26, %jit3A, %jit3A_27 : i32
    %while3A = arith.constant 0 : i32
    %while3A_28 = arith.constant 0 : i32
    %while3A_29 = arith.subi %select_n3A, %while3A_28 : i32
    %while3A_30 = arith.addi %while3A_28, %while3A_29 : i32
    %while3A_31 = arith.constant 1 : i32
    %while3A_32 = arith.divsi %while3A_29, %while3A_31 : i32
    %while3A_33 = arith.muli %while3A_32, %while3A_31 : i32
    %while3A_34 = arith.addi %while3A_28, %while3A_33 : i32
    %while3A_35 = arith.constant 1 : i32
    scf.for %while3A_58 = %while3A_28 to %while3A_34 step %while3A_35  : i32 {
      %mul3A_59 = arith.constant 32 : i32
      %mul3A_60 = arith.muli %while3A_58, %mul3A_59 : i32
      %add3A_61 = arith.addi %add3A, %mul3A_60 : i32
      %mul3A_62 = arith.constant 128 : i32
      %mul3A_63 = arith.muli %add3A_61, %mul3A_62 : i32
      "tpu.region"() ({
        %run_scoped3A = tpu.sem_alloc : memref<!tpu.dma_semaphore, #tpu.memory_space<semaphore_mem>>
        %dma_start3A_68 = tpu.memref_slice %arg3[%mul3A_63] : memref<320000xi32, #tpu.memory_space<hbm>> -> memref<128xi32, #tpu.memory_space<hbm>>
        %dma_start3A_69 = tpu.memref_slice %arg3[%mul3A_63] : memref<320000xi32, #tpu.memory_space<hbm>> -> memref<128xi32, #tpu.memory_space<hbm>>
        tpu.enqueue_dma source(%dma_start3A_69 : memref<128xi32, #tpu.memory_space<hbm>>) target(%arg6 : memref<128xi32, #tpu.memory_space<vmem>>) target_semaphore(%run_scoped3A : memref<!tpu.dma_semaphore, #tpu.memory_space<semaphore_mem>>)
        %dma_wait3A_70 = tpu.memref_slice %arg3[%mul3A_63] : memref<320000xi32, #tpu.memory_space<hbm>> -> memref<128xi32, #tpu.memory_space<hbm>>
        %dma_wait3A_71 = tpu.memref_slice %arg3[%mul3A_63] : memref<320000xi32, #tpu.memory_space<hbm>> -> memref<128xi32, #tpu.memory_space<hbm>>
        tpu.wait_dma2 semaphore(%run_scoped3A : memref<!tpu.dma_semaphore, #tpu.memory_space<semaphore_mem>>) src(%dma_wait3A_71 : memref<128xi32, #tpu.memory_space<hbm>>) dst(%arg6 : memref<128xi32, #tpu.memory_space<vmem>>)
        tpu.yield
      }) : () -> ()
      "tpu.region"() ({
        %run_scoped3A = tpu.sem_alloc : memref<!tpu.dma_semaphore, #tpu.memory_space<semaphore_mem>>
        %dma_start3A_68 = tpu.memref_slice %arg4[%mul3A_63] : memref<320000xi32, #tpu.memory_space<hbm>> -> memref<128xi32, #tpu.memory_space<hbm>>
        %dma_start3A_69 = tpu.memref_slice %arg4[%mul3A_63] : memref<320000xi32, #tpu.memory_space<hbm>> -> memref<128xi32, #tpu.memory_space<hbm>>
        tpu.enqueue_dma source(%dma_start3A_69 : memref<128xi32, #tpu.memory_space<hbm>>) target(%arg7 : memref<128xi32, #tpu.memory_space<vmem>>) target_semaphore(%run_scoped3A : memref<!tpu.dma_semaphore, #tpu.memory_space<semaphore_mem>>)
        %dma_wait3A_70 = tpu.memref_slice %arg4[%mul3A_63] : memref<320000xi32, #tpu.memory_space<hbm>> -> memref<128xi32, #tpu.memory_space<hbm>>
        %dma_wait3A_71 = tpu.memref_slice %arg4[%mul3A_63] : memref<320000xi32, #tpu.memory_space<hbm>> -> memref<128xi32, #tpu.memory_space<hbm>>
        tpu.wait_dma2 semaphore(%run_scoped3A : memref<!tpu.dma_semaphore, #tpu.memory_space<semaphore_mem>>) src(%dma_wait3A_71 : memref<128xi32, #tpu.memory_space<hbm>>) dst(%arg7 : memref<128xi32, #tpu.memory_space<vmem>>)
        tpu.yield
      }) : () -> ()
      %dma_start3A = arith.constant 0 : i32
      %dma_start3A_64 = arith.constant 0 : i32
      %dma_start3A_65 = tpu.memref_slice %arg2[%dma_start3A, %dma_start3A_64] : memref<10000x128xf32, #tpu.memory_space<hbm>> -> memref<10000x128xf32, #tpu.memory_space<hbm>>
      tpu.enqueue_indirect_dma source(%dma_start3A_65 : memref<10000x128xf32, #tpu.memory_space<hbm>>) target(%arg8 : memref<128x128xf32, #tpu.memory_space<vmem>>) offsets(%arg6 : memref<128xi32, #tpu.memory_space<vmem>>) semaphore(%arg11 : memref<!tpu.dma_semaphore, #tpu.memory_space<semaphore_mem>>)
      %dma_wait3A = arith.constant 0 : i32
      %dma_wait3A_66 = arith.constant 0 : i32
      %dma_wait3A_67 = tpu.memref_slice %arg2[%dma_wait3A, %dma_wait3A_66] : memref<10000x128xf32, #tpu.memory_space<hbm>> -> memref<10000x128xf32, #tpu.memory_space<hbm>>
      tpu.wait_indirect_dma semaphore(%arg11 : memref<!tpu.dma_semaphore, #tpu.memory_space<semaphore_mem>>) src(%dma_wait3A_67 : memref<10000x128xf32, #tpu.memory_space<hbm>>) dst(%arg8 : memref<128x128xf32, #tpu.memory_space<vmem>>)
      "tpu.region"() ({
        %run_scoped3A = tpu.sem_alloc : memref<!tpu.dma_semaphore, #tpu.memory_space<semaphore_mem>>
        %dma_start3A_68 = arith.constant 0 : i32
        %dma_start3A_69 = arith.constant 0 : i32
        %dma_start3A_70 = tpu.memref_slice %arg10[%dma_start3A_68, %dma_start3A_69] : memref<10240x128xf32, #tpu.memory_space<vmem_shared>> -> memref<10240x128xf32, #tpu.memory_space<vmem_shared>>
        tpu.enqueue_indirect_dma source(%arg8 : memref<128x128xf32, #tpu.memory_space<vmem>>) target(%dma_start3A_70 : memref<10240x128xf32, #tpu.memory_space<vmem_shared>>) offsets(%arg7 : memref<128xi32, #tpu.memory_space<vmem>>) semaphore(%run_scoped3A : memref<!tpu.dma_semaphore, #tpu.memory_space<semaphore_mem>>) {add = true}
        %dma_wait3A_71 = arith.constant 0 : i32
        %dma_wait3A_72 = arith.constant 0 : i32
        %dma_wait3A_73 = tpu.memref_slice %arg10[%dma_wait3A_71, %dma_wait3A_72] : memref<10240x128xf32, #tpu.memory_space<vmem_shared>> -> memref<10240x128xf32, #tpu.memory_space<vmem_shared>>
        tpu.wait_indirect_dma semaphore(%run_scoped3A : memref<!tpu.dma_semaphore, #tpu.memory_space<semaphore_mem>>) src(%arg8 : memref<128x128xf32, #tpu.memory_space<vmem>>) dst(%dma_wait3A_73 : memref<10240x128xf32, #tpu.memory_space<vmem_shared>>)
        tpu.yield
      }) : () -> ()
    }
    %while3A_36 = arith.constant 1 : i32
    scf.for %while3A_58 = %while3A_34 to %while3A_30 step %while3A_36  : i32 {
      %mul3A_59 = arith.constant 32 : i32
      %mul3A_60 = arith.muli %while3A_58, %mul3A_59 : i32
      %add3A_61 = arith.addi %add3A, %mul3A_60 : i32
      %mul3A_62 = arith.constant 128 : i32
      %mul3A_63 = arith.muli %add3A_61, %mul3A_62 : i32
      "tpu.region"() ({
        %run_scoped3A = tpu.sem_alloc : memref<!tpu.dma_semaphore, #tpu.memory_space<semaphore_mem>>
        %dma_start3A_68 = tpu.memref_slice %arg3[%mul3A_63] : memref<320000xi32, #tpu.memory_space<hbm>> -> memref<128xi32, #tpu.memory_space<hbm>>
        %dma_start3A_69 = tpu.memref_slice %arg3[%mul3A_63] : memref<320000xi32, #tpu.memory_space<hbm>> -> memref<128xi32, #tpu.memory_space<hbm>>
        tpu.enqueue_dma source(%dma_start3A_69 : memref<128xi32, #tpu.memory_space<hbm>>) target(%arg6 : memref<128xi32, #tpu.memory_space<vmem>>) target_semaphore(%run_scoped3A : memref<!tpu.dma_semaphore, #tpu.memory_space<semaphore_mem>>)
        %dma_wait3A_70 = tpu.memref_slice %arg3[%mul3A_63] : memref<320000xi32, #tpu.memory_space<hbm>> -> memref<128xi32, #tpu.memory_space<hbm>>
        %dma_wait3A_71 = tpu.memref_slice %arg3[%mul3A_63] : memref<320000xi32, #tpu.memory_space<hbm>> -> memref<128xi32, #tpu.memory_space<hbm>>
        tpu.wait_dma2 semaphore(%run_scoped3A : memref<!tpu.dma_semaphore, #tpu.memory_space<semaphore_mem>>) src(%dma_wait3A_71 : memref<128xi32, #tpu.memory_space<hbm>>) dst(%arg6 : memref<128xi32, #tpu.memory_space<vmem>>)
        tpu.yield
      }) : () -> ()
      "tpu.region"() ({
        %run_scoped3A = tpu.sem_alloc : memref<!tpu.dma_semaphore, #tpu.memory_space<semaphore_mem>>
        %dma_start3A_68 = tpu.memref_slice %arg4[%mul3A_63] : memref<320000xi32, #tpu.memory_space<hbm>> -> memref<128xi32, #tpu.memory_space<hbm>>
        %dma_start3A_69 = tpu.memref_slice %arg4[%mul3A_63] : memref<320000xi32, #tpu.memory_space<hbm>> -> memref<128xi32, #tpu.memory_space<hbm>>
        tpu.enqueue_dma source(%dma_start3A_69 : memref<128xi32, #tpu.memory_space<hbm>>) target(%arg7 : memref<128xi32, #tpu.memory_space<vmem>>) target_semaphore(%run_scoped3A : memref<!tpu.dma_semaphore, #tpu.memory_space<semaphore_mem>>)
        %dma_wait3A_70 = tpu.memref_slice %arg4[%mul3A_63] : memref<320000xi32, #tpu.memory_space<hbm>> -> memref<128xi32, #tpu.memory_space<hbm>>
        %dma_wait3A_71 = tpu.memref_slice %arg4[%mul3A_63] : memref<320000xi32, #tpu.memory_space<hbm>> -> memref<128xi32, #tpu.memory_space<hbm>>
        tpu.wait_dma2 semaphore(%run_scoped3A : memref<!tpu.dma_semaphore, #tpu.memory_space<semaphore_mem>>) src(%dma_wait3A_71 : memref<128xi32, #tpu.memory_space<hbm>>) dst(%arg7 : memref<128xi32, #tpu.memory_space<vmem>>)
        tpu.yield
      }) : () -> ()
      %dma_start3A = arith.constant 0 : i32
      %dma_start3A_64 = arith.constant 0 : i32
      %dma_start3A_65 = tpu.memref_slice %arg2[%dma_start3A, %dma_start3A_64] : memref<10000x128xf32, #tpu.memory_space<hbm>> -> memref<10000x128xf32, #tpu.memory_space<hbm>>
      tpu.enqueue_indirect_dma source(%dma_start3A_65 : memref<10000x128xf32, #tpu.memory_space<hbm>>) target(%arg8 : memref<128x128xf32, #tpu.memory_space<vmem>>) offsets(%arg6 : memref<128xi32, #tpu.memory_space<vmem>>) semaphore(%arg11 : memref<!tpu.dma_semaphore, #tpu.memory_space<semaphore_mem>>)
      %dma_wait3A = arith.constant 0 : i32
      %dma_wait3A_66 = arith.constant 0 : i32
      %dma_wait3A_67 = tpu.memref_slice %arg2[%dma_wait3A, %dma_wait3A_66] : memref<10000x128xf32, #tpu.memory_space<hbm>> -> memref<10000x128xf32, #tpu.memory_space<hbm>>
      tpu.wait_indirect_dma semaphore(%arg11 : memref<!tpu.dma_semaphore, #tpu.memory_space<semaphore_mem>>) src(%dma_wait3A_67 : memref<10000x128xf32, #tpu.memory_space<hbm>>) dst(%arg8 : memref<128x128xf32, #tpu.memory_space<vmem>>)
      "tpu.region"() ({
        %run_scoped3A = tpu.sem_alloc : memref<!tpu.dma_semaphore, #tpu.memory_space<semaphore_mem>>
        %dma_start3A_68 = arith.constant 0 : i32
        %dma_start3A_69 = arith.constant 0 : i32
        %dma_start3A_70 = tpu.memref_slice %arg10[%dma_start3A_68, %dma_start3A_69] : memref<10240x128xf32, #tpu.memory_space<vmem_shared>> -> memref<10240x128xf32, #tpu.memory_space<vmem_shared>>
        tpu.enqueue_indirect_dma source(%arg8 : memref<128x128xf32, #tpu.memory_space<vmem>>) target(%dma_start3A_70 : memref<10240x128xf32, #tpu.memory_space<vmem_shared>>) offsets(%arg7 : memref<128xi32, #tpu.memory_space<vmem>>) semaphore(%run_scoped3A : memref<!tpu.dma_semaphore, #tpu.memory_space<semaphore_mem>>) {add = true}
        %dma_wait3A_71 = arith.constant 0 : i32
        %dma_wait3A_72 = arith.constant 0 : i32
        %dma_wait3A_73 = tpu.memref_slice %arg10[%dma_wait3A_71, %dma_wait3A_72] : memref<10240x128xf32, #tpu.memory_space<vmem_shared>> -> memref<10240x128xf32, #tpu.memory_space<vmem_shared>>
        tpu.wait_indirect_dma semaphore(%run_scoped3A : memref<!tpu.dma_semaphore, #tpu.memory_space<semaphore_mem>>) src(%arg8 : memref<128x128xf32, #tpu.memory_space<vmem>>) dst(%dma_wait3A_73 : memref<10240x128xf32, #tpu.memory_space<vmem_shared>>)
        tpu.yield
      }) : () -> ()
    }
    %barrier3A_37 = arith.constant 0 : index
    tpu.barrier barrier_id(%barrier3A_37)
    %mul3A_38 = arith.constant 640 : i32
    %mul3A_39 = arith.muli %arg1, %mul3A_38 : i32
    %add3A_40 = arith.constant 0 : i32
    %add3A_41 = arith.addi %mul3A_39, %add3A_40 : i32
    "tpu.region"() ({
      %run_scoped3A = tpu.sem_alloc : memref<!tpu.dma_semaphore, #tpu.memory_space<semaphore_mem>>
      %dma_start3A = arith.constant 0 : i32
      %dma_start3A_58 = arith.constant 0 : i32
      %dma_start3A_59 = tpu.memref_slice %arg5[%arg0, %dma_start3A, %dma_start3A_58] : memref<2x10240x128xf32, #tpu.memory_space<hbm>> -> memref<1x10240x128xf32, #tpu.memory_space<hbm>>
      %dma_start3A_60 = tpu.memref_squeeze %dma_start3A_59 : memref<1x10240x128xf32, #tpu.memory_space<hbm>> -> memref<10240x128xf32, #tpu.memory_space<hbm>>
      %dma_start3A_61 = arith.constant 0 : i32
      %dma_start3A_62 = tpu.memref_slice %dma_start3A_60[%add3A_41, %dma_start3A_61] : memref<10240x128xf32, #tpu.memory_space<hbm>> -> memref<128x128xf32, #tpu.memory_space<hbm>>
      %dma_start3A_63 = arith.constant 0 : i32
      %dma_start3A_64 = tpu.memref_slice %arg10[%add3A_41, %dma_start3A_63] : memref<10240x128xf32, #tpu.memory_space<vmem_shared>> -> memref<128x128xf32, #tpu.memory_space<vmem_shared>>
      tpu.enqueue_dma source(%dma_start3A_64 : memref<128x128xf32, #tpu.memory_space<vmem_shared>>) target(%dma_start3A_62 : memref<128x128xf32, #tpu.memory_space<hbm>>) target_semaphore(%run_scoped3A : memref<!tpu.dma_semaphore, #tpu.memory_space<semaphore_mem>>)
      %dma_wait3A = arith.constant 0 : i32
      %dma_wait3A_65 = arith.constant 0 : i32
      %dma_wait3A_66 = tpu.memref_slice %arg5[%arg0, %dma_wait3A, %dma_wait3A_65] : memref<2x10240x128xf32, #tpu.memory_space<hbm>> -> memref<1x10240x128xf32, #tpu.memory_space<hbm>>
      %dma_wait3A_67 = tpu.memref_squeeze %dma_wait3A_66 : memref<1x10240x128xf32, #tpu.memory_space<hbm>> -> memref<10240x128xf32, #tpu.memory_space<hbm>>
      %dma_wait3A_68 = arith.constant 0 : i32
      %dma_wait3A_69 = tpu.memref_slice %dma_wait3A_67[%add3A_41, %dma_wait3A_68] : memref<10240x128xf32, #tpu.memory_space<hbm>> -> memref<128x128xf32, #tpu.memory_space<hbm>>
      %dma_wait3A_70 = arith.constant 0 : i32
      %dma_wait3A_71 = tpu.memref_slice %arg10[%add3A_41, %dma_wait3A_70] : memref<10240x128xf32, #tpu.memory_space<vmem_shared>> -> memref<128x128xf32, #tpu.memory_space<vmem_shared>>
      tpu.wait_dma2 semaphore(%run_scoped3A : memref<!tpu.dma_semaphore, #tpu.memory_space<semaphore_mem>>) src(%dma_wait3A_71 : memref<128x128xf32, #tpu.memory_space<vmem_shared>>) dst(%dma_wait3A_69 : memref<128x128xf32, #tpu.memory_space<hbm>>)
      tpu.yield
    }) : () -> ()
    %mul3A_42 = arith.constant 640 : i32
    %mul3A_43 = arith.muli %arg1, %mul3A_42 : i32
    %add3A_44 = arith.constant 128 : i32
    %add3A_45 = arith.addi %mul3A_43, %add3A_44 : i32
    "tpu.region"() ({
      %run_scoped3A = tpu.sem_alloc : memref<!tpu.dma_semaphore, #tpu.memory_space<semaphore_mem>>
      %dma_start3A = arith.constant 0 : i32
      %dma_start3A_58 = arith.constant 0 : i32
      %dma_start3A_59 = tpu.memref_slice %arg5[%arg0, %dma_start3A, %dma_start3A_58] : memref<2x10240x128xf32, #tpu.memory_space<hbm>> -> memref<1x10240x128xf32, #tpu.memory_space<hbm>>
      %dma_start3A_60 = tpu.memref_squeeze %dma_start3A_59 : memref<1x10240x128xf32, #tpu.memory_space<hbm>> -> memref<10240x128xf32, #tpu.memory_space<hbm>>
      %dma_start3A_61 = arith.constant 0 : i32
      %dma_start3A_62 = tpu.memref_slice %dma_start3A_60[%add3A_45, %dma_start3A_61] : memref<10240x128xf32, #tpu.memory_space<hbm>> -> memref<128x128xf32, #tpu.memory_space<hbm>>
      %dma_start3A_63 = arith.constant 0 : i32
      %dma_start3A_64 = tpu.memref_slice %arg10[%add3A_45, %dma_start3A_63] : memref<10240x128xf32, #tpu.memory_space<vmem_shared>> -> memref<128x128xf32, #tpu.memory_space<vmem_shared>>
      tpu.enqueue_dma source(%dma_start3A_64 : memref<128x128xf32, #tpu.memory_space<vmem_shared>>) target(%dma_start3A_62 : memref<128x128xf32, #tpu.memory_space<hbm>>) target_semaphore(%run_scoped3A : memref<!tpu.dma_semaphore, #tpu.memory_space<semaphore_mem>>)
      %dma_wait3A = arith.constant 0 : i32
      %dma_wait3A_65 = arith.constant 0 : i32
      %dma_wait3A_66 = tpu.memref_slice %arg5[%arg0, %dma_wait3A, %dma_wait3A_65] : memref<2x10240x128xf32, #tpu.memory_space<hbm>> -> memref<1x10240x128xf32, #tpu.memory_space<hbm>>
      %dma_wait3A_67 = tpu.memref_squeeze %dma_wait3A_66 : memref<1x10240x128xf32, #tpu.memory_space<hbm>> -> memref<10240x128xf32, #tpu.memory_space<hbm>>
      %dma_wait3A_68 = arith.constant 0 : i32
      %dma_wait3A_69 = tpu.memref_slice %dma_wait3A_67[%add3A_45, %dma_wait3A_68] : memref<10240x128xf32, #tpu.memory_space<hbm>> -> memref<128x128xf32, #tpu.memory_space<hbm>>
      %dma_wait3A_70 = arith.constant 0 : i32
      %dma_wait3A_71 = tpu.memref_slice %arg10[%add3A_45, %dma_wait3A_70] : memref<10240x128xf32, #tpu.memory_space<vmem_shared>> -> memref<128x128xf32, #tpu.memory_space<vmem_shared>>
      tpu.wait_dma2 semaphore(%run_scoped3A : memref<!tpu.dma_semaphore, #tpu.memory_space<semaphore_mem>>) src(%dma_wait3A_71 : memref<128x128xf32, #tpu.memory_space<vmem_shared>>) dst(%dma_wait3A_69 : memref<128x128xf32, #tpu.memory_space<hbm>>)
      tpu.yield
    }) : () -> ()
    %mul3A_46 = arith.constant 640 : i32
    %mul3A_47 = arith.muli %arg1, %mul3A_46 : i32
    %add3A_48 = arith.constant 256 : i32
    %add3A_49 = arith.addi %mul3A_47, %add3A_48 : i32
    "tpu.region"() ({
      %run_scoped3A = tpu.sem_alloc : memref<!tpu.dma_semaphore, #tpu.memory_space<semaphore_mem>>
      %dma_start3A = arith.constant 0 : i32
      %dma_start3A_58 = arith.constant 0 : i32
      %dma_start3A_59 = tpu.memref_slice %arg5[%arg0, %dma_start3A, %dma_start3A_58] : memref<2x10240x128xf32, #tpu.memory_space<hbm>> -> memref<1x10240x128xf32, #tpu.memory_space<hbm>>
      %dma_start3A_60 = tpu.memref_squeeze %dma_start3A_59 : memref<1x10240x128xf32, #tpu.memory_space<hbm>> -> memref<10240x128xf32, #tpu.memory_space<hbm>>
      %dma_start3A_61 = arith.constant 0 : i32
      %dma_start3A_62 = tpu.memref_slice %dma_start3A_60[%add3A_49, %dma_start3A_61] : memref<10240x128xf32, #tpu.memory_space<hbm>> -> memref<128x128xf32, #tpu.memory_space<hbm>>
      %dma_start3A_63 = arith.constant 0 : i32
      %dma_start3A_64 = tpu.memref_slice %arg10[%add3A_49, %dma_start3A_63] : memref<10240x128xf32, #tpu.memory_space<vmem_shared>> -> memref<128x128xf32, #tpu.memory_space<vmem_shared>>
      tpu.enqueue_dma source(%dma_start3A_64 : memref<128x128xf32, #tpu.memory_space<vmem_shared>>) target(%dma_start3A_62 : memref<128x128xf32, #tpu.memory_space<hbm>>) target_semaphore(%run_scoped3A : memref<!tpu.dma_semaphore, #tpu.memory_space<semaphore_mem>>)
      %dma_wait3A = arith.constant 0 : i32
      %dma_wait3A_65 = arith.constant 0 : i32
      %dma_wait3A_66 = tpu.memref_slice %arg5[%arg0, %dma_wait3A, %dma_wait3A_65] : memref<2x10240x128xf32, #tpu.memory_space<hbm>> -> memref<1x10240x128xf32, #tpu.memory_space<hbm>>
      %dma_wait3A_67 = tpu.memref_squeeze %dma_wait3A_66 : memref<1x10240x128xf32, #tpu.memory_space<hbm>> -> memref<10240x128xf32, #tpu.memory_space<hbm>>
      %dma_wait3A_68 = arith.constant 0 : i32
      %dma_wait3A_69 = tpu.memref_slice %dma_wait3A_67[%add3A_49, %dma_wait3A_68] : memref<10240x128xf32, #tpu.memory_space<hbm>> -> memref<128x128xf32, #tpu.memory_space<hbm>>
      %dma_wait3A_70 = arith.constant 0 : i32
      %dma_wait3A_71 = tpu.memref_slice %arg10[%add3A_49, %dma_wait3A_70] : memref<10240x128xf32, #tpu.memory_space<vmem_shared>> -> memref<128x128xf32, #tpu.memory_space<vmem_shared>>
      tpu.wait_dma2 semaphore(%run_scoped3A : memref<!tpu.dma_semaphore, #tpu.memory_space<semaphore_mem>>) src(%dma_wait3A_71 : memref<128x128xf32, #tpu.memory_space<vmem_shared>>) dst(%dma_wait3A_69 : memref<128x128xf32, #tpu.memory_space<hbm>>)
      tpu.yield
    }) : () -> ()
    %mul3A_50 = arith.constant 640 : i32
    %mul3A_51 = arith.muli %arg1, %mul3A_50 : i32
    %add3A_52 = arith.constant 384 : i32
    %add3A_53 = arith.addi %mul3A_51, %add3A_52 : i32
    "tpu.region"() ({
      %run_scoped3A = tpu.sem_alloc : memref<!tpu.dma_semaphore, #tpu.memory_space<semaphore_mem>>
      %dma_start3A = arith.constant 0 : i32
      %dma_start3A_58 = arith.constant 0 : i32
      %dma_start3A_59 = tpu.memref_slice %arg5[%arg0, %dma_start3A, %dma_start3A_58] : memref<2x10240x128xf32, #tpu.memory_space<hbm>> -> memref<1x10240x128xf32, #tpu.memory_space<hbm>>
      %dma_start3A_60 = tpu.memref_squeeze %dma_start3A_59 : memref<1x10240x128xf32, #tpu.memory_space<hbm>> -> memref<10240x128xf32, #tpu.memory_space<hbm>>
      %dma_start3A_61 = arith.constant 0 : i32
      %dma_start3A_62 = tpu.memref_slice %dma_start3A_60[%add3A_53, %dma_start3A_61] : memref<10240x128xf32, #tpu.memory_space<hbm>> -> memref<128x128xf32, #tpu.memory_space<hbm>>
      %dma_start3A_63 = arith.constant 0 : i32
      %dma_start3A_64 = tpu.memref_slice %arg10[%add3A_53, %dma_start3A_63] : memref<10240x128xf32, #tpu.memory_space<vmem_shared>> -> memref<128x128xf32, #tpu.memory_space<vmem_shared>>
      tpu.enqueue_dma source(%dma_start3A_64 : memref<128x128xf32, #tpu.memory_space<vmem_shared>>) target(%dma_start3A_62 : memref<128x128xf32, #tpu.memory_space<hbm>>) target_semaphore(%run_scoped3A : memref<!tpu.dma_semaphore, #tpu.memory_space<semaphore_mem>>)
      %dma_wait3A = arith.constant 0 : i32
      %dma_wait3A_65 = arith.constant 0 : i32
      %dma_wait3A_66 = tpu.memref_slice %arg5[%arg0, %dma_wait3A, %dma_wait3A_65] : memref<2x10240x128xf32, #tpu.memory_space<hbm>> -> memref<1x10240x128xf32, #tpu.memory_space<hbm>>
      %dma_wait3A_67 = tpu.memref_squeeze %dma_wait3A_66 : memref<1x10240x128xf32, #tpu.memory_space<hbm>> -> memref<10240x128xf32, #tpu.memory_space<hbm>>
      %dma_wait3A_68 = arith.constant 0 : i32
      %dma_wait3A_69 = tpu.memref_slice %dma_wait3A_67[%add3A_53, %dma_wait3A_68] : memref<10240x128xf32, #tpu.memory_space<hbm>> -> memref<128x128xf32, #tpu.memory_space<hbm>>
      %dma_wait3A_70 = arith.constant 0 : i32
      %dma_wait3A_71 = tpu.memref_slice %arg10[%add3A_53, %dma_wait3A_70] : memref<10240x128xf32, #tpu.memory_space<vmem_shared>> -> memref<128x128xf32, #tpu.memory_space<vmem_shared>>
      tpu.wait_dma2 semaphore(%run_scoped3A : memref<!tpu.dma_semaphore, #tpu.memory_space<semaphore_mem>>) src(%dma_wait3A_71 : memref<128x128xf32, #tpu.memory_space<vmem_shared>>) dst(%dma_wait3A_69 : memref<128x128xf32, #tpu.memory_space<hbm>>)
      tpu.yield
    }) : () -> ()
    %mul3A_54 = arith.constant 640 : i32
    %mul3A_55 = arith.muli %arg1, %mul3A_54 : i32
    %add3A_56 = arith.constant 512 : i32
    %add3A_57 = arith.addi %mul3A_55, %add3A_56 : i32
    "tpu.region"() ({
      %run_scoped3A = tpu.sem_alloc : memref<!tpu.dma_semaphore, #tpu.memory_space<semaphore_mem>>
      %dma_start3A = arith.constant 0 : i32
      %dma_start3A_58 = arith.constant 0 : i32
      %dma_start3A_59 = tpu.memref_slice %arg5[%arg0, %dma_start3A, %dma_start3A_58] : memref<2x10240x128xf32, #tpu.memory_space<hbm>> -> memref<1x10240x128xf32, #tpu.memory_space<hbm>>
      %dma_start3A_60 = tpu.memref_squeeze %dma_start3A_59 : memref<1x10240x128xf32, #tpu.memory_space<hbm>> -> memref<10240x128xf32, #tpu.memory_space<hbm>>
      %dma_start3A_61 = arith.constant 0 : i32
      %dma_start3A_62 = tpu.memref_slice %dma_start3A_60[%add3A_57, %dma_start3A_61] : memref<10240x128xf32, #tpu.memory_space<hbm>> -> memref<128x128xf32, #tpu.memory_space<hbm>>
      %dma_start3A_63 = arith.constant 0 : i32
      %dma_start3A_64 = tpu.memref_slice %arg10[%add3A_57, %dma_start3A_63] : memref<10240x128xf32, #tpu.memory_space<vmem_shared>> -> memref<128x128xf32, #tpu.memory_space<vmem_shared>>
      tpu.enqueue_dma source(%dma_start3A_64 : memref<128x128xf32, #tpu.memory_space<vmem_shared>>) target(%dma_start3A_62 : memref<128x128xf32, #tpu.memory_space<hbm>>) target_semaphore(%run_scoped3A : memref<!tpu.dma_semaphore, #tpu.memory_space<semaphore_mem>>)
      %dma_wait3A = arith.constant 0 : i32
      %dma_wait3A_65 = arith.constant 0 : i32
      %dma_wait3A_66 = tpu.memref_slice %arg5[%arg0, %dma_wait3A, %dma_wait3A_65] : memref<2x10240x128xf32, #tpu.memory_space<hbm>> -> memref<1x10240x128xf32, #tpu.memory_space<hbm>>
      %dma_wait3A_67 = tpu.memref_squeeze %dma_wait3A_66 : memref<1x10240x128xf32, #tpu.memory_space<hbm>> -> memref<10240x128xf32, #tpu.memory_space<hbm>>
      %dma_wait3A_68 = arith.constant 0 : i32
      %dma_wait3A_69 = tpu.memref_slice %dma_wait3A_67[%add3A_57, %dma_wait3A_68] : memref<10240x128xf32, #tpu.memory_space<hbm>> -> memref<128x128xf32, #tpu.memory_space<hbm>>
      %dma_wait3A_70 = arith.constant 0 : i32
      %dma_wait3A_71 = tpu.memref_slice %arg10[%add3A_57, %dma_wait3A_70] : memref<10240x128xf32, #tpu.memory_space<vmem_shared>> -> memref<128x128xf32, #tpu.memory_space<vmem_shared>>
      tpu.wait_dma2 semaphore(%run_scoped3A : memref<!tpu.dma_semaphore, #tpu.memory_space<semaphore_mem>>) src(%dma_wait3A_71 : memref<128x128xf32, #tpu.memory_space<vmem_shared>>) dst(%dma_wait3A_69 : memref<128x128xf32, #tpu.memory_space<hbm>>)
      tpu.yield
    }) : () -> ()
    return
  }
}

#map = affine_map<(d0, d1) -> (0)>
#map1 = affine_map<(d0, d1) -> (0, 0)>
module attributes {stable_mosaic.version = 14 : i64} {
  func.func @_sc_degree(%arg0: i32, %arg1: i32, %arg2: memref<320000xi32, #tpu.memory_space<hbm>>, %arg3: memref<2x10240xf32, #tpu.memory_space<hbm>>, %arg4: memref<128xi32, #tpu.memory_space<vmem>>, %arg5: memref<128xf32, #tpu.memory_space<vmem>>, %arg6: memref<640xf32, #tpu.memory_space<vmem>>, %arg7: memref<10240xf32, #tpu.memory_space<vmem_shared>>) attributes {dimension_semantics = [#tpu.dimension_semantics<core_parallel>, #tpu.dimension_semantics<subcore_parallel>], iteration_bounds = array<i64: 2, 16>, scalar_prefetch = 0 : i64, scratch_operands = 4 : i64, tpu.core_type = #tpu.core_type<sc_vector_subcore>, window_params = [{transform_indices = #map}, {transform_indices = #map1}]} {
    %mul3A = arith.constant 2 : i32
    %mul3A_0 = arith.muli %arg1, %mul3A : i32
    %add3A = arith.addi %mul3A_0, %arg0 : i32
    %broadcast_in_dim3A = arith.constant 1.000000e+00 : f32
    %broadcast_in_dim3A_1 = vector.broadcast %broadcast_in_dim3A : f32 to vector<16xf32>
    %swap3A = arith.constant 0 : index
    %swap3A_2 = tpu.vector_load %arg5[%swap3A] {strides = array<i32>} : memref<128xf32, #tpu.memory_space<vmem>>, vector<16xf32>,
    %swap3A_3 = vector.shape_cast %swap3A_2 : vector<16xf32> to vector<16xf32>
    %swap3A_4 = vector.shape_cast %broadcast_in_dim3A_1 : vector<16xf32> to vector<16xf32>
    tpu.vector_store %arg5[%swap3A], %swap3A_4 {strides = array<i32>} : memref<128xf32, #tpu.memory_space<vmem>>, vector<16xf32>,
    %broadcast_in_dim3A_5 = arith.constant 1.000000e+00 : f32
    %broadcast_in_dim3A_6 = vector.broadcast %broadcast_in_dim3A_5 : f32 to vector<16xf32>
    %swap3A_7 = arith.constant 16 : index
    %swap3A_8 = tpu.vector_load %arg5[%swap3A_7] {strides = array<i32>} : memref<128xf32, #tpu.memory_space<vmem>>, vector<16xf32>,
    %swap3A_9 = vector.shape_cast %swap3A_8 : vector<16xf32> to vector<16xf32>
    %swap3A_10 = vector.shape_cast %broadcast_in_dim3A_6 : vector<16xf32> to vector<16xf32>
    tpu.vector_store %arg5[%swap3A_7], %swap3A_10 {strides = array<i32>} : memref<128xf32, #tpu.memory_space<vmem>>, vector<16xf32>,
    %broadcast_in_dim3A_11 = arith.constant 1.000000e+00 : f32
    %broadcast_in_dim3A_12 = vector.broadcast %broadcast_in_dim3A_11 : f32 to vector<16xf32>
    %swap3A_13 = arith.constant 32 : index
    %swap3A_14 = tpu.vector_load %arg5[%swap3A_13] {strides = array<i32>} : memref<128xf32, #tpu.memory_space<vmem>>, vector<16xf32>,
    %swap3A_15 = vector.shape_cast %swap3A_14 : vector<16xf32> to vector<16xf32>
    %swap3A_16 = vector.shape_cast %broadcast_in_dim3A_12 : vector<16xf32> to vector<16xf32>
    tpu.vector_store %arg5[%swap3A_13], %swap3A_16 {strides = array<i32>} : memref<128xf32, #tpu.memory_space<vmem>>, vector<16xf32>,
    %broadcast_in_dim3A_17 = arith.constant 1.000000e+00 : f32
    %broadcast_in_dim3A_18 = vector.broadcast %broadcast_in_dim3A_17 : f32 to vector<16xf32>
    %swap3A_19 = arith.constant 48 : index
    %swap3A_20 = tpu.vector_load %arg5[%swap3A_19] {strides = array<i32>} : memref<128xf32, #tpu.memory_space<vmem>>, vector<16xf32>,
    %swap3A_21 = vector.shape_cast %swap3A_20 : vector<16xf32> to vector<16xf32>
    %swap3A_22 = vector.shape_cast %broadcast_in_dim3A_18 : vector<16xf32> to vector<16xf32>
    tpu.vector_store %arg5[%swap3A_19], %swap3A_22 {strides = array<i32>} : memref<128xf32, #tpu.memory_space<vmem>>, vector<16xf32>,
    %broadcast_in_dim3A_23 = arith.constant 1.000000e+00 : f32
    %broadcast_in_dim3A_24 = vector.broadcast %broadcast_in_dim3A_23 : f32 to vector<16xf32>
    %swap3A_25 = arith.constant 64 : index
    %swap3A_26 = tpu.vector_load %arg5[%swap3A_25] {strides = array<i32>} : memref<128xf32, #tpu.memory_space<vmem>>, vector<16xf32>,
    %swap3A_27 = vector.shape_cast %swap3A_26 : vector<16xf32> to vector<16xf32>
    %swap3A_28 = vector.shape_cast %broadcast_in_dim3A_24 : vector<16xf32> to vector<16xf32>
    tpu.vector_store %arg5[%swap3A_25], %swap3A_28 {strides = array<i32>} : memref<128xf32, #tpu.memory_space<vmem>>, vector<16xf32>,
    %broadcast_in_dim3A_29 = arith.constant 1.000000e+00 : f32
    %broadcast_in_dim3A_30 = vector.broadcast %broadcast_in_dim3A_29 : f32 to vector<16xf32>
    %swap3A_31 = arith.constant 80 : index
    %swap3A_32 = tpu.vector_load %arg5[%swap3A_31] {strides = array<i32>} : memref<128xf32, #tpu.memory_space<vmem>>, vector<16xf32>,
    %swap3A_33 = vector.shape_cast %swap3A_32 : vector<16xf32> to vector<16xf32>
    %swap3A_34 = vector.shape_cast %broadcast_in_dim3A_30 : vector<16xf32> to vector<16xf32>
    tpu.vector_store %arg5[%swap3A_31], %swap3A_34 {strides = array<i32>} : memref<128xf32, #tpu.memory_space<vmem>>, vector<16xf32>,
    %broadcast_in_dim3A_35 = arith.constant 1.000000e+00 : f32
    %broadcast_in_dim3A_36 = vector.broadcast %broadcast_in_dim3A_35 : f32 to vector<16xf32>
    %swap3A_37 = arith.constant 96 : index
    %swap3A_38 = tpu.vector_load %arg5[%swap3A_37] {strides = array<i32>} : memref<128xf32, #tpu.memory_space<vmem>>, vector<16xf32>,
    %swap3A_39 = vector.shape_cast %swap3A_38 : vector<16xf32> to vector<16xf32>
    %swap3A_40 = vector.shape_cast %broadcast_in_dim3A_36 : vector<16xf32> to vector<16xf32>
    tpu.vector_store %arg5[%swap3A_37], %swap3A_40 {strides = array<i32>} : memref<128xf32, #tpu.memory_space<vmem>>, vector<16xf32>,
    %broadcast_in_dim3A_41 = arith.constant 1.000000e+00 : f32
    %broadcast_in_dim3A_42 = vector.broadcast %broadcast_in_dim3A_41 : f32 to vector<16xf32>
    %swap3A_43 = arith.constant 112 : index
    %swap3A_44 = tpu.vector_load %arg5[%swap3A_43] {strides = array<i32>} : memref<128xf32, #tpu.memory_space<vmem>>, vector<16xf32>,
    %swap3A_45 = vector.shape_cast %swap3A_44 : vector<16xf32> to vector<16xf32>
    %swap3A_46 = vector.shape_cast %broadcast_in_dim3A_42 : vector<16xf32> to vector<16xf32>
    tpu.vector_store %arg5[%swap3A_43], %swap3A_46 {strides = array<i32>} : memref<128xf32, #tpu.memory_space<vmem>>, vector<16xf32>,
    %broadcast_in_dim3A_47 = arith.constant 0.000000e+00 : f32
    %broadcast_in_dim3A_48 = vector.broadcast %broadcast_in_dim3A_47 : f32 to vector<16xf32>
    %swap3A_49 = arith.constant 0 : index
    %swap3A_50 = tpu.vector_load %arg6[%swap3A_49] {strides = array<i32>} : memref<640xf32, #tpu.memory_space<vmem>>, vector<16xf32>,
    %swap3A_51 = vector.shape_cast %swap3A_50 : vector<16xf32> to vector<16xf32>
    %swap3A_52 = vector.shape_cast %broadcast_in_dim3A_48 : vector<16xf32> to vector<16xf32>
    tpu.vector_store %arg6[%swap3A_49], %swap3A_52 {strides = array<i32>} : memref<640xf32, #tpu.memory_space<vmem>>, vector<16xf32>,
    %broadcast_in_dim3A_53 = arith.constant 0.000000e+00 : f32
    %broadcast_in_dim3A_54 = vector.broadcast %broadcast_in_dim3A_53 : f32 to vector<16xf32>
    %swap3A_55 = arith.constant 16 : index
    %swap3A_56 = tpu.vector_load %arg6[%swap3A_55] {strides = array<i32>} : memref<640xf32, #tpu.memory_space<vmem>>, vector<16xf32>,
    %swap3A_57 = vector.shape_cast %swap3A_56 : vector<16xf32> to vector<16xf32>
    %swap3A_58 = vector.shape_cast %broadcast_in_dim3A_54 : vector<16xf32> to vector<16xf32>
    tpu.vector_store %arg6[%swap3A_55], %swap3A_58 {strides = array<i32>} : memref<640xf32, #tpu.memory_space<vmem>>, vector<16xf32>,
    %broadcast_in_dim3A_59 = arith.constant 0.000000e+00 : f32
    %broadcast_in_dim3A_60 = vector.broadcast %broadcast_in_dim3A_59 : f32 to vector<16xf32>
    %swap3A_61 = arith.constant 32 : index
    %swap3A_62 = tpu.vector_load %arg6[%swap3A_61] {strides = array<i32>} : memref<640xf32, #tpu.memory_space<vmem>>, vector<16xf32>,
    %swap3A_63 = vector.shape_cast %swap3A_62 : vector<16xf32> to vector<16xf32>
    %swap3A_64 = vector.shape_cast %broadcast_in_dim3A_60 : vector<16xf32> to vector<16xf32>
    tpu.vector_store %arg6[%swap3A_61], %swap3A_64 {strides = array<i32>} : memref<640xf32, #tpu.memory_space<vmem>>, vector<16xf32>,
    %broadcast_in_dim3A_65 = arith.constant 0.000000e+00 : f32
    %broadcast_in_dim3A_66 = vector.broadcast %broadcast_in_dim3A_65 : f32 to vector<16xf32>
    %swap3A_67 = arith.constant 48 : index
    %swap3A_68 = tpu.vector_load %arg6[%swap3A_67] {strides = array<i32>} : memref<640xf32, #tpu.memory_space<vmem>>, vector<16xf32>,
    %swap3A_69 = vector.shape_cast %swap3A_68 : vector<16xf32> to vector<16xf32>
    %swap3A_70 = vector.shape_cast %broadcast_in_dim3A_66 : vector<16xf32> to vector<16xf32>
    tpu.vector_store %arg6[%swap3A_67], %swap3A_70 {strides = array<i32>} : memref<640xf32, #tpu.memory_space<vmem>>, vector<16xf32>,
    %broadcast_in_dim3A_71 = arith.constant 0.000000e+00 : f32
    %broadcast_in_dim3A_72 = vector.broadcast %broadcast_in_dim3A_71 : f32 to vector<16xf32>
    %swap3A_73 = arith.constant 64 : index
    %swap3A_74 = tpu.vector_load %arg6[%swap3A_73] {strides = array<i32>} : memref<640xf32, #tpu.memory_space<vmem>>, vector<16xf32>,
    %swap3A_75 = vector.shape_cast %swap3A_74 : vector<16xf32> to vector<16xf32>
    %swap3A_76 = vector.shape_cast %broadcast_in_dim3A_72 : vector<16xf32> to vector<16xf32>
    tpu.vector_store %arg6[%swap3A_73], %swap3A_76 {strides = array<i32>} : memref<640xf32, #tpu.memory_space<vmem>>, vector<16xf32>,
    %broadcast_in_dim3A_77 = arith.constant 0.000000e+00 : f32
    %broadcast_in_dim3A_78 = vector.broadcast %broadcast_in_dim3A_77 : f32 to vector<16xf32>
    %swap3A_79 = arith.constant 80 : index
    %swap3A_80 = tpu.vector_load %arg6[%swap3A_79] {strides = array<i32>} : memref<640xf32, #tpu.memory_space<vmem>>, vector<16xf32>,
    %swap3A_81 = vector.shape_cast %swap3A_80 : vector<16xf32> to vector<16xf32>
    %swap3A_82 = vector.shape_cast %broadcast_in_dim3A_78 : vector<16xf32> to vector<16xf32>
    tpu.vector_store %arg6[%swap3A_79], %swap3A_82 {strides = array<i32>} : memref<640xf32, #tpu.memory_space<vmem>>, vector<16xf32>,
    %broadcast_in_dim3A_83 = arith.constant 0.000000e+00 : f32
    %broadcast_in_dim3A_84 = vector.broadcast %broadcast_in_dim3A_83 : f32 to vector<16xf32>
    %swap3A_85 = arith.constant 96 : index
    %swap3A_86 = tpu.vector_load %arg6[%swap3A_85] {strides = array<i32>} : memref<640xf32, #tpu.memory_space<vmem>>, vector<16xf32>,
    %swap3A_87 = vector.shape_cast %swap3A_86 : vector<16xf32> to vector<16xf32>
    %swap3A_88 = vector.shape_cast %broadcast_in_dim3A_84 : vector<16xf32> to vector<16xf32>
    tpu.vector_store %arg6[%swap3A_85], %swap3A_88 {strides = array<i32>} : memref<640xf32, #tpu.memory_space<vmem>>, vector<16xf32>,
    %broadcast_in_dim3A_89 = arith.constant 0.000000e+00 : f32
    %broadcast_in_dim3A_90 = vector.broadcast %broadcast_in_dim3A_89 : f32 to vector<16xf32>
    %swap3A_91 = arith.constant 112 : index
    %swap3A_92 = tpu.vector_load %arg6[%swap3A_91] {strides = array<i32>} : memref<640xf32, #tpu.memory_space<vmem>>, vector<16xf32>,
    %swap3A_93 = vector.shape_cast %swap3A_92 : vector<16xf32> to vector<16xf32>
    %swap3A_94 = vector.shape_cast %broadcast_in_dim3A_90 : vector<16xf32> to vector<16xf32>
    tpu.vector_store %arg6[%swap3A_91], %swap3A_94 {strides = array<i32>} : memref<640xf32, #tpu.memory_space<vmem>>, vector<16xf32>,
    %broadcast_in_dim3A_95 = arith.constant 0.000000e+00 : f32
    %broadcast_in_dim3A_96 = vector.broadcast %broadcast_in_dim3A_95 : f32 to vector<16xf32>
    %swap3A_97 = arith.constant 128 : index
    %swap3A_98 = tpu.vector_load %arg6[%swap3A_97] {strides = array<i32>} : memref<640xf32, #tpu.memory_space<vmem>>, vector<16xf32>,
    %swap3A_99 = vector.shape_cast %swap3A_98 : vector<16xf32> to vector<16xf32>
    %swap3A_100 = vector.shape_cast %broadcast_in_dim3A_96 : vector<16xf32> to vector<16xf32>
    tpu.vector_store %arg6[%swap3A_97], %swap3A_100 {strides = array<i32>} : memref<640xf32, #tpu.memory_space<vmem>>, vector<16xf32>,
    %broadcast_in_dim3A_101 = arith.constant 0.000000e+00 : f32
    %broadcast_in_dim3A_102 = vector.broadcast %broadcast_in_dim3A_101 : f32 to vector<16xf32>
    %swap3A_103 = arith.constant 144 : index
    %swap3A_104 = tpu.vector_load %arg6[%swap3A_103] {strides = array<i32>} : memref<640xf32, #tpu.memory_space<vmem>>, vector<16xf32>,
    %swap3A_105 = vector.shape_cast %swap3A_104 : vector<16xf32> to vector<16xf32>
    %swap3A_106 = vector.shape_cast %broadcast_in_dim3A_102 : vector<16xf32> to vector<16xf32>
    tpu.vector_store %arg6[%swap3A_103], %swap3A_106 {strides = array<i32>} : memref<640xf32, #tpu.memory_space<vmem>>, vector<16xf32>,
    %broadcast_in_dim3A_107 = arith.constant 0.000000e+00 : f32
    %broadcast_in_dim3A_108 = vector.broadcast %broadcast_in_dim3A_107 : f32 to vector<16xf32>
    %swap3A_109 = arith.constant 160 : index
    %swap3A_110 = tpu.vector_load %arg6[%swap3A_109] {strides = array<i32>} : memref<640xf32, #tpu.memory_space<vmem>>, vector<16xf32>,
    %swap3A_111 = vector.shape_cast %swap3A_110 : vector<16xf32> to vector<16xf32>
    %swap3A_112 = vector.shape_cast %broadcast_in_dim3A_108 : vector<16xf32> to vector<16xf32>
    tpu.vector_store %arg6[%swap3A_109], %swap3A_112 {strides = array<i32>} : memref<640xf32, #tpu.memory_space<vmem>>, vector<16xf32>,
    %broadcast_in_dim3A_113 = arith.constant 0.000000e+00 : f32
    %broadcast_in_dim3A_114 = vector.broadcast %broadcast_in_dim3A_113 : f32 to vector<16xf32>
    %swap3A_115 = arith.constant 176 : index
    %swap3A_116 = tpu.vector_load %arg6[%swap3A_115] {strides = array<i32>} : memref<640xf32, #tpu.memory_space<vmem>>, vector<16xf32>,
    %swap3A_117 = vector.shape_cast %swap3A_116 : vector<16xf32> to vector<16xf32>
    %swap3A_118 = vector.shape_cast %broadcast_in_dim3A_114 : vector<16xf32> to vector<16xf32>
    tpu.vector_store %arg6[%swap3A_115], %swap3A_118 {strides = array<i32>} : memref<640xf32, #tpu.memory_space<vmem>>, vector<16xf32>,
    %broadcast_in_dim3A_119 = arith.constant 0.000000e+00 : f32
    %broadcast_in_dim3A_120 = vector.broadcast %broadcast_in_dim3A_119 : f32 to vector<16xf32>
    %swap3A_121 = arith.constant 192 : index
    %swap3A_122 = tpu.vector_load %arg6[%swap3A_121] {strides = array<i32>} : memref<640xf32, #tpu.memory_space<vmem>>, vector<16xf32>,
    %swap3A_123 = vector.shape_cast %swap3A_122 : vector<16xf32> to vector<16xf32>
    %swap3A_124 = vector.shape_cast %broadcast_in_dim3A_120 : vector<16xf32> to vector<16xf32>
    tpu.vector_store %arg6[%swap3A_121], %swap3A_124 {strides = array<i32>} : memref<640xf32, #tpu.memory_space<vmem>>, vector<16xf32>,
    %broadcast_in_dim3A_125 = arith.constant 0.000000e+00 : f32
    %broadcast_in_dim3A_126 = vector.broadcast %broadcast_in_dim3A_125 : f32 to vector<16xf32>
    %swap3A_127 = arith.constant 208 : index
    %swap3A_128 = tpu.vector_load %arg6[%swap3A_127] {strides = array<i32>} : memref<640xf32, #tpu.memory_space<vmem>>, vector<16xf32>,
    %swap3A_129 = vector.shape_cast %swap3A_128 : vector<16xf32> to vector<16xf32>
    %swap3A_130 = vector.shape_cast %broadcast_in_dim3A_126 : vector<16xf32> to vector<16xf32>
    tpu.vector_store %arg6[%swap3A_127], %swap3A_130 {strides = array<i32>} : memref<640xf32, #tpu.memory_space<vmem>>, vector<16xf32>,
    %broadcast_in_dim3A_131 = arith.constant 0.000000e+00 : f32
    %broadcast_in_dim3A_132 = vector.broadcast %broadcast_in_dim3A_131 : f32 to vector<16xf32>
    %swap3A_133 = arith.constant 224 : index
    %swap3A_134 = tpu.vector_load %arg6[%swap3A_133] {strides = array<i32>} : memref<640xf32, #tpu.memory_space<vmem>>, vector<16xf32>,
    %swap3A_135 = vector.shape_cast %swap3A_134 : vector<16xf32> to vector<16xf32>
    %swap3A_136 = vector.shape_cast %broadcast_in_dim3A_132 : vector<16xf32> to vector<16xf32>
    tpu.vector_store %arg6[%swap3A_133], %swap3A_136 {strides = array<i32>} : memref<640xf32, #tpu.memory_space<vmem>>, vector<16xf32>,
    %broadcast_in_dim3A_137 = arith.constant 0.000000e+00 : f32
    %broadcast_in_dim3A_138 = vector.broadcast %broadcast_in_dim3A_137 : f32 to vector<16xf32>
    %swap3A_139 = arith.constant 240 : index
    %swap3A_140 = tpu.vector_load %arg6[%swap3A_139] {strides = array<i32>} : memref<640xf32, #tpu.memory_space<vmem>>, vector<16xf32>,
    %swap3A_141 = vector.shape_cast %swap3A_140 : vector<16xf32> to vector<16xf32>
    %swap3A_142 = vector.shape_cast %broadcast_in_dim3A_138 : vector<16xf32> to vector<16xf32>
    tpu.vector_store %arg6[%swap3A_139], %swap3A_142 {strides = array<i32>} : memref<640xf32, #tpu.memory_space<vmem>>, vector<16xf32>,
    %broadcast_in_dim3A_143 = arith.constant 0.000000e+00 : f32
    %broadcast_in_dim3A_144 = vector.broadcast %broadcast_in_dim3A_143 : f32 to vector<16xf32>
    %swap3A_145 = arith.constant 256 : index
    %swap3A_146 = tpu.vector_load %arg6[%swap3A_145] {strides = array<i32>} : memref<640xf32, #tpu.memory_space<vmem>>, vector<16xf32>,
    %swap3A_147 = vector.shape_cast %swap3A_146 : vector<16xf32> to vector<16xf32>
    %swap3A_148 = vector.shape_cast %broadcast_in_dim3A_144 : vector<16xf32> to vector<16xf32>
    tpu.vector_store %arg6[%swap3A_145], %swap3A_148 {strides = array<i32>} : memref<640xf32, #tpu.memory_space<vmem>>, vector<16xf32>,
    %broadcast_in_dim3A_149 = arith.constant 0.000000e+00 : f32
    %broadcast_in_dim3A_150 = vector.broadcast %broadcast_in_dim3A_149 : f32 to vector<16xf32>
    %swap3A_151 = arith.constant 272 : index
    %swap3A_152 = tpu.vector_load %arg6[%swap3A_151] {strides = array<i32>} : memref<640xf32, #tpu.memory_space<vmem>>, vector<16xf32>,
    %swap3A_153 = vector.shape_cast %swap3A_152 : vector<16xf32> to vector<16xf32>
    %swap3A_154 = vector.shape_cast %broadcast_in_dim3A_150 : vector<16xf32> to vector<16xf32>
    tpu.vector_store %arg6[%swap3A_151], %swap3A_154 {strides = array<i32>} : memref<640xf32, #tpu.memory_space<vmem>>, vector<16xf32>,
    %broadcast_in_dim3A_155 = arith.constant 0.000000e+00 : f32
    %broadcast_in_dim3A_156 = vector.broadcast %broadcast_in_dim3A_155 : f32 to vector<16xf32>
    %swap3A_157 = arith.constant 288 : index
    %swap3A_158 = tpu.vector_load %arg6[%swap3A_157] {strides = array<i32>} : memref<640xf32, #tpu.memory_space<vmem>>, vector<16xf32>,
    %swap3A_159 = vector.shape_cast %swap3A_158 : vector<16xf32> to vector<16xf32>
    %swap3A_160 = vector.shape_cast %broadcast_in_dim3A_156 : vector<16xf32> to vector<16xf32>
    tpu.vector_store %arg6[%swap3A_157], %swap3A_160 {strides = array<i32>} : memref<640xf32, #tpu.memory_space<vmem>>, vector<16xf32>,
    %broadcast_in_dim3A_161 = arith.constant 0.000000e+00 : f32
    %broadcast_in_dim3A_162 = vector.broadcast %broadcast_in_dim3A_161 : f32 to vector<16xf32>
    %swap3A_163 = arith.constant 304 : index
    %swap3A_164 = tpu.vector_load %arg6[%swap3A_163] {strides = array<i32>} : memref<640xf32, #tpu.memory_space<vmem>>, vector<16xf32>,
    %swap3A_165 = vector.shape_cast %swap3A_164 : vector<16xf32> to vector<16xf32>
    %swap3A_166 = vector.shape_cast %broadcast_in_dim3A_162 : vector<16xf32> to vector<16xf32>
    tpu.vector_store %arg6[%swap3A_163], %swap3A_166 {strides = array<i32>} : memref<640xf32, #tpu.memory_space<vmem>>, vector<16xf32>,
    %broadcast_in_dim3A_167 = arith.constant 0.000000e+00 : f32
    %broadcast_in_dim3A_168 = vector.broadcast %broadcast_in_dim3A_167 : f32 to vector<16xf32>
    %swap3A_169 = arith.constant 320 : index
    %swap3A_170 = tpu.vector_load %arg6[%swap3A_169] {strides = array<i32>} : memref<640xf32, #tpu.memory_space<vmem>>, vector<16xf32>,
    %swap3A_171 = vector.shape_cast %swap3A_170 : vector<16xf32> to vector<16xf32>
    %swap3A_172 = vector.shape_cast %broadcast_in_dim3A_168 : vector<16xf32> to vector<16xf32>
    tpu.vector_store %arg6[%swap3A_169], %swap3A_172 {strides = array<i32>} : memref<640xf32, #tpu.memory_space<vmem>>, vector<16xf32>,
    %broadcast_in_dim3A_173 = arith.constant 0.000000e+00 : f32
    %broadcast_in_dim3A_174 = vector.broadcast %broadcast_in_dim3A_173 : f32 to vector<16xf32>
    %swap3A_175 = arith.constant 336 : index
    %swap3A_176 = tpu.vector_load %arg6[%swap3A_175] {strides = array<i32>} : memref<640xf32, #tpu.memory_space<vmem>>, vector<16xf32>,
    %swap3A_177 = vector.shape_cast %swap3A_176 : vector<16xf32> to vector<16xf32>
    %swap3A_178 = vector.shape_cast %broadcast_in_dim3A_174 : vector<16xf32> to vector<16xf32>
    tpu.vector_store %arg6[%swap3A_175], %swap3A_178 {strides = array<i32>} : memref<640xf32, #tpu.memory_space<vmem>>, vector<16xf32>,
    %broadcast_in_dim3A_179 = arith.constant 0.000000e+00 : f32
    %broadcast_in_dim3A_180 = vector.broadcast %broadcast_in_dim3A_179 : f32 to vector<16xf32>
    %swap3A_181 = arith.constant 352 : index
    %swap3A_182 = tpu.vector_load %arg6[%swap3A_181] {strides = array<i32>} : memref<640xf32, #tpu.memory_space<vmem>>, vector<16xf32>,
    %swap3A_183 = vector.shape_cast %swap3A_182 : vector<16xf32> to vector<16xf32>
    %swap3A_184 = vector.shape_cast %broadcast_in_dim3A_180 : vector<16xf32> to vector<16xf32>
    tpu.vector_store %arg6[%swap3A_181], %swap3A_184 {strides = array<i32>} : memref<640xf32, #tpu.memory_space<vmem>>, vector<16xf32>,
    %broadcast_in_dim3A_185 = arith.constant 0.000000e+00 : f32
    %broadcast_in_dim3A_186 = vector.broadcast %broadcast_in_dim3A_185 : f32 to vector<16xf32>
    %swap3A_187 = arith.constant 368 : index
    %swap3A_188 = tpu.vector_load %arg6[%swap3A_187] {strides = array<i32>} : memref<640xf32, #tpu.memory_space<vmem>>, vector<16xf32>,
    %swap3A_189 = vector.shape_cast %swap3A_188 : vector<16xf32> to vector<16xf32>
    %swap3A_190 = vector.shape_cast %broadcast_in_dim3A_186 : vector<16xf32> to vector<16xf32>
    tpu.vector_store %arg6[%swap3A_187], %swap3A_190 {strides = array<i32>} : memref<640xf32, #tpu.memory_space<vmem>>, vector<16xf32>,
    %broadcast_in_dim3A_191 = arith.constant 0.000000e+00 : f32
    %broadcast_in_dim3A_192 = vector.broadcast %broadcast_in_dim3A_191 : f32 to vector<16xf32>
    %swap3A_193 = arith.constant 384 : index
    %swap3A_194 = tpu.vector_load %arg6[%swap3A_193] {strides = array<i32>} : memref<640xf32, #tpu.memory_space<vmem>>, vector<16xf32>,
    %swap3A_195 = vector.shape_cast %swap3A_194 : vector<16xf32> to vector<16xf32>
    %swap3A_196 = vector.shape_cast %broadcast_in_dim3A_192 : vector<16xf32> to vector<16xf32>
    tpu.vector_store %arg6[%swap3A_193], %swap3A_196 {strides = array<i32>} : memref<640xf32, #tpu.memory_space<vmem>>, vector<16xf32>,
    %broadcast_in_dim3A_197 = arith.constant 0.000000e+00 : f32
    %broadcast_in_dim3A_198 = vector.broadcast %broadcast_in_dim3A_197 : f32 to vector<16xf32>
    %swap3A_199 = arith.constant 400 : index
    %swap3A_200 = tpu.vector_load %arg6[%swap3A_199] {strides = array<i32>} : memref<640xf32, #tpu.memory_space<vmem>>, vector<16xf32>,
    %swap3A_201 = vector.shape_cast %swap3A_200 : vector<16xf32> to vector<16xf32>
    %swap3A_202 = vector.shape_cast %broadcast_in_dim3A_198 : vector<16xf32> to vector<16xf32>
    tpu.vector_store %arg6[%swap3A_199], %swap3A_202 {strides = array<i32>} : memref<640xf32, #tpu.memory_space<vmem>>, vector<16xf32>,
    %broadcast_in_dim3A_203 = arith.constant 0.000000e+00 : f32
    %broadcast_in_dim3A_204 = vector.broadcast %broadcast_in_dim3A_203 : f32 to vector<16xf32>
    %swap3A_205 = arith.constant 416 : index
    %swap3A_206 = tpu.vector_load %arg6[%swap3A_205] {strides = array<i32>} : memref<640xf32, #tpu.memory_space<vmem>>, vector<16xf32>,
    %swap3A_207 = vector.shape_cast %swap3A_206 : vector<16xf32> to vector<16xf32>
    %swap3A_208 = vector.shape_cast %broadcast_in_dim3A_204 : vector<16xf32> to vector<16xf32>
    tpu.vector_store %arg6[%swap3A_205], %swap3A_208 {strides = array<i32>} : memref<640xf32, #tpu.memory_space<vmem>>, vector<16xf32>,
    %broadcast_in_dim3A_209 = arith.constant 0.000000e+00 : f32
    %broadcast_in_dim3A_210 = vector.broadcast %broadcast_in_dim3A_209 : f32 to vector<16xf32>
    %swap3A_211 = arith.constant 432 : index
    %swap3A_212 = tpu.vector_load %arg6[%swap3A_211] {strides = array<i32>} : memref<640xf32, #tpu.memory_space<vmem>>, vector<16xf32>,
    %swap3A_213 = vector.shape_cast %swap3A_212 : vector<16xf32> to vector<16xf32>
    %swap3A_214 = vector.shape_cast %broadcast_in_dim3A_210 : vector<16xf32> to vector<16xf32>
    tpu.vector_store %arg6[%swap3A_211], %swap3A_214 {strides = array<i32>} : memref<640xf32, #tpu.memory_space<vmem>>, vector<16xf32>,
    %broadcast_in_dim3A_215 = arith.constant 0.000000e+00 : f32
    %broadcast_in_dim3A_216 = vector.broadcast %broadcast_in_dim3A_215 : f32 to vector<16xf32>
    %swap3A_217 = arith.constant 448 : index
    %swap3A_218 = tpu.vector_load %arg6[%swap3A_217] {strides = array<i32>} : memref<640xf32, #tpu.memory_space<vmem>>, vector<16xf32>,
    %swap3A_219 = vector.shape_cast %swap3A_218 : vector<16xf32> to vector<16xf32>
    %swap3A_220 = vector.shape_cast %broadcast_in_dim3A_216 : vector<16xf32> to vector<16xf32>
    tpu.vector_store %arg6[%swap3A_217], %swap3A_220 {strides = array<i32>} : memref<640xf32, #tpu.memory_space<vmem>>, vector<16xf32>,
    %broadcast_in_dim3A_221 = arith.constant 0.000000e+00 : f32
    %broadcast_in_dim3A_222 = vector.broadcast %broadcast_in_dim3A_221 : f32 to vector<16xf32>
    %swap3A_223 = arith.constant 464 : index
    %swap3A_224 = tpu.vector_load %arg6[%swap3A_223] {strides = array<i32>} : memref<640xf32, #tpu.memory_space<vmem>>, vector<16xf32>,
    %swap3A_225 = vector.shape_cast %swap3A_224 : vector<16xf32> to vector<16xf32>
    %swap3A_226 = vector.shape_cast %broadcast_in_dim3A_222 : vector<16xf32> to vector<16xf32>
    tpu.vector_store %arg6[%swap3A_223], %swap3A_226 {strides = array<i32>} : memref<640xf32, #tpu.memory_space<vmem>>, vector<16xf32>,
    %broadcast_in_dim3A_227 = arith.constant 0.000000e+00 : f32
    %broadcast_in_dim3A_228 = vector.broadcast %broadcast_in_dim3A_227 : f32 to vector<16xf32>
    %swap3A_229 = arith.constant 480 : index
    %swap3A_230 = tpu.vector_load %arg6[%swap3A_229] {strides = array<i32>} : memref<640xf32, #tpu.memory_space<vmem>>, vector<16xf32>,
    %swap3A_231 = vector.shape_cast %swap3A_230 : vector<16xf32> to vector<16xf32>
    %swap3A_232 = vector.shape_cast %broadcast_in_dim3A_228 : vector<16xf32> to vector<16xf32>
    tpu.vector_store %arg6[%swap3A_229], %swap3A_232 {strides = array<i32>} : memref<640xf32, #tpu.memory_space<vmem>>, vector<16xf32>,
    %broadcast_in_dim3A_233 = arith.constant 0.000000e+00 : f32
    %broadcast_in_dim3A_234 = vector.broadcast %broadcast_in_dim3A_233 : f32 to vector<16xf32>
    %swap3A_235 = arith.constant 496 : index
    %swap3A_236 = tpu.vector_load %arg6[%swap3A_235] {strides = array<i32>} : memref<640xf32, #tpu.memory_space<vmem>>, vector<16xf32>,
    %swap3A_237 = vector.shape_cast %swap3A_236 : vector<16xf32> to vector<16xf32>
    %swap3A_238 = vector.shape_cast %broadcast_in_dim3A_234 : vector<16xf32> to vector<16xf32>
    tpu.vector_store %arg6[%swap3A_235], %swap3A_238 {strides = array<i32>} : memref<640xf32, #tpu.memory_space<vmem>>, vector<16xf32>,
    %broadcast_in_dim3A_239 = arith.constant 0.000000e+00 : f32
    %broadcast_in_dim3A_240 = vector.broadcast %broadcast_in_dim3A_239 : f32 to vector<16xf32>
    %swap3A_241 = arith.constant 512 : index
    %swap3A_242 = tpu.vector_load %arg6[%swap3A_241] {strides = array<i32>} : memref<640xf32, #tpu.memory_space<vmem>>, vector<16xf32>,
    %swap3A_243 = vector.shape_cast %swap3A_242 : vector<16xf32> to vector<16xf32>
    %swap3A_244 = vector.shape_cast %broadcast_in_dim3A_240 : vector<16xf32> to vector<16xf32>
    tpu.vector_store %arg6[%swap3A_241], %swap3A_244 {strides = array<i32>} : memref<640xf32, #tpu.memory_space<vmem>>, vector<16xf32>,
    %broadcast_in_dim3A_245 = arith.constant 0.000000e+00 : f32
    %broadcast_in_dim3A_246 = vector.broadcast %broadcast_in_dim3A_245 : f32 to vector<16xf32>
    %swap3A_247 = arith.constant 528 : index
    %swap3A_248 = tpu.vector_load %arg6[%swap3A_247] {strides = array<i32>} : memref<640xf32, #tpu.memory_space<vmem>>, vector<16xf32>,
    %swap3A_249 = vector.shape_cast %swap3A_248 : vector<16xf32> to vector<16xf32>
    %swap3A_250 = vector.shape_cast %broadcast_in_dim3A_246 : vector<16xf32> to vector<16xf32>
    tpu.vector_store %arg6[%swap3A_247], %swap3A_250 {strides = array<i32>} : memref<640xf32, #tpu.memory_space<vmem>>, vector<16xf32>,
    %broadcast_in_dim3A_251 = arith.constant 0.000000e+00 : f32
    %broadcast_in_dim3A_252 = vector.broadcast %broadcast_in_dim3A_251 : f32 to vector<16xf32>
    %swap3A_253 = arith.constant 544 : index
    %swap3A_254 = tpu.vector_load %arg6[%swap3A_253] {strides = array<i32>} : memref<640xf32, #tpu.memory_space<vmem>>, vector<16xf32>,
    %swap3A_255 = vector.shape_cast %swap3A_254 : vector<16xf32> to vector<16xf32>
    %swap3A_256 = vector.shape_cast %broadcast_in_dim3A_252 : vector<16xf32> to vector<16xf32>
    tpu.vector_store %arg6[%swap3A_253], %swap3A_256 {strides = array<i32>} : memref<640xf32, #tpu.memory_space<vmem>>, vector<16xf32>,
    %broadcast_in_dim3A_257 = arith.constant 0.000000e+00 : f32
    %broadcast_in_dim3A_258 = vector.broadcast %broadcast_in_dim3A_257 : f32 to vector<16xf32>
    %swap3A_259 = arith.constant 560 : index
    %swap3A_260 = tpu.vector_load %arg6[%swap3A_259] {strides = array<i32>} : memref<640xf32, #tpu.memory_space<vmem>>, vector<16xf32>,
    %swap3A_261 = vector.shape_cast %swap3A_260 : vector<16xf32> to vector<16xf32>
    %swap3A_262 = vector.shape_cast %broadcast_in_dim3A_258 : vector<16xf32> to vector<16xf32>
    tpu.vector_store %arg6[%swap3A_259], %swap3A_262 {strides = array<i32>} : memref<640xf32, #tpu.memory_space<vmem>>, vector<16xf32>,
    %broadcast_in_dim3A_263 = arith.constant 0.000000e+00 : f32
    %broadcast_in_dim3A_264 = vector.broadcast %broadcast_in_dim3A_263 : f32 to vector<16xf32>
    %swap3A_265 = arith.constant 576 : index
    %swap3A_266 = tpu.vector_load %arg6[%swap3A_265] {strides = array<i32>} : memref<640xf32, #tpu.memory_space<vmem>>, vector<16xf32>,
    %swap3A_267 = vector.shape_cast %swap3A_266 : vector<16xf32> to vector<16xf32>
    %swap3A_268 = vector.shape_cast %broadcast_in_dim3A_264 : vector<16xf32> to vector<16xf32>
    tpu.vector_store %arg6[%swap3A_265], %swap3A_268 {strides = array<i32>} : memref<640xf32, #tpu.memory_space<vmem>>, vector<16xf32>,
    %broadcast_in_dim3A_269 = arith.constant 0.000000e+00 : f32
    %broadcast_in_dim3A_270 = vector.broadcast %broadcast_in_dim3A_269 : f32 to vector<16xf32>
    %swap3A_271 = arith.constant 592 : index
    %swap3A_272 = tpu.vector_load %arg6[%swap3A_271] {strides = array<i32>} : memref<640xf32, #tpu.memory_space<vmem>>, vector<16xf32>,
    %swap3A_273 = vector.shape_cast %swap3A_272 : vector<16xf32> to vector<16xf32>
    %swap3A_274 = vector.shape_cast %broadcast_in_dim3A_270 : vector<16xf32> to vector<16xf32>
    tpu.vector_store %arg6[%swap3A_271], %swap3A_274 {strides = array<i32>} : memref<640xf32, #tpu.memory_space<vmem>>, vector<16xf32>,
    %broadcast_in_dim3A_275 = arith.constant 0.000000e+00 : f32
    %broadcast_in_dim3A_276 = vector.broadcast %broadcast_in_dim3A_275 : f32 to vector<16xf32>
    %swap3A_277 = arith.constant 608 : index
    %swap3A_278 = tpu.vector_load %arg6[%swap3A_277] {strides = array<i32>} : memref<640xf32, #tpu.memory_space<vmem>>, vector<16xf32>,
    %swap3A_279 = vector.shape_cast %swap3A_278 : vector<16xf32> to vector<16xf32>
    %swap3A_280 = vector.shape_cast %broadcast_in_dim3A_276 : vector<16xf32> to vector<16xf32>
    tpu.vector_store %arg6[%swap3A_277], %swap3A_280 {strides = array<i32>} : memref<640xf32, #tpu.memory_space<vmem>>, vector<16xf32>,
    %broadcast_in_dim3A_281 = arith.constant 0.000000e+00 : f32
    %broadcast_in_dim3A_282 = vector.broadcast %broadcast_in_dim3A_281 : f32 to vector<16xf32>
    %swap3A_283 = arith.constant 624 : index
    %swap3A_284 = tpu.vector_load %arg6[%swap3A_283] {strides = array<i32>} : memref<640xf32, #tpu.memory_space<vmem>>, vector<16xf32>,
    %swap3A_285 = vector.shape_cast %swap3A_284 : vector<16xf32> to vector<16xf32>
    %swap3A_286 = vector.shape_cast %broadcast_in_dim3A_282 : vector<16xf32> to vector<16xf32>
    tpu.vector_store %arg6[%swap3A_283], %swap3A_286 {strides = array<i32>} : memref<640xf32, #tpu.memory_space<vmem>>, vector<16xf32>,
    %mul3A_287 = arith.constant 640 : i32
    %mul3A_288 = arith.muli %arg1, %mul3A_287 : i32
    "tpu.region"() ({
      %run_scoped3A = tpu.sem_alloc : memref<!tpu.dma_semaphore, #tpu.memory_space<semaphore_mem>>
      %dma_start3A = tpu.memref_slice %arg7[%mul3A_288] : memref<10240xf32, #tpu.memory_space<vmem_shared>> -> memref<640xf32, #tpu.memory_space<vmem_shared>>
      %dma_start3A_305 = tpu.memref_slice %arg7[%mul3A_288] : memref<10240xf32, #tpu.memory_space<vmem_shared>> -> memref<640xf32, #tpu.memory_space<vmem_shared>>
      tpu.enqueue_dma source(%arg6 : memref<640xf32, #tpu.memory_space<vmem>>) target(%dma_start3A_305 : memref<640xf32, #tpu.memory_space<vmem_shared>>) target_semaphore(%run_scoped3A : memref<!tpu.dma_semaphore, #tpu.memory_space<semaphore_mem>>)
      %dma_wait3A = tpu.memref_slice %arg7[%mul3A_288] : memref<10240xf32, #tpu.memory_space<vmem_shared>> -> memref<640xf32, #tpu.memory_space<vmem_shared>>
      %dma_wait3A_306 = tpu.memref_slice %arg7[%mul3A_288] : memref<10240xf32, #tpu.memory_space<vmem_shared>> -> memref<640xf32, #tpu.memory_space<vmem_shared>>
      tpu.wait_dma2 semaphore(%run_scoped3A : memref<!tpu.dma_semaphore, #tpu.memory_space<semaphore_mem>>) src(%arg6 : memref<640xf32, #tpu.memory_space<vmem>>) dst(%dma_wait3A_306 : memref<640xf32, #tpu.memory_space<vmem_shared>>)
      tpu.yield
    }) : () -> ()
    %barrier3A = arith.constant 0 : index
    tpu.barrier barrier_id(%barrier3A)
    %lt3A = arith.constant 4 : i32
    %lt3A_289 = arith.cmpi slt, %add3A, %lt3A : i32
    %jit3A = arith.constant 79 : i32
    %jit3A_290 = arith.constant 78 : i32
    %select_n3A = arith.select %lt3A_289, %jit3A, %jit3A_290 : i32
    %while3A = arith.constant 0 : i32
    %while3A_291 = arith.constant 0 : i32
    %while3A_292 = arith.subi %select_n3A, %while3A_291 : i32
    %while3A_293 = arith.addi %while3A_291, %while3A_292 : i32
    %while3A_294 = arith.constant 1 : i32
    %while3A_295 = arith.divsi %while3A_292, %while3A_294 : i32
    %while3A_296 = arith.muli %while3A_295, %while3A_294 : i32
    %while3A_297 = arith.addi %while3A_291, %while3A_296 : i32
    %while3A_298 = arith.constant 1 : i32
    scf.for %while3A_305 = %while3A_291 to %while3A_297 step %while3A_298  : i32 {
      %mul3A_306 = arith.constant 32 : i32
      %mul3A_307 = arith.muli %while3A_305, %mul3A_306 : i32
      %add3A_308 = arith.addi %add3A, %mul3A_307 : i32
      %mul3A_309 = arith.constant 128 : i32
      %mul3A_310 = arith.muli %add3A_308, %mul3A_309 : i32
      "tpu.region"() ({
        %run_scoped3A = tpu.sem_alloc : memref<!tpu.dma_semaphore, #tpu.memory_space<semaphore_mem>>
        %dma_start3A = tpu.memref_slice %arg2[%mul3A_310] : memref<320000xi32, #tpu.memory_space<hbm>> -> memref<128xi32, #tpu.memory_space<hbm>>
        %dma_start3A_311 = tpu.memref_slice %arg2[%mul3A_310] : memref<320000xi32, #tpu.memory_space<hbm>> -> memref<128xi32, #tpu.memory_space<hbm>>
        tpu.enqueue_dma source(%dma_start3A_311 : memref<128xi32, #tpu.memory_space<hbm>>) target(%arg4 : memref<128xi32, #tpu.memory_space<vmem>>) target_semaphore(%run_scoped3A : memref<!tpu.dma_semaphore, #tpu.memory_space<semaphore_mem>>)
        %dma_wait3A = tpu.memref_slice %arg2[%mul3A_310] : memref<320000xi32, #tpu.memory_space<hbm>> -> memref<128xi32, #tpu.memory_space<hbm>>
        %dma_wait3A_312 = tpu.memref_slice %arg2[%mul3A_310] : memref<320000xi32, #tpu.memory_space<hbm>> -> memref<128xi32, #tpu.memory_space<hbm>>
        tpu.wait_dma2 semaphore(%run_scoped3A : memref<!tpu.dma_semaphore, #tpu.memory_space<semaphore_mem>>) src(%dma_wait3A_312 : memref<128xi32, #tpu.memory_space<hbm>>) dst(%arg4 : memref<128xi32, #tpu.memory_space<vmem>>)
        tpu.yield
      }) : () -> ()
      "tpu.region"() ({
        %run_scoped3A = tpu.sem_alloc : memref<!tpu.dma_semaphore, #tpu.memory_space<semaphore_mem>>
        %dma_start3A = arith.constant 0 : i32
        %dma_start3A_311 = tpu.memref_slice %arg7[%dma_start3A] : memref<10240xf32, #tpu.memory_space<vmem_shared>> -> memref<10240xf32, #tpu.memory_space<vmem_shared>>
        tpu.enqueue_indirect_dma source(%arg5 : memref<128xf32, #tpu.memory_space<vmem>>) target(%dma_start3A_311 : memref<10240xf32, #tpu.memory_space<vmem_shared>>) offsets(%arg4 : memref<128xi32, #tpu.memory_space<vmem>>) semaphore(%run_scoped3A : memref<!tpu.dma_semaphore, #tpu.memory_space<semaphore_mem>>) {add = true}
        %dma_wait3A = arith.constant 0 : i32
        %dma_wait3A_312 = tpu.memref_slice %arg7[%dma_wait3A] : memref<10240xf32, #tpu.memory_space<vmem_shared>> -> memref<10240xf32, #tpu.memory_space<vmem_shared>>
        tpu.wait_indirect_dma semaphore(%run_scoped3A : memref<!tpu.dma_semaphore, #tpu.memory_space<semaphore_mem>>) src(%arg5 : memref<128xf32, #tpu.memory_space<vmem>>) dst(%dma_wait3A_312 : memref<10240xf32, #tpu.memory_space<vmem_shared>>)
        tpu.yield
      }) : () -> ()
    }
    %while3A_299 = arith.constant 1 : i32
    scf.for %while3A_305 = %while3A_297 to %while3A_293 step %while3A_299  : i32 {
      %mul3A_306 = arith.constant 32 : i32
      %mul3A_307 = arith.muli %while3A_305, %mul3A_306 : i32
      %add3A_308 = arith.addi %add3A, %mul3A_307 : i32
      %mul3A_309 = arith.constant 128 : i32
      %mul3A_310 = arith.muli %add3A_308, %mul3A_309 : i32
      "tpu.region"() ({
        %run_scoped3A = tpu.sem_alloc : memref<!tpu.dma_semaphore, #tpu.memory_space<semaphore_mem>>
        %dma_start3A = tpu.memref_slice %arg2[%mul3A_310] : memref<320000xi32, #tpu.memory_space<hbm>> -> memref<128xi32, #tpu.memory_space<hbm>>
        %dma_start3A_311 = tpu.memref_slice %arg2[%mul3A_310] : memref<320000xi32, #tpu.memory_space<hbm>> -> memref<128xi32, #tpu.memory_space<hbm>>
        tpu.enqueue_dma source(%dma_start3A_311 : memref<128xi32, #tpu.memory_space<hbm>>) target(%arg4 : memref<128xi32, #tpu.memory_space<vmem>>) target_semaphore(%run_scoped3A : memref<!tpu.dma_semaphore, #tpu.memory_space<semaphore_mem>>)
        %dma_wait3A = tpu.memref_slice %arg2[%mul3A_310] : memref<320000xi32, #tpu.memory_space<hbm>> -> memref<128xi32, #tpu.memory_space<hbm>>
        %dma_wait3A_312 = tpu.memref_slice %arg2[%mul3A_310] : memref<320000xi32, #tpu.memory_space<hbm>> -> memref<128xi32, #tpu.memory_space<hbm>>
        tpu.wait_dma2 semaphore(%run_scoped3A : memref<!tpu.dma_semaphore, #tpu.memory_space<semaphore_mem>>) src(%dma_wait3A_312 : memref<128xi32, #tpu.memory_space<hbm>>) dst(%arg4 : memref<128xi32, #tpu.memory_space<vmem>>)
        tpu.yield
      }) : () -> ()
      "tpu.region"() ({
        %run_scoped3A = tpu.sem_alloc : memref<!tpu.dma_semaphore, #tpu.memory_space<semaphore_mem>>
        %dma_start3A = arith.constant 0 : i32
        %dma_start3A_311 = tpu.memref_slice %arg7[%dma_start3A] : memref<10240xf32, #tpu.memory_space<vmem_shared>> -> memref<10240xf32, #tpu.memory_space<vmem_shared>>
        tpu.enqueue_indirect_dma source(%arg5 : memref<128xf32, #tpu.memory_space<vmem>>) target(%dma_start3A_311 : memref<10240xf32, #tpu.memory_space<vmem_shared>>) offsets(%arg4 : memref<128xi32, #tpu.memory_space<vmem>>) semaphore(%run_scoped3A : memref<!tpu.dma_semaphore, #tpu.memory_space<semaphore_mem>>) {add = true}
        %dma_wait3A = arith.constant 0 : i32
        %dma_wait3A_312 = tpu.memref_slice %arg7[%dma_wait3A] : memref<10240xf32, #tpu.memory_space<vmem_shared>> -> memref<10240xf32, #tpu.memory_space<vmem_shared>>
        tpu.wait_indirect_dma semaphore(%run_scoped3A : memref<!tpu.dma_semaphore, #tpu.memory_space<semaphore_mem>>) src(%arg5 : memref<128xf32, #tpu.memory_space<vmem>>) dst(%dma_wait3A_312 : memref<10240xf32, #tpu.memory_space<vmem_shared>>)
        tpu.yield
      }) : () -> ()
    }
    %barrier3A_300 = arith.constant 0 : index
    tpu.barrier barrier_id(%barrier3A_300)
    %mul3A_301 = arith.constant 640 : i32
    %mul3A_302 = arith.muli %arg1, %mul3A_301 : i32
    %mul3A_303 = arith.constant 640 : i32
    %mul3A_304 = arith.muli %arg1, %mul3A_303 : i32
    "tpu.region"() ({
      %run_scoped3A = tpu.sem_alloc : memref<!tpu.dma_semaphore, #tpu.memory_space<semaphore_mem>>
      %dma_start3A = tpu.memref_slice %arg3[%arg0, %mul3A_304] : memref<2x10240xf32, #tpu.memory_space<hbm>> -> memref<1x640xf32, #tpu.memory_space<hbm>>
      %dma_start3A_305 = tpu.memref_squeeze %dma_start3A : memref<1x640xf32, #tpu.memory_space<hbm>> -> memref<640xf32, #tpu.memory_space<hbm>>
      %dma_start3A_306 = tpu.memref_slice %arg7[%mul3A_302] : memref<10240xf32, #tpu.memory_space<vmem_shared>> -> memref<640xf32, #tpu.memory_space<vmem_shared>>
      tpu.enqueue_dma source(%dma_start3A_306 : memref<640xf32, #tpu.memory_space<vmem_shared>>) target(%dma_start3A_305 : memref<640xf32, #tpu.memory_space<hbm>>) target_semaphore(%run_scoped3A : memref<!tpu.dma_semaphore, #tpu.memory_space<semaphore_mem>>)
      %dma_wait3A = tpu.memref_slice %arg3[%arg0, %mul3A_304] : memref<2x10240xf32, #tpu.memory_space<hbm>> -> memref<1x640xf32, #tpu.memory_space<hbm>>
      %dma_wait3A_307 = tpu.memref_squeeze %dma_wait3A : memref<1x640xf32, #tpu.memory_space<hbm>> -> memref<640xf32, #tpu.memory_space<hbm>>
      %dma_wait3A_308 = tpu.memref_slice %arg7[%mul3A_302] : memref<10240xf32, #tpu.memory_space<vmem_shared>> -> memref<640xf32, #tpu.memory_space<vmem_shared>>
      tpu.wait_dma2 semaphore(%run_scoped3A : memref<!tpu.dma_semaphore, #tpu.memory_space<semaphore_mem>>) src(%dma_wait3A_308 : memref<640xf32, #tpu.memory_space<vmem_shared>>) dst(%dma_wait3A_307 : memref<640xf32, #tpu.memory_space<hbm>>)
      tpu.yield
    }) : () -> ()
    return
  }
}

#map = affine_map<(d0, d1) -> (0, 0)>
#map1 = affine_map<(d0, d1) -> (0)>
#map2 = affine_map<(d0, d1) -> (0, 0, 0)>
module attributes {stable_mosaic.version = 14 : i64} {
  func.func @_sc_scatter(%arg0: i32, %arg1: i32, %arg2: memref<10000x128xf32, #tpu.memory_space<hbm>>, %arg3: memref<320000xi32, #tpu.memory_space<hbm>>, %arg4: memref<320000xi32, #tpu.memory_space<hbm>>, %arg5: memref<2x10240x128xf32, #tpu.memory_space<hbm>>, %arg6: memref<128xi32, #tpu.memory_space<vmem>>, %arg7: memref<128xi32, #tpu.memory_space<vmem>>, %arg8: memref<128x128xf32, #tpu.memory_space<vmem>>, %arg9: memref<128x128xf32, #tpu.memory_space<vmem>>, %arg10: memref<10240x128xf32, #tpu.memory_space<vmem_shared>>, %arg11: memref<!tpu.dma_semaphore, #tpu.memory_space<semaphore_mem>>) attributes {dimension_semantics = [#tpu.dimension_semantics<core_parallel>, #tpu.dimension_semantics<subcore_parallel>], iteration_bounds = array<i64: 2, 16>, scalar_prefetch = 0 : i64, scratch_operands = 6 : i64, tpu.core_type = #tpu.core_type<sc_vector_subcore>, window_params = [{transform_indices = #map}, {transform_indices = #map1}, {transform_indices = #map1}, {transform_indices = #map2}]} {
    %mul3A = arith.constant 2 : i32
    %mul3A_0 = arith.muli %arg1, %mul3A : i32
    %add3A = arith.addi %mul3A_0, %arg0 : i32
    %scan3A = arith.constant 0 : i32
    %scan3A_1 = arith.constant 0 : i32
    %scan3A_2 = arith.constant 128 : i32
    %scan3A_3 = arith.addi %scan3A_1, %scan3A_2 : i32
    %scan3A_4 = arith.constant 1 : i32
    scf.for %scan3A_58 = %scan3A_1 to %scan3A_3 step %scan3A_4  : i32 {
      %broadcast_in_dim3A = arith.constant 0.000000e+00 : f32
      %broadcast_in_dim3A_59 = vector.broadcast %broadcast_in_dim3A : f32 to vector<16xf32>
      %swap3A = arith.index_cast %scan3A_58 : i32 to index
      %swap3A_60 = arith.constant 0 : index
      %swap3A_61 = tpu.vector_load %arg9[%swap3A, %swap3A_60] {strides = array<i32>} : memref<128x128xf32, #tpu.memory_space<vmem>>, vector<1x16xf32>,
      %swap3A_62 = vector.shape_cast %swap3A_61 : vector<1x16xf32> to vector<16xf32>
      %swap3A_63 = vector.shape_cast %broadcast_in_dim3A_59 : vector<16xf32> to vector<1x16xf32>
      tpu.vector_store %arg9[%swap3A, %swap3A_60], %swap3A_63 {strides = array<i32>} : memref<128x128xf32, #tpu.memory_space<vmem>>, vector<1x16xf32>,
      %broadcast_in_dim3A_64 = arith.constant 0.000000e+00 : f32
      %broadcast_in_dim3A_65 = vector.broadcast %broadcast_in_dim3A_64 : f32 to vector<16xf32>
      %swap3A_66 = arith.index_cast %scan3A_58 : i32 to index
      %swap3A_67 = arith.constant 16 : index
      %swap3A_68 = tpu.vector_load %arg9[%swap3A_66, %swap3A_67] {strides = array<i32>} : memref<128x128xf32, #tpu.memory_space<vmem>>, vector<1x16xf32>,
      %swap3A_69 = vector.shape_cast %swap3A_68 : vector<1x16xf32> to vector<16xf32>
      %swap3A_70 = vector.shape_cast %broadcast_in_dim3A_65 : vector<16xf32> to vector<1x16xf32>
      tpu.vector_store %arg9[%swap3A_66, %swap3A_67], %swap3A_70 {strides = array<i32>} : memref<128x128xf32, #tpu.memory_space<vmem>>, vector<1x16xf32>,
      %broadcast_in_dim3A_71 = arith.constant 0.000000e+00 : f32
      %broadcast_in_dim3A_72 = vector.broadcast %broadcast_in_dim3A_71 : f32 to vector<16xf32>
      %swap3A_73 = arith.index_cast %scan3A_58 : i32 to index
      %swap3A_74 = arith.constant 32 : index
      %swap3A_75 = tpu.vector_load %arg9[%swap3A_73, %swap3A_74] {strides = array<i32>} : memref<128x128xf32, #tpu.memory_space<vmem>>, vector<1x16xf32>,
      %swap3A_76 = vector.shape_cast %swap3A_75 : vector<1x16xf32> to vector<16xf32>
      %swap3A_77 = vector.shape_cast %broadcast_in_dim3A_72 : vector<16xf32> to vector<1x16xf32>
      tpu.vector_store %arg9[%swap3A_73, %swap3A_74], %swap3A_77 {strides = array<i32>} : memref<128x128xf32, #tpu.memory_space<vmem>>, vector<1x16xf32>,
      %broadcast_in_dim3A_78 = arith.constant 0.000000e+00 : f32
      %broadcast_in_dim3A_79 = vector.broadcast %broadcast_in_dim3A_78 : f32 to vector<16xf32>
      %swap3A_80 = arith.index_cast %scan3A_58 : i32 to index
      %swap3A_81 = arith.constant 48 : index
      %swap3A_82 = tpu.vector_load %arg9[%swap3A_80, %swap3A_81] {strides = array<i32>} : memref<128x128xf32, #tpu.memory_space<vmem>>, vector<1x16xf32>,
      %swap3A_83 = vector.shape_cast %swap3A_82 : vector<1x16xf32> to vector<16xf32>
      %swap3A_84 = vector.shape_cast %broadcast_in_dim3A_79 : vector<16xf32> to vector<1x16xf32>
      tpu.vector_store %arg9[%swap3A_80, %swap3A_81], %swap3A_84 {strides = array<i32>} : memref<128x128xf32, #tpu.memory_space<vmem>>, vector<1x16xf32>,
      %broadcast_in_dim3A_85 = arith.constant 0.000000e+00 : f32
      %broadcast_in_dim3A_86 = vector.broadcast %broadcast_in_dim3A_85 : f32 to vector<16xf32>
      %swap3A_87 = arith.index_cast %scan3A_58 : i32 to index
      %swap3A_88 = arith.constant 64 : index
      %swap3A_89 = tpu.vector_load %arg9[%swap3A_87, %swap3A_88] {strides = array<i32>} : memref<128x128xf32, #tpu.memory_space<vmem>>, vector<1x16xf32>,
      %swap3A_90 = vector.shape_cast %swap3A_89 : vector<1x16xf32> to vector<16xf32>
      %swap3A_91 = vector.shape_cast %broadcast_in_dim3A_86 : vector<16xf32> to vector<1x16xf32>
      tpu.vector_store %arg9[%swap3A_87, %swap3A_88], %swap3A_91 {strides = array<i32>} : memref<128x128xf32, #tpu.memory_space<vmem>>, vector<1x16xf32>,
      %broadcast_in_dim3A_92 = arith.constant 0.000000e+00 : f32
      %broadcast_in_dim3A_93 = vector.broadcast %broadcast_in_dim3A_92 : f32 to vector<16xf32>
      %swap3A_94 = arith.index_cast %scan3A_58 : i32 to index
      %swap3A_95 = arith.constant 80 : index
      %swap3A_96 = tpu.vector_load %arg9[%swap3A_94, %swap3A_95] {strides = array<i32>} : memref<128x128xf32, #tpu.memory_space<vmem>>, vector<1x16xf32>,
      %swap3A_97 = vector.shape_cast %swap3A_96 : vector<1x16xf32> to vector<16xf32>
      %swap3A_98 = vector.shape_cast %broadcast_in_dim3A_93 : vector<16xf32> to vector<1x16xf32>
      tpu.vector_store %arg9[%swap3A_94, %swap3A_95], %swap3A_98 {strides = array<i32>} : memref<128x128xf32, #tpu.memory_space<vmem>>, vector<1x16xf32>,
      %broadcast_in_dim3A_99 = arith.constant 0.000000e+00 : f32
      %broadcast_in_dim3A_100 = vector.broadcast %broadcast_in_dim3A_99 : f32 to vector<16xf32>
      %swap3A_101 = arith.index_cast %scan3A_58 : i32 to index
      %swap3A_102 = arith.constant 96 : index
      %swap3A_103 = tpu.vector_load %arg9[%swap3A_101, %swap3A_102] {strides = array<i32>} : memref<128x128xf32, #tpu.memory_space<vmem>>, vector<1x16xf32>,
      %swap3A_104 = vector.shape_cast %swap3A_103 : vector<1x16xf32> to vector<16xf32>
      %swap3A_105 = vector.shape_cast %broadcast_in_dim3A_100 : vector<16xf32> to vector<1x16xf32>
      tpu.vector_store %arg9[%swap3A_101, %swap3A_102], %swap3A_105 {strides = array<i32>} : memref<128x128xf32, #tpu.memory_space<vmem>>, vector<1x16xf32>,
      %broadcast_in_dim3A_106 = arith.constant 0.000000e+00 : f32
      %broadcast_in_dim3A_107 = vector.broadcast %broadcast_in_dim3A_106 : f32 to vector<16xf32>
      %swap3A_108 = arith.index_cast %scan3A_58 : i32 to index
      %swap3A_109 = arith.constant 112 : index
      %swap3A_110 = tpu.vector_load %arg9[%swap3A_108, %swap3A_109] {strides = array<i32>} : memref<128x128xf32, #tpu.memory_space<vmem>>, vector<1x16xf32>,
      %swap3A_111 = vector.shape_cast %swap3A_110 : vector<1x16xf32> to vector<16xf32>
      %swap3A_112 = vector.shape_cast %broadcast_in_dim3A_107 : vector<16xf32> to vector<1x16xf32>
      tpu.vector_store %arg9[%swap3A_108, %swap3A_109], %swap3A_112 {strides = array<i32>} : memref<128x128xf32, #tpu.memory_space<vmem>>, vector<1x16xf32>,
    }
    %scan3A_5 = arith.constant 128 : i32
    %mul3A_6 = arith.constant 640 : i32
    %mul3A_7 = arith.muli %arg1, %mul3A_6 : i32
    %add3A_8 = arith.constant 0 : i32
    %add3A_9 = arith.addi %mul3A_7, %add3A_8 : i32
    "tpu.region"() ({
      %run_scoped3A = tpu.sem_alloc : memref<!tpu.dma_semaphore, #tpu.memory_space<semaphore_mem>>
      %dma_start3A = arith.constant 0 : i32
      %dma_start3A_58 = tpu.memref_slice %arg10[%add3A_9, %dma_start3A] : memref<10240x128xf32, #tpu.memory_space<vmem_shared>> -> memref<128x128xf32, #tpu.memory_space<vmem_shared>>
      %dma_start3A_59 = arith.constant 0 : i32
      %dma_start3A_60 = tpu.memref_slice %arg10[%add3A_9, %dma_start3A_59] : memref<10240x128xf32, #tpu.memory_space<vmem_shared>> -> memref<128x128xf32, #tpu.memory_space<vmem_shared>>
      tpu.enqueue_dma source(%arg9 : memref<128x128xf32, #tpu.memory_space<vmem>>) target(%dma_start3A_60 : memref<128x128xf32, #tpu.memory_space<vmem_shared>>) target_semaphore(%run_scoped3A : memref<!tpu.dma_semaphore, #tpu.memory_space<semaphore_mem>>)
      %dma_wait3A = arith.constant 0 : i32
      %dma_wait3A_61 = tpu.memref_slice %arg10[%add3A_9, %dma_wait3A] : memref<10240x128xf32, #tpu.memory_space<vmem_shared>> -> memref<128x128xf32, #tpu.memory_space<vmem_shared>>
      %dma_wait3A_62 = arith.constant 0 : i32
      %dma_wait3A_63 = tpu.memref_slice %arg10[%add3A_9, %dma_wait3A_62] : memref<10240x128xf32, #tpu.memory_space<vmem_shared>> -> memref<128x128xf32, #tpu.memory_space<vmem_shared>>
      tpu.wait_dma2 semaphore(%run_scoped3A : memref<!tpu.dma_semaphore, #tpu.memory_space<semaphore_mem>>) src(%arg9 : memref<128x128xf32, #tpu.memory_space<vmem>>) dst(%dma_wait3A_63 : memref<128x128xf32, #tpu.memory_space<vmem_shared>>)
      tpu.yield
    }) : () -> ()
    %mul3A_10 = arith.constant 640 : i32
    %mul3A_11 = arith.muli %arg1, %mul3A_10 : i32
    %add3A_12 = arith.constant 128 : i32
    %add3A_13 = arith.addi %mul3A_11, %add3A_12 : i32
    "tpu.region"() ({
      %run_scoped3A = tpu.sem_alloc : memref<!tpu.dma_semaphore, #tpu.memory_space<semaphore_mem>>
      %dma_start3A = arith.constant 0 : i32
      %dma_start3A_58 = tpu.memref_slice %arg10[%add3A_13, %dma_start3A] : memref<10240x128xf32, #tpu.memory_space<vmem_shared>> -> memref<128x128xf32, #tpu.memory_space<vmem_shared>>
      %dma_start3A_59 = arith.constant 0 : i32
      %dma_start3A_60 = tpu.memref_slice %arg10[%add3A_13, %dma_start3A_59] : memref<10240x128xf32, #tpu.memory_space<vmem_shared>> -> memref<128x128xf32, #tpu.memory_space<vmem_shared>>
      tpu.enqueue_dma source(%arg9 : memref<128x128xf32, #tpu.memory_space<vmem>>) target(%dma_start3A_60 : memref<128x128xf32, #tpu.memory_space<vmem_shared>>) target_semaphore(%run_scoped3A : memref<!tpu.dma_semaphore, #tpu.memory_space<semaphore_mem>>)
      %dma_wait3A = arith.constant 0 : i32
      %dma_wait3A_61 = tpu.memref_slice %arg10[%add3A_13, %dma_wait3A] : memref<10240x128xf32, #tpu.memory_space<vmem_shared>> -> memref<128x128xf32, #tpu.memory_space<vmem_shared>>
      %dma_wait3A_62 = arith.constant 0 : i32
      %dma_wait3A_63 = tpu.memref_slice %arg10[%add3A_13, %dma_wait3A_62] : memref<10240x128xf32, #tpu.memory_space<vmem_shared>> -> memref<128x128xf32, #tpu.memory_space<vmem_shared>>
      tpu.wait_dma2 semaphore(%run_scoped3A : memref<!tpu.dma_semaphore, #tpu.memory_space<semaphore_mem>>) src(%arg9 : memref<128x128xf32, #tpu.memory_space<vmem>>) dst(%dma_wait3A_63 : memref<128x128xf32, #tpu.memory_space<vmem_shared>>)
      tpu.yield
    }) : () -> ()
    %mul3A_14 = arith.constant 640 : i32
    %mul3A_15 = arith.muli %arg1, %mul3A_14 : i32
    %add3A_16 = arith.constant 256 : i32
    %add3A_17 = arith.addi %mul3A_15, %add3A_16 : i32
    "tpu.region"() ({
      %run_scoped3A = tpu.sem_alloc : memref<!tpu.dma_semaphore, #tpu.memory_space<semaphore_mem>>
      %dma_start3A = arith.constant 0 : i32
      %dma_start3A_58 = tpu.memref_slice %arg10[%add3A_17, %dma_start3A] : memref<10240x128xf32, #tpu.memory_space<vmem_shared>> -> memref<128x128xf32, #tpu.memory_space<vmem_shared>>
      %dma_start3A_59 = arith.constant 0 : i32
      %dma_start3A_60 = tpu.memref_slice %arg10[%add3A_17, %dma_start3A_59] : memref<10240x128xf32, #tpu.memory_space<vmem_shared>> -> memref<128x128xf32, #tpu.memory_space<vmem_shared>>
      tpu.enqueue_dma source(%arg9 : memref<128x128xf32, #tpu.memory_space<vmem>>) target(%dma_start3A_60 : memref<128x128xf32, #tpu.memory_space<vmem_shared>>) target_semaphore(%run_scoped3A : memref<!tpu.dma_semaphore, #tpu.memory_space<semaphore_mem>>)
      %dma_wait3A = arith.constant 0 : i32
      %dma_wait3A_61 = tpu.memref_slice %arg10[%add3A_17, %dma_wait3A] : memref<10240x128xf32, #tpu.memory_space<vmem_shared>> -> memref<128x128xf32, #tpu.memory_space<vmem_shared>>
      %dma_wait3A_62 = arith.constant 0 : i32
      %dma_wait3A_63 = tpu.memref_slice %arg10[%add3A_17, %dma_wait3A_62] : memref<10240x128xf32, #tpu.memory_space<vmem_shared>> -> memref<128x128xf32, #tpu.memory_space<vmem_shared>>
      tpu.wait_dma2 semaphore(%run_scoped3A : memref<!tpu.dma_semaphore, #tpu.memory_space<semaphore_mem>>) src(%arg9 : memref<128x128xf32, #tpu.memory_space<vmem>>) dst(%dma_wait3A_63 : memref<128x128xf32, #tpu.memory_space<vmem_shared>>)
      tpu.yield
    }) : () -> ()
    %mul3A_18 = arith.constant 640 : i32
    %mul3A_19 = arith.muli %arg1, %mul3A_18 : i32
    %add3A_20 = arith.constant 384 : i32
    %add3A_21 = arith.addi %mul3A_19, %add3A_20 : i32
    "tpu.region"() ({
      %run_scoped3A = tpu.sem_alloc : memref<!tpu.dma_semaphore, #tpu.memory_space<semaphore_mem>>
      %dma_start3A = arith.constant 0 : i32
      %dma_start3A_58 = tpu.memref_slice %arg10[%add3A_21, %dma_start3A] : memref<10240x128xf32, #tpu.memory_space<vmem_shared>> -> memref<128x128xf32, #tpu.memory_space<vmem_shared>>
      %dma_start3A_59 = arith.constant 0 : i32
      %dma_start3A_60 = tpu.memref_slice %arg10[%add3A_21, %dma_start3A_59] : memref<10240x128xf32, #tpu.memory_space<vmem_shared>> -> memref<128x128xf32, #tpu.memory_space<vmem_shared>>
      tpu.enqueue_dma source(%arg9 : memref<128x128xf32, #tpu.memory_space<vmem>>) target(%dma_start3A_60 : memref<128x128xf32, #tpu.memory_space<vmem_shared>>) target_semaphore(%run_scoped3A : memref<!tpu.dma_semaphore, #tpu.memory_space<semaphore_mem>>)
      %dma_wait3A = arith.constant 0 : i32
      %dma_wait3A_61 = tpu.memref_slice %arg10[%add3A_21, %dma_wait3A] : memref<10240x128xf32, #tpu.memory_space<vmem_shared>> -> memref<128x128xf32, #tpu.memory_space<vmem_shared>>
      %dma_wait3A_62 = arith.constant 0 : i32
      %dma_wait3A_63 = tpu.memref_slice %arg10[%add3A_21, %dma_wait3A_62] : memref<10240x128xf32, #tpu.memory_space<vmem_shared>> -> memref<128x128xf32, #tpu.memory_space<vmem_shared>>
      tpu.wait_dma2 semaphore(%run_scoped3A : memref<!tpu.dma_semaphore, #tpu.memory_space<semaphore_mem>>) src(%arg9 : memref<128x128xf32, #tpu.memory_space<vmem>>) dst(%dma_wait3A_63 : memref<128x128xf32, #tpu.memory_space<vmem_shared>>)
      tpu.yield
    }) : () -> ()
    %mul3A_22 = arith.constant 640 : i32
    %mul3A_23 = arith.muli %arg1, %mul3A_22 : i32
    %add3A_24 = arith.constant 512 : i32
    %add3A_25 = arith.addi %mul3A_23, %add3A_24 : i32
    "tpu.region"() ({
      %run_scoped3A = tpu.sem_alloc : memref<!tpu.dma_semaphore, #tpu.memory_space<semaphore_mem>>
      %dma_start3A = arith.constant 0 : i32
      %dma_start3A_58 = tpu.memref_slice %arg10[%add3A_25, %dma_start3A] : memref<10240x128xf32, #tpu.memory_space<vmem_shared>> -> memref<128x128xf32, #tpu.memory_space<vmem_shared>>
      %dma_start3A_59 = arith.constant 0 : i32
      %dma_start3A_60 = tpu.memref_slice %arg10[%add3A_25, %dma_start3A_59] : memref<10240x128xf32, #tpu.memory_space<vmem_shared>> -> memref<128x128xf32, #tpu.memory_space<vmem_shared>>
      tpu.enqueue_dma source(%arg9 : memref<128x128xf32, #tpu.memory_space<vmem>>) target(%dma_start3A_60 : memref<128x128xf32, #tpu.memory_space<vmem_shared>>) target_semaphore(%run_scoped3A : memref<!tpu.dma_semaphore, #tpu.memory_space<semaphore_mem>>)
      %dma_wait3A = arith.constant 0 : i32
      %dma_wait3A_61 = tpu.memref_slice %arg10[%add3A_25, %dma_wait3A] : memref<10240x128xf32, #tpu.memory_space<vmem_shared>> -> memref<128x128xf32, #tpu.memory_space<vmem_shared>>
      %dma_wait3A_62 = arith.constant 0 : i32
      %dma_wait3A_63 = tpu.memref_slice %arg10[%add3A_25, %dma_wait3A_62] : memref<10240x128xf32, #tpu.memory_space<vmem_shared>> -> memref<128x128xf32, #tpu.memory_space<vmem_shared>>
      tpu.wait_dma2 semaphore(%run_scoped3A : memref<!tpu.dma_semaphore, #tpu.memory_space<semaphore_mem>>) src(%arg9 : memref<128x128xf32, #tpu.memory_space<vmem>>) dst(%dma_wait3A_63 : memref<128x128xf32, #tpu.memory_space<vmem_shared>>)
      tpu.yield
    }) : () -> ()
    %barrier3A = arith.constant 0 : index
    tpu.barrier barrier_id(%barrier3A)
    %lt3A = arith.constant 4 : i32
    %lt3A_26 = arith.cmpi slt, %add3A, %lt3A : i32
    %jit3A = arith.constant 79 : i32
    %jit3A_27 = arith.constant 78 : i32
    %select_n3A = arith.select %lt3A_26, %jit3A, %jit3A_27 : i32
    %while3A = arith.constant 0 : i32
    %while3A_28 = arith.constant 0 : i32
    %while3A_29 = arith.subi %select_n3A, %while3A_28 : i32
    %while3A_30 = arith.addi %while3A_28, %while3A_29 : i32
    %while3A_31 = arith.constant 1 : i32
    %while3A_32 = arith.divsi %while3A_29, %while3A_31 : i32
    %while3A_33 = arith.muli %while3A_32, %while3A_31 : i32
    %while3A_34 = arith.addi %while3A_28, %while3A_33 : i32
    %while3A_35 = arith.constant 1 : i32
    scf.for %while3A_58 = %while3A_28 to %while3A_34 step %while3A_35  : i32 {
      %mul3A_59 = arith.constant 32 : i32
      %mul3A_60 = arith.muli %while3A_58, %mul3A_59 : i32
      %add3A_61 = arith.addi %add3A, %mul3A_60 : i32
      %mul3A_62 = arith.constant 128 : i32
      %mul3A_63 = arith.muli %add3A_61, %mul3A_62 : i32
      "tpu.region"() ({
        %run_scoped3A = tpu.sem_alloc : memref<!tpu.dma_semaphore, #tpu.memory_space<semaphore_mem>>
        %dma_start3A_68 = tpu.memref_slice %arg3[%mul3A_63] : memref<320000xi32, #tpu.memory_space<hbm>> -> memref<128xi32, #tpu.memory_space<hbm>>
        %dma_start3A_69 = tpu.memref_slice %arg3[%mul3A_63] : memref<320000xi32, #tpu.memory_space<hbm>> -> memref<128xi32, #tpu.memory_space<hbm>>
        tpu.enqueue_dma source(%dma_start3A_69 : memref<128xi32, #tpu.memory_space<hbm>>) target(%arg6 : memref<128xi32, #tpu.memory_space<vmem>>) target_semaphore(%run_scoped3A : memref<!tpu.dma_semaphore, #tpu.memory_space<semaphore_mem>>)
        %dma_wait3A_70 = tpu.memref_slice %arg3[%mul3A_63] : memref<320000xi32, #tpu.memory_space<hbm>> -> memref<128xi32, #tpu.memory_space<hbm>>
        %dma_wait3A_71 = tpu.memref_slice %arg3[%mul3A_63] : memref<320000xi32, #tpu.memory_space<hbm>> -> memref<128xi32, #tpu.memory_space<hbm>>
        tpu.wait_dma2 semaphore(%run_scoped3A : memref<!tpu.dma_semaphore, #tpu.memory_space<semaphore_mem>>) src(%dma_wait3A_71 : memref<128xi32, #tpu.memory_space<hbm>>) dst(%arg6 : memref<128xi32, #tpu.memory_space<vmem>>)
        tpu.yield
      }) : () -> ()
      "tpu.region"() ({
        %run_scoped3A = tpu.sem_alloc : memref<!tpu.dma_semaphore, #tpu.memory_space<semaphore_mem>>
        %dma_start3A_68 = tpu.memref_slice %arg4[%mul3A_63] : memref<320000xi32, #tpu.memory_space<hbm>> -> memref<128xi32, #tpu.memory_space<hbm>>
        %dma_start3A_69 = tpu.memref_slice %arg4[%mul3A_63] : memref<320000xi32, #tpu.memory_space<hbm>> -> memref<128xi32, #tpu.memory_space<hbm>>
        tpu.enqueue_dma source(%dma_start3A_69 : memref<128xi32, #tpu.memory_space<hbm>>) target(%arg7 : memref<128xi32, #tpu.memory_space<vmem>>) target_semaphore(%run_scoped3A : memref<!tpu.dma_semaphore, #tpu.memory_space<semaphore_mem>>)
        %dma_wait3A_70 = tpu.memref_slice %arg4[%mul3A_63] : memref<320000xi32, #tpu.memory_space<hbm>> -> memref<128xi32, #tpu.memory_space<hbm>>
        %dma_wait3A_71 = tpu.memref_slice %arg4[%mul3A_63] : memref<320000xi32, #tpu.memory_space<hbm>> -> memref<128xi32, #tpu.memory_space<hbm>>
        tpu.wait_dma2 semaphore(%run_scoped3A : memref<!tpu.dma_semaphore, #tpu.memory_space<semaphore_mem>>) src(%dma_wait3A_71 : memref<128xi32, #tpu.memory_space<hbm>>) dst(%arg7 : memref<128xi32, #tpu.memory_space<vmem>>)
        tpu.yield
      }) : () -> ()
      %dma_start3A = arith.constant 0 : i32
      %dma_start3A_64 = arith.constant 0 : i32
      %dma_start3A_65 = tpu.memref_slice %arg2[%dma_start3A, %dma_start3A_64] : memref<10000x128xf32, #tpu.memory_space<hbm>> -> memref<10000x128xf32, #tpu.memory_space<hbm>>
      tpu.enqueue_indirect_dma source(%dma_start3A_65 : memref<10000x128xf32, #tpu.memory_space<hbm>>) target(%arg8 : memref<128x128xf32, #tpu.memory_space<vmem>>) offsets(%arg6 : memref<128xi32, #tpu.memory_space<vmem>>) semaphore(%arg11 : memref<!tpu.dma_semaphore, #tpu.memory_space<semaphore_mem>>)
      %dma_wait3A = arith.constant 0 : i32
      %dma_wait3A_66 = arith.constant 0 : i32
      %dma_wait3A_67 = tpu.memref_slice %arg2[%dma_wait3A, %dma_wait3A_66] : memref<10000x128xf32, #tpu.memory_space<hbm>> -> memref<10000x128xf32, #tpu.memory_space<hbm>>
      tpu.wait_indirect_dma semaphore(%arg11 : memref<!tpu.dma_semaphore, #tpu.memory_space<semaphore_mem>>) src(%dma_wait3A_67 : memref<10000x128xf32, #tpu.memory_space<hbm>>) dst(%arg8 : memref<128x128xf32, #tpu.memory_space<vmem>>)
      "tpu.region"() ({
        %run_scoped3A = tpu.sem_alloc : memref<!tpu.dma_semaphore, #tpu.memory_space<semaphore_mem>>
        %dma_start3A_68 = arith.constant 0 : i32
        %dma_start3A_69 = arith.constant 0 : i32
        %dma_start3A_70 = tpu.memref_slice %arg10[%dma_start3A_68, %dma_start3A_69] : memref<10240x128xf32, #tpu.memory_space<vmem_shared>> -> memref<10240x128xf32, #tpu.memory_space<vmem_shared>>
        tpu.enqueue_indirect_dma source(%arg8 : memref<128x128xf32, #tpu.memory_space<vmem>>) target(%dma_start3A_70 : memref<10240x128xf32, #tpu.memory_space<vmem_shared>>) offsets(%arg7 : memref<128xi32, #tpu.memory_space<vmem>>) semaphore(%run_scoped3A : memref<!tpu.dma_semaphore, #tpu.memory_space<semaphore_mem>>) {add = true}
        %dma_wait3A_71 = arith.constant 0 : i32
        %dma_wait3A_72 = arith.constant 0 : i32
        %dma_wait3A_73 = tpu.memref_slice %arg10[%dma_wait3A_71, %dma_wait3A_72] : memref<10240x128xf32, #tpu.memory_space<vmem_shared>> -> memref<10240x128xf32, #tpu.memory_space<vmem_shared>>
        tpu.wait_indirect_dma semaphore(%run_scoped3A : memref<!tpu.dma_semaphore, #tpu.memory_space<semaphore_mem>>) src(%arg8 : memref<128x128xf32, #tpu.memory_space<vmem>>) dst(%dma_wait3A_73 : memref<10240x128xf32, #tpu.memory_space<vmem_shared>>)
        tpu.yield
      }) : () -> ()
    }
    %while3A_36 = arith.constant 1 : i32
    scf.for %while3A_58 = %while3A_34 to %while3A_30 step %while3A_36  : i32 {
      %mul3A_59 = arith.constant 32 : i32
      %mul3A_60 = arith.muli %while3A_58, %mul3A_59 : i32
      %add3A_61 = arith.addi %add3A, %mul3A_60 : i32
      %mul3A_62 = arith.constant 128 : i32
      %mul3A_63 = arith.muli %add3A_61, %mul3A_62 : i32
      "tpu.region"() ({
        %run_scoped3A = tpu.sem_alloc : memref<!tpu.dma_semaphore, #tpu.memory_space<semaphore_mem>>
        %dma_start3A_68 = tpu.memref_slice %arg3[%mul3A_63] : memref<320000xi32, #tpu.memory_space<hbm>> -> memref<128xi32, #tpu.memory_space<hbm>>
        %dma_start3A_69 = tpu.memref_slice %arg3[%mul3A_63] : memref<320000xi32, #tpu.memory_space<hbm>> -> memref<128xi32, #tpu.memory_space<hbm>>
        tpu.enqueue_dma source(%dma_start3A_69 : memref<128xi32, #tpu.memory_space<hbm>>) target(%arg6 : memref<128xi32, #tpu.memory_space<vmem>>) target_semaphore(%run_scoped3A : memref<!tpu.dma_semaphore, #tpu.memory_space<semaphore_mem>>)
        %dma_wait3A_70 = tpu.memref_slice %arg3[%mul3A_63] : memref<320000xi32, #tpu.memory_space<hbm>> -> memref<128xi32, #tpu.memory_space<hbm>>
        %dma_wait3A_71 = tpu.memref_slice %arg3[%mul3A_63] : memref<320000xi32, #tpu.memory_space<hbm>> -> memref<128xi32, #tpu.memory_space<hbm>>
        tpu.wait_dma2 semaphore(%run_scoped3A : memref<!tpu.dma_semaphore, #tpu.memory_space<semaphore_mem>>) src(%dma_wait3A_71 : memref<128xi32, #tpu.memory_space<hbm>>) dst(%arg6 : memref<128xi32, #tpu.memory_space<vmem>>)
        tpu.yield
      }) : () -> ()
      "tpu.region"() ({
        %run_scoped3A = tpu.sem_alloc : memref<!tpu.dma_semaphore, #tpu.memory_space<semaphore_mem>>
        %dma_start3A_68 = tpu.memref_slice %arg4[%mul3A_63] : memref<320000xi32, #tpu.memory_space<hbm>> -> memref<128xi32, #tpu.memory_space<hbm>>
        %dma_start3A_69 = tpu.memref_slice %arg4[%mul3A_63] : memref<320000xi32, #tpu.memory_space<hbm>> -> memref<128xi32, #tpu.memory_space<hbm>>
        tpu.enqueue_dma source(%dma_start3A_69 : memref<128xi32, #tpu.memory_space<hbm>>) target(%arg7 : memref<128xi32, #tpu.memory_space<vmem>>) target_semaphore(%run_scoped3A : memref<!tpu.dma_semaphore, #tpu.memory_space<semaphore_mem>>)
        %dma_wait3A_70 = tpu.memref_slice %arg4[%mul3A_63] : memref<320000xi32, #tpu.memory_space<hbm>> -> memref<128xi32, #tpu.memory_space<hbm>>
        %dma_wait3A_71 = tpu.memref_slice %arg4[%mul3A_63] : memref<320000xi32, #tpu.memory_space<hbm>> -> memref<128xi32, #tpu.memory_space<hbm>>
        tpu.wait_dma2 semaphore(%run_scoped3A : memref<!tpu.dma_semaphore, #tpu.memory_space<semaphore_mem>>) src(%dma_wait3A_71 : memref<128xi32, #tpu.memory_space<hbm>>) dst(%arg7 : memref<128xi32, #tpu.memory_space<vmem>>)
        tpu.yield
      }) : () -> ()
      %dma_start3A = arith.constant 0 : i32
      %dma_start3A_64 = arith.constant 0 : i32
      %dma_start3A_65 = tpu.memref_slice %arg2[%dma_start3A, %dma_start3A_64] : memref<10000x128xf32, #tpu.memory_space<hbm>> -> memref<10000x128xf32, #tpu.memory_space<hbm>>
      tpu.enqueue_indirect_dma source(%dma_start3A_65 : memref<10000x128xf32, #tpu.memory_space<hbm>>) target(%arg8 : memref<128x128xf32, #tpu.memory_space<vmem>>) offsets(%arg6 : memref<128xi32, #tpu.memory_space<vmem>>) semaphore(%arg11 : memref<!tpu.dma_semaphore, #tpu.memory_space<semaphore_mem>>)
      %dma_wait3A = arith.constant 0 : i32
      %dma_wait3A_66 = arith.constant 0 : i32
      %dma_wait3A_67 = tpu.memref_slice %arg2[%dma_wait3A, %dma_wait3A_66] : memref<10000x128xf32, #tpu.memory_space<hbm>> -> memref<10000x128xf32, #tpu.memory_space<hbm>>
      tpu.wait_indirect_dma semaphore(%arg11 : memref<!tpu.dma_semaphore, #tpu.memory_space<semaphore_mem>>) src(%dma_wait3A_67 : memref<10000x128xf32, #tpu.memory_space<hbm>>) dst(%arg8 : memref<128x128xf32, #tpu.memory_space<vmem>>)
      "tpu.region"() ({
        %run_scoped3A = tpu.sem_alloc : memref<!tpu.dma_semaphore, #tpu.memory_space<semaphore_mem>>
        %dma_start3A_68 = arith.constant 0 : i32
        %dma_start3A_69 = arith.constant 0 : i32
        %dma_start3A_70 = tpu.memref_slice %arg10[%dma_start3A_68, %dma_start3A_69] : memref<10240x128xf32, #tpu.memory_space<vmem_shared>> -> memref<10240x128xf32, #tpu.memory_space<vmem_shared>>
        tpu.enqueue_indirect_dma source(%arg8 : memref<128x128xf32, #tpu.memory_space<vmem>>) target(%dma_start3A_70 : memref<10240x128xf32, #tpu.memory_space<vmem_shared>>) offsets(%arg7 : memref<128xi32, #tpu.memory_space<vmem>>) semaphore(%run_scoped3A : memref<!tpu.dma_semaphore, #tpu.memory_space<semaphore_mem>>) {add = true}
        %dma_wait3A_71 = arith.constant 0 : i32
        %dma_wait3A_72 = arith.constant 0 : i32
        %dma_wait3A_73 = tpu.memref_slice %arg10[%dma_wait3A_71, %dma_wait3A_72] : memref<10240x128xf32, #tpu.memory_space<vmem_shared>> -> memref<10240x128xf32, #tpu.memory_space<vmem_shared>>
        tpu.wait_indirect_dma semaphore(%run_scoped3A : memref<!tpu.dma_semaphore, #tpu.memory_space<semaphore_mem>>) src(%arg8 : memref<128x128xf32, #tpu.memory_space<vmem>>) dst(%dma_wait3A_73 : memref<10240x128xf32, #tpu.memory_space<vmem_shared>>)
        tpu.yield
      }) : () -> ()
    }
    %barrier3A_37 = arith.constant 0 : index
    tpu.barrier barrier_id(%barrier3A_37)
    %mul3A_38 = arith.constant 640 : i32
    %mul3A_39 = arith.muli %arg1, %mul3A_38 : i32
    %add3A_40 = arith.constant 0 : i32
    %add3A_41 = arith.addi %mul3A_39, %add3A_40 : i32
    "tpu.region"() ({
      %run_scoped3A = tpu.sem_alloc : memref<!tpu.dma_semaphore, #tpu.memory_space<semaphore_mem>>
      %dma_start3A = arith.constant 0 : i32
      %dma_start3A_58 = arith.constant 0 : i32
      %dma_start3A_59 = tpu.memref_slice %arg5[%arg0, %dma_start3A, %dma_start3A_58] : memref<2x10240x128xf32, #tpu.memory_space<hbm>> -> memref<1x10240x128xf32, #tpu.memory_space<hbm>>
      %dma_start3A_60 = tpu.memref_squeeze %dma_start3A_59 : memref<1x10240x128xf32, #tpu.memory_space<hbm>> -> memref<10240x128xf32, #tpu.memory_space<hbm>>
      %dma_start3A_61 = arith.constant 0 : i32
      %dma_start3A_62 = tpu.memref_slice %dma_start3A_60[%add3A_41, %dma_start3A_61] : memref<10240x128xf32, #tpu.memory_space<hbm>> -> memref<128x128xf32, #tpu.memory_space<hbm>>
      %dma_start3A_63 = arith.constant 0 : i32
      %dma_start3A_64 = tpu.memref_slice %arg10[%add3A_41, %dma_start3A_63] : memref<10240x128xf32, #tpu.memory_space<vmem_shared>> -> memref<128x128xf32, #tpu.memory_space<vmem_shared>>
      tpu.enqueue_dma source(%dma_start3A_64 : memref<128x128xf32, #tpu.memory_space<vmem_shared>>) target(%dma_start3A_62 : memref<128x128xf32, #tpu.memory_space<hbm>>) target_semaphore(%run_scoped3A : memref<!tpu.dma_semaphore, #tpu.memory_space<semaphore_mem>>)
      %dma_wait3A = arith.constant 0 : i32
      %dma_wait3A_65 = arith.constant 0 : i32
      %dma_wait3A_66 = tpu.memref_slice %arg5[%arg0, %dma_wait3A, %dma_wait3A_65] : memref<2x10240x128xf32, #tpu.memory_space<hbm>> -> memref<1x10240x128xf32, #tpu.memory_space<hbm>>
      %dma_wait3A_67 = tpu.memref_squeeze %dma_wait3A_66 : memref<1x10240x128xf32, #tpu.memory_space<hbm>> -> memref<10240x128xf32, #tpu.memory_space<hbm>>
      %dma_wait3A_68 = arith.constant 0 : i32
      %dma_wait3A_69 = tpu.memref_slice %dma_wait3A_67[%add3A_41, %dma_wait3A_68] : memref<10240x128xf32, #tpu.memory_space<hbm>> -> memref<128x128xf32, #tpu.memory_space<hbm>>
      %dma_wait3A_70 = arith.constant 0 : i32
      %dma_wait3A_71 = tpu.memref_slice %arg10[%add3A_41, %dma_wait3A_70] : memref<10240x128xf32, #tpu.memory_space<vmem_shared>> -> memref<128x128xf32, #tpu.memory_space<vmem_shared>>
      tpu.wait_dma2 semaphore(%run_scoped3A : memref<!tpu.dma_semaphore, #tpu.memory_space<semaphore_mem>>) src(%dma_wait3A_71 : memref<128x128xf32, #tpu.memory_space<vmem_shared>>) dst(%dma_wait3A_69 : memref<128x128xf32, #tpu.memory_space<hbm>>)
      tpu.yield
    }) : () -> ()
    %mul3A_42 = arith.constant 640 : i32
    %mul3A_43 = arith.muli %arg1, %mul3A_42 : i32
    %add3A_44 = arith.constant 128 : i32
    %add3A_45 = arith.addi %mul3A_43, %add3A_44 : i32
    "tpu.region"() ({
      %run_scoped3A = tpu.sem_alloc : memref<!tpu.dma_semaphore, #tpu.memory_space<semaphore_mem>>
      %dma_start3A = arith.constant 0 : i32
      %dma_start3A_58 = arith.constant 0 : i32
      %dma_start3A_59 = tpu.memref_slice %arg5[%arg0, %dma_start3A, %dma_start3A_58] : memref<2x10240x128xf32, #tpu.memory_space<hbm>> -> memref<1x10240x128xf32, #tpu.memory_space<hbm>>
      %dma_start3A_60 = tpu.memref_squeeze %dma_start3A_59 : memref<1x10240x128xf32, #tpu.memory_space<hbm>> -> memref<10240x128xf32, #tpu.memory_space<hbm>>
      %dma_start3A_61 = arith.constant 0 : i32
      %dma_start3A_62 = tpu.memref_slice %dma_start3A_60[%add3A_45, %dma_start3A_61] : memref<10240x128xf32, #tpu.memory_space<hbm>> -> memref<128x128xf32, #tpu.memory_space<hbm>>
      %dma_start3A_63 = arith.constant 0 : i32
      %dma_start3A_64 = tpu.memref_slice %arg10[%add3A_45, %dma_start3A_63] : memref<10240x128xf32, #tpu.memory_space<vmem_shared>> -> memref<128x128xf32, #tpu.memory_space<vmem_shared>>
      tpu.enqueue_dma source(%dma_start3A_64 : memref<128x128xf32, #tpu.memory_space<vmem_shared>>) target(%dma_start3A_62 : memref<128x128xf32, #tpu.memory_space<hbm>>) target_semaphore(%run_scoped3A : memref<!tpu.dma_semaphore, #tpu.memory_space<semaphore_mem>>)
      %dma_wait3A = arith.constant 0 : i32
      %dma_wait3A_65 = arith.constant 0 : i32
      %dma_wait3A_66 = tpu.memref_slice %arg5[%arg0, %dma_wait3A, %dma_wait3A_65] : memref<2x10240x128xf32, #tpu.memory_space<hbm>> -> memref<1x10240x128xf32, #tpu.memory_space<hbm>>
      %dma_wait3A_67 = tpu.memref_squeeze %dma_wait3A_66 : memref<1x10240x128xf32, #tpu.memory_space<hbm>> -> memref<10240x128xf32, #tpu.memory_space<hbm>>
      %dma_wait3A_68 = arith.constant 0 : i32
      %dma_wait3A_69 = tpu.memref_slice %dma_wait3A_67[%add3A_45, %dma_wait3A_68] : memref<10240x128xf32, #tpu.memory_space<hbm>> -> memref<128x128xf32, #tpu.memory_space<hbm>>
      %dma_wait3A_70 = arith.constant 0 : i32
      %dma_wait3A_71 = tpu.memref_slice %arg10[%add3A_45, %dma_wait3A_70] : memref<10240x128xf32, #tpu.memory_space<vmem_shared>> -> memref<128x128xf32, #tpu.memory_space<vmem_shared>>
      tpu.wait_dma2 semaphore(%run_scoped3A : memref<!tpu.dma_semaphore, #tpu.memory_space<semaphore_mem>>) src(%dma_wait3A_71 : memref<128x128xf32, #tpu.memory_space<vmem_shared>>) dst(%dma_wait3A_69 : memref<128x128xf32, #tpu.memory_space<hbm>>)
      tpu.yield
    }) : () -> ()
    %mul3A_46 = arith.constant 640 : i32
    %mul3A_47 = arith.muli %arg1, %mul3A_46 : i32
    %add3A_48 = arith.constant 256 : i32
    %add3A_49 = arith.addi %mul3A_47, %add3A_48 : i32
    "tpu.region"() ({
      %run_scoped3A = tpu.sem_alloc : memref<!tpu.dma_semaphore, #tpu.memory_space<semaphore_mem>>
      %dma_start3A = arith.constant 0 : i32
      %dma_start3A_58 = arith.constant 0 : i32
      %dma_start3A_59 = tpu.memref_slice %arg5[%arg0, %dma_start3A, %dma_start3A_58] : memref<2x10240x128xf32, #tpu.memory_space<hbm>> -> memref<1x10240x128xf32, #tpu.memory_space<hbm>>
      %dma_start3A_60 = tpu.memref_squeeze %dma_start3A_59 : memref<1x10240x128xf32, #tpu.memory_space<hbm>> -> memref<10240x128xf32, #tpu.memory_space<hbm>>
      %dma_start3A_61 = arith.constant 0 : i32
      %dma_start3A_62 = tpu.memref_slice %dma_start3A_60[%add3A_49, %dma_start3A_61] : memref<10240x128xf32, #tpu.memory_space<hbm>> -> memref<128x128xf32, #tpu.memory_space<hbm>>
      %dma_start3A_63 = arith.constant 0 : i32
      %dma_start3A_64 = tpu.memref_slice %arg10[%add3A_49, %dma_start3A_63] : memref<10240x128xf32, #tpu.memory_space<vmem_shared>> -> memref<128x128xf32, #tpu.memory_space<vmem_shared>>
      tpu.enqueue_dma source(%dma_start3A_64 : memref<128x128xf32, #tpu.memory_space<vmem_shared>>) target(%dma_start3A_62 : memref<128x128xf32, #tpu.memory_space<hbm>>) target_semaphore(%run_scoped3A : memref<!tpu.dma_semaphore, #tpu.memory_space<semaphore_mem>>)
      %dma_wait3A = arith.constant 0 : i32
      %dma_wait3A_65 = arith.constant 0 : i32
      %dma_wait3A_66 = tpu.memref_slice %arg5[%arg0, %dma_wait3A, %dma_wait3A_65] : memref<2x10240x128xf32, #tpu.memory_space<hbm>> -> memref<1x10240x128xf32, #tpu.memory_space<hbm>>
      %dma_wait3A_67 = tpu.memref_squeeze %dma_wait3A_66 : memref<1x10240x128xf32, #tpu.memory_space<hbm>> -> memref<10240x128xf32, #tpu.memory_space<hbm>>
      %dma_wait3A_68 = arith.constant 0 : i32
      %dma_wait3A_69 = tpu.memref_slice %dma_wait3A_67[%add3A_49, %dma_wait3A_68] : memref<10240x128xf32, #tpu.memory_space<hbm>> -> memref<128x128xf32, #tpu.memory_space<hbm>>
      %dma_wait3A_70 = arith.constant 0 : i32
      %dma_wait3A_71 = tpu.memref_slice %arg10[%add3A_49, %dma_wait3A_70] : memref<10240x128xf32, #tpu.memory_space<vmem_shared>> -> memref<128x128xf32, #tpu.memory_space<vmem_shared>>
      tpu.wait_dma2 semaphore(%run_scoped3A : memref<!tpu.dma_semaphore, #tpu.memory_space<semaphore_mem>>) src(%dma_wait3A_71 : memref<128x128xf32, #tpu.memory_space<vmem_shared>>) dst(%dma_wait3A_69 : memref<128x128xf32, #tpu.memory_space<hbm>>)
      tpu.yield
    }) : () -> ()
    %mul3A_50 = arith.constant 640 : i32
    %mul3A_51 = arith.muli %arg1, %mul3A_50 : i32
    %add3A_52 = arith.constant 384 : i32
    %add3A_53 = arith.addi %mul3A_51, %add3A_52 : i32
    "tpu.region"() ({
      %run_scoped3A = tpu.sem_alloc : memref<!tpu.dma_semaphore, #tpu.memory_space<semaphore_mem>>
      %dma_start3A = arith.constant 0 : i32
      %dma_start3A_58 = arith.constant 0 : i32
      %dma_start3A_59 = tpu.memref_slice %arg5[%arg0, %dma_start3A, %dma_start3A_58] : memref<2x10240x128xf32, #tpu.memory_space<hbm>> -> memref<1x10240x128xf32, #tpu.memory_space<hbm>>
      %dma_start3A_60 = tpu.memref_squeeze %dma_start3A_59 : memref<1x10240x128xf32, #tpu.memory_space<hbm>> -> memref<10240x128xf32, #tpu.memory_space<hbm>>
      %dma_start3A_61 = arith.constant 0 : i32
      %dma_start3A_62 = tpu.memref_slice %dma_start3A_60[%add3A_53, %dma_start3A_61] : memref<10240x128xf32, #tpu.memory_space<hbm>> -> memref<128x128xf32, #tpu.memory_space<hbm>>
      %dma_start3A_63 = arith.constant 0 : i32
      %dma_start3A_64 = tpu.memref_slice %arg10[%add3A_53, %dma_start3A_63] : memref<10240x128xf32, #tpu.memory_space<vmem_shared>> -> memref<128x128xf32, #tpu.memory_space<vmem_shared>>
      tpu.enqueue_dma source(%dma_start3A_64 : memref<128x128xf32, #tpu.memory_space<vmem_shared>>) target(%dma_start3A_62 : memref<128x128xf32, #tpu.memory_space<hbm>>) target_semaphore(%run_scoped3A : memref<!tpu.dma_semaphore, #tpu.memory_space<semaphore_mem>>)
      %dma_wait3A = arith.constant 0 : i32
      %dma_wait3A_65 = arith.constant 0 : i32
      %dma_wait3A_66 = tpu.memref_slice %arg5[%arg0, %dma_wait3A, %dma_wait3A_65] : memref<2x10240x128xf32, #tpu.memory_space<hbm>> -> memref<1x10240x128xf32, #tpu.memory_space<hbm>>
      %dma_wait3A_67 = tpu.memref_squeeze %dma_wait3A_66 : memref<1x10240x128xf32, #tpu.memory_space<hbm>> -> memref<10240x128xf32, #tpu.memory_space<hbm>>
      %dma_wait3A_68 = arith.constant 0 : i32
      %dma_wait3A_69 = tpu.memref_slice %dma_wait3A_67[%add3A_53, %dma_wait3A_68] : memref<10240x128xf32, #tpu.memory_space<hbm>> -> memref<128x128xf32, #tpu.memory_space<hbm>>
      %dma_wait3A_70 = arith.constant 0 : i32
      %dma_wait3A_71 = tpu.memref_slice %arg10[%add3A_53, %dma_wait3A_70] : memref<10240x128xf32, #tpu.memory_space<vmem_shared>> -> memref<128x128xf32, #tpu.memory_space<vmem_shared>>
      tpu.wait_dma2 semaphore(%run_scoped3A : memref<!tpu.dma_semaphore, #tpu.memory_space<semaphore_mem>>) src(%dma_wait3A_71 : memref<128x128xf32, #tpu.memory_space<vmem_shared>>) dst(%dma_wait3A_69 : memref<128x128xf32, #tpu.memory_space<hbm>>)
      tpu.yield
    }) : () -> ()
    %mul3A_54 = arith.constant 640 : i32
    %mul3A_55 = arith.muli %arg1, %mul3A_54 : i32
    %add3A_56 = arith.constant 512 : i32
    %add3A_57 = arith.addi %mul3A_55, %add3A_56 : i32
    "tpu.region"() ({
      %run_scoped3A = tpu.sem_alloc : memref<!tpu.dma_semaphore, #tpu.memory_space<semaphore_mem>>
      %dma_start3A = arith.constant 0 : i32
      %dma_start3A_58 = arith.constant 0 : i32
      %dma_start3A_59 = tpu.memref_slice %arg5[%arg0, %dma_start3A, %dma_start3A_58] : memref<2x10240x128xf32, #tpu.memory_space<hbm>> -> memref<1x10240x128xf32, #tpu.memory_space<hbm>>
      %dma_start3A_60 = tpu.memref_squeeze %dma_start3A_59 : memref<1x10240x128xf32, #tpu.memory_space<hbm>> -> memref<10240x128xf32, #tpu.memory_space<hbm>>
      %dma_start3A_61 = arith.constant 0 : i32
      %dma_start3A_62 = tpu.memref_slice %dma_start3A_60[%add3A_57, %dma_start3A_61] : memref<10240x128xf32, #tpu.memory_space<hbm>> -> memref<128x128xf32, #tpu.memory_space<hbm>>
      %dma_start3A_63 = arith.constant 0 : i32
      %dma_start3A_64 = tpu.memref_slice %arg10[%add3A_57, %dma_start3A_63] : memref<10240x128xf32, #tpu.memory_space<vmem_shared>> -> memref<128x128xf32, #tpu.memory_space<vmem_shared>>
      tpu.enqueue_dma source(%dma_start3A_64 : memref<128x128xf32, #tpu.memory_space<vmem_shared>>) target(%dma_start3A_62 : memref<128x128xf32, #tpu.memory_space<hbm>>) target_semaphore(%run_scoped3A : memref<!tpu.dma_semaphore, #tpu.memory_space<semaphore_mem>>)
      %dma_wait3A = arith.constant 0 : i32
      %dma_wait3A_65 = arith.constant 0 : i32
      %dma_wait3A_66 = tpu.memref_slice %arg5[%arg0, %dma_wait3A, %dma_wait3A_65] : memref<2x10240x128xf32, #tpu.memory_space<hbm>> -> memref<1x10240x128xf32, #tpu.memory_space<hbm>>
      %dma_wait3A_67 = tpu.memref_squeeze %dma_wait3A_66 : memref<1x10240x128xf32, #tpu.memory_space<hbm>> -> memref<10240x128xf32, #tpu.memory_space<hbm>>
      %dma_wait3A_68 = arith.constant 0 : i32
      %dma_wait3A_69 = tpu.memref_slice %dma_wait3A_67[%add3A_57, %dma_wait3A_68] : memref<10240x128xf32, #tpu.memory_space<hbm>> -> memref<128x128xf32, #tpu.memory_space<hbm>>
      %dma_wait3A_70 = arith.constant 0 : i32
      %dma_wait3A_71 = tpu.memref_slice %arg10[%add3A_57, %dma_wait3A_70] : memref<10240x128xf32, #tpu.memory_space<vmem_shared>> -> memref<128x128xf32, #tpu.memory_space<vmem_shared>>
      tpu.wait_dma2 semaphore(%run_scoped3A : memref<!tpu.dma_semaphore, #tpu.memory_space<semaphore_mem>>) src(%dma_wait3A_71 : memref<128x128xf32, #tpu.memory_space<vmem_shared>>) dst(%dma_wait3A_69 : memref<128x128xf32, #tpu.memory_space<hbm>>)
      tpu.yield
    }) : () -> ()
    return
  }
}

module attributes {stable_mosaic.version = 14 : i64} {
  func.func @_tc_a_body(%arg0: i32, %arg1: memref<1000x128xf32, #tpu.memory_space<vmem>>, %arg2: memref<128x128xf32, #tpu.memory_space<vmem>>, %arg3: memref<1x128xf32, #tpu.memory_space<vmem>>, %arg4: memref<128x128xf32, #tpu.memory_space<vmem>>, %arg5: memref<1000x1xf32, #tpu.memory_space<vmem>>, %arg6: memref<1000x1xf32, #tpu.memory_space<vmem>>, %arg7: memref<1000x128xf32, #tpu.memory_space<vmem>>, %arg8: memref<1000x128xf32, #tpu.memory_space<vmem>>, %arg9: memref<1000x1xf32, #tpu.memory_space<vmem>>) attributes {dimension_semantics = [#tpu.dimension_semantics<arbitrary>], iteration_bounds = array<i64: 10>, scalar_prefetch = 0 : i64, scratch_operands = 0 : i64, tpu.core_type = #tpu.core_type<tc>, window_params = [{transform_indices = @transform_0, window_bounds = array<i64: 1000, 128>}, {pipeline_mode = #tpu.pipeline_mode<synchronous>, transform_indices = @transform_1, window_bounds = array<i64: 128, 128>}, {pipeline_mode = #tpu.pipeline_mode<synchronous>, transform_indices = @transform_2, window_bounds = array<i64: 1, 128>}, {pipeline_mode = #tpu.pipeline_mode<synchronous>, transform_indices = @transform_3, window_bounds = array<i64: 128, 128>}, {transform_indices = @transform_4, window_bounds = array<i64: 1000, 1>}, {transform_indices = @transform_5, window_bounds = array<i64: 1000, 1>}, {transform_indices = @transform_6, window_bounds = array<i64: 1000, 128>}, {transform_indices = @transform_7, window_bounds = array<i64: 1000, 128>}, {transform_indices = @transform_8, window_bounds = array<i64: 1000, 1>}]} {
    %get3A = arith.constant 0 : index
    %get3A_0 = arith.constant 0 : index
    %get3A_1 = vector.load %arg1[%get3A, %get3A_0] : memref<1000x128xf32, #tpu.memory_space<vmem>>, vector<1000x128xf32>
    %get3A_2 = arith.constant 0 : index
    %get3A_3 = arith.constant 0 : index
    %get3A_4 = vector.load %arg2[%get3A_2, %get3A_3] : memref<128x128xf32, #tpu.memory_space<vmem>>, vector<128x128xf32>
    %dot_general3A = arith.constant dense<0.000000e+00> : vector<1000x128xf32>
    %dot_general3A_5 = tpu.matmul %get3A_1, %get3A_4, %dot_general3A {dimension_numbers = #tpu.dot_dimension_numbers<[1], [0], [0], [1], [0, 0, 1, 1], [], []>, transpose_lhs_hint = false} : vector<1000x128xf32>, vector<128x128xf32>, vector<1000x128xf32> -> vector<1000x128xf32>
    %get3A_6 = arith.constant 0 : index
    %get3A_7 = arith.constant 0 : index
    %get3A_8 = vector.load %arg3[%get3A_6, %get3A_7] : memref<1x128xf32, #tpu.memory_space<vmem>>, vector<1x128xf32>
    %add3A = vector.broadcast %get3A_8 : vector<1x128xf32> to vector<1000x128xf32>
    %add3A_9 = arith.addf %dot_general3A_5, %add3A : vector<1000x128xf32>
    %max3A = arith.constant 0.000000e+00 : f32
    %max3A_10 = vector.broadcast %max3A : f32 to vector<1000x128xf32>
    %max3A_11 = arith.maximumf %add3A_9, %max3A_10 : vector<1000x128xf32>
    %get3A_12 = arith.constant 0 : index
    %get3A_13 = arith.constant 0 : index
    %get3A_14 = vector.load %arg5[%get3A_12, %get3A_13] : memref<1000x1xf32, #tpu.memory_space<vmem>>, vector<1000x1xf32>
    %get3A_15 = arith.constant 0 : index
    %get3A_16 = arith.constant 0 : index
    %get3A_17 = vector.load %arg6[%get3A_15, %get3A_16] : memref<1000x1xf32, #tpu.memory_space<vmem>>, vector<1000x1xf32>
    %add3A_18 = arith.addf %get3A_14, %get3A_17 : vector<1000x1xf32>
    %gt3A = arith.constant 0.000000e+00 : f32
    %gt3A_19 = vector.broadcast %gt3A : f32 to vector<1000x1xf32>
    %gt3A_20 = arith.cmpf ogt, %add3A_18, %gt3A_19 : vector<1000x1xf32>
    %gt3A_21 = arith.constant 0.000000e+00 : f32
    %gt3A_22 = vector.broadcast %gt3A_21 : f32 to vector<1000x1xf32>
    %gt3A_23 = arith.cmpf ogt, %add3A_18, %gt3A_22 : vector<1000x1xf32>
    %jit3A = arith.constant 1.000000e+00 : f32
    %broadcast_in_dim3A = vector.broadcast %jit3A : f32 to vector<1000x1xf32>
    %select_n3A = arith.select %gt3A_23, %add3A_18, %broadcast_in_dim3A : vector<1000x1xi1>, vector<1000x1xf32>
    %sqrt3A = math.sqrt %select_n3A : vector<1000x1xf32>
    %div3A = arith.constant 1.000000e+00 : f32
    %div3A_24 = vector.broadcast %div3A : f32 to vector<1000x1xf32>
    %div3A_25 = arith.divf %div3A_24, %sqrt3A : vector<1000x1xf32>
    %jit3A_26 = arith.constant 0.000000e+00 : f32
    %broadcast_in_dim3A_27 = vector.broadcast %jit3A_26 : f32 to vector<1000x1xf32>
    %select_n3A_28 = arith.select %gt3A_20, %div3A_25, %broadcast_in_dim3A_27 : vector<1000x1xi1>, vector<1000x1xf32>
    %swap3A = arith.constant 0 : index
    %swap3A_29 = arith.constant 0 : index
    %swap3A_30 = vector.load %arg7[%swap3A, %swap3A_29] : memref<1000x128xf32, #tpu.memory_space<vmem>>, vector<1000x128xf32>
    tpu.vector_store %arg7[%swap3A, %swap3A_29], %max3A_11 {strides = array<i32>} : memref<1000x128xf32, #tpu.memory_space<vmem>>, vector<1000x128xf32>,
    %swap3A_31 = arith.constant 0 : index
    %swap3A_32 = arith.constant 0 : index
    %swap3A_33 = vector.load %arg9[%swap3A_31, %swap3A_32] : memref<1000x1xf32, #tpu.memory_space<vmem>>, vector<1000x1xf32>
    tpu.vector_store %arg9[%swap3A_31, %swap3A_32], %select_n3A_28 {strides = array<i32>} : memref<1000x1xf32, #tpu.memory_space<vmem>>, vector<1000x1xf32>,
    %get3A_34 = arith.constant 0 : index
    %get3A_35 = arith.constant 0 : index
    %get3A_36 = vector.load %arg4[%get3A_34, %get3A_35] : memref<128x128xf32, #tpu.memory_space<vmem>>, vector<128x128xf32>
    %dot_general3A_37 = arith.constant dense<0.000000e+00> : vector<1000x128xf32>
    %dot_general3A_38 = tpu.matmul %max3A_11, %get3A_36, %dot_general3A_37 {dimension_numbers = #tpu.dot_dimension_numbers<[1], [0], [0], [1], [0, 0, 1, 1], [], []>, transpose_lhs_hint = false} : vector<1000x128xf32>, vector<128x128xf32>, vector<1000x128xf32> -> vector<1000x128xf32>
    %mul3A = vector.broadcast %select_n3A_28 : vector<1000x1xf32> to vector<1000x128xf32>
    %mul3A_39 = arith.mulf %mul3A, %dot_general3A_38 : vector<1000x128xf32>
    %swap3A_40 = arith.constant 0 : index
    %swap3A_41 = arith.constant 0 : index
    %swap3A_42 = vector.load %arg8[%swap3A_40, %swap3A_41] : memref<1000x128xf32, #tpu.memory_space<vmem>>, vector<1000x128xf32>
    tpu.vector_store %arg8[%swap3A_40, %swap3A_41], %mul3A_39 {strides = array<i32>} : memref<1000x128xf32, #tpu.memory_space<vmem>>, vector<1000x128xf32>,
    return
  }
  func.func @transform_0(%arg0: i32) -> (i32, i32) {
    %c0_i32 = arith.constant 0 : i32
    %c0_i32_0 = arith.constant 0 : i32
    return %arg0, %c0_i32 : i32, i32
  }
  func.func @transform_1(%arg0: i32) -> (i32, i32) {
    %c0_i32 = arith.constant 0 : i32
    %c0_i32_0 = arith.constant 0 : i32
    %c0_i32_1 = arith.constant 0 : i32
    return %c0_i32, %c0_i32_0 : i32, i32
  }
  func.func @transform_2(%arg0: i32) -> (i32, i32) {
    %c0_i32 = arith.constant 0 : i32
    %c0_i32_0 = arith.constant 0 : i32
    %c0_i32_1 = arith.constant 0 : i32
    return %c0_i32, %c0_i32_0 : i32, i32
  }
  func.func @transform_3(%arg0: i32) -> (i32, i32) {
    %c0_i32 = arith.constant 0 : i32
    %c0_i32_0 = arith.constant 0 : i32
    %c0_i32_1 = arith.constant 0 : i32
    return %c0_i32, %c0_i32_0 : i32, i32
  }
  func.func @transform_4(%arg0: i32) -> (i32, i32) {
    %c0_i32 = arith.constant 0 : i32
    %c0_i32_0 = arith.constant 0 : i32
    return %arg0, %c0_i32 : i32, i32
  }
  func.func @transform_5(%arg0: i32) -> (i32, i32) {
    %c0_i32 = arith.constant 0 : i32
    %c0_i32_0 = arith.constant 0 : i32
    return %arg0, %c0_i32 : i32, i32
  }
  func.func @transform_6(%arg0: i32) -> (i32, i32) {
    %c0_i32 = arith.constant 0 : i32
    %c0_i32_0 = arith.constant 0 : i32
    return %arg0, %c0_i32 : i32, i32
  }
  func.func @transform_7(%arg0: i32) -> (i32, i32) {
    %c0_i32 = arith.constant 0 : i32
    %c0_i32_0 = arith.constant 0 : i32
    return %arg0, %c0_i32 : i32, i32
  }
  func.func @transform_8(%arg0: i32) -> (i32, i32) {
    %c0_i32 = arith.constant 0 : i32
    %c0_i32_0 = arith.constant 0 : i32
    return %arg0, %c0_i32 : i32, i32
  }
}

module attributes {stable_mosaic.version = 14 : i64} {
  func.func @_tc_b_body(%arg0: i32, %arg1: memref<1000x128xf32, #tpu.memory_space<vmem>>, %arg2: memref<1000x128xf32, #tpu.memory_space<vmem>>, %arg3: memref<1000x1xf32, #tpu.memory_space<vmem>>, %arg4: memref<1x128xf32, #tpu.memory_space<vmem>>, %arg5: memref<128x128xf32, #tpu.memory_space<vmem>>, %arg6: memref<1000x128xf32, #tpu.memory_space<vmem>>, %arg7: memref<1000x128xf32, #tpu.memory_space<vmem>>) attributes {dimension_semantics = [#tpu.dimension_semantics<arbitrary>], iteration_bounds = array<i64: 10>, scalar_prefetch = 0 : i64, scratch_operands = 0 : i64, tpu.core_type = #tpu.core_type<tc>, window_params = [{transform_indices = @transform_0, window_bounds = array<i64: 1000, 128>}, {transform_indices = @transform_1, window_bounds = array<i64: 1000, 128>}, {transform_indices = @transform_2, window_bounds = array<i64: 1000, 1>}, {pipeline_mode = #tpu.pipeline_mode<synchronous>, transform_indices = @transform_3, window_bounds = array<i64: 1, 128>}, {pipeline_mode = #tpu.pipeline_mode<synchronous>, transform_indices = @transform_4, window_bounds = array<i64: 128, 128>}, {transform_indices = @transform_5, window_bounds = array<i64: 1000, 128>}, {transform_indices = @transform_6, window_bounds = array<i64: 1000, 128>}]} {
    %get3A = arith.constant 0 : index
    %get3A_0 = arith.constant 0 : index
    %get3A_1 = vector.load %arg3[%get3A, %get3A_0] : memref<1000x1xf32, #tpu.memory_space<vmem>>, vector<1000x1xf32>
    %get3A_2 = arith.constant 0 : index
    %get3A_3 = arith.constant 0 : index
    %get3A_4 = vector.load %arg1[%get3A_2, %get3A_3] : memref<1000x128xf32, #tpu.memory_space<vmem>>, vector<1000x128xf32>
    %get3A_5 = arith.constant 0 : index
    %get3A_6 = arith.constant 0 : index
    %get3A_7 = vector.load %arg2[%get3A_5, %get3A_6] : memref<1000x128xf32, #tpu.memory_space<vmem>>, vector<1000x128xf32>
    %add3A = arith.addf %get3A_4, %get3A_7 : vector<1000x128xf32>
    %mul3A = vector.broadcast %get3A_1 : vector<1000x1xf32> to vector<1000x128xf32>
    %mul3A_8 = arith.mulf %mul3A, %add3A : vector<1000x128xf32>
    %get3A_9 = arith.constant 0 : index
    %get3A_10 = arith.constant 0 : index
    %get3A_11 = vector.load %arg4[%get3A_9, %get3A_10] : memref<1x128xf32, #tpu.memory_space<vmem>>, vector<1x128xf32>
    %add3A_12 = vector.broadcast %get3A_11 : vector<1x128xf32> to vector<1000x128xf32>
    %add3A_13 = arith.addf %mul3A_8, %add3A_12 : vector<1000x128xf32>
    %swap3A = arith.constant 0 : index
    %swap3A_14 = arith.constant 0 : index
    %swap3A_15 = vector.load %arg6[%swap3A, %swap3A_14] : memref<1000x128xf32, #tpu.memory_space<vmem>>, vector<1000x128xf32>
    tpu.vector_store %arg6[%swap3A, %swap3A_14], %add3A_13 {strides = array<i32>} : memref<1000x128xf32, #tpu.memory_space<vmem>>, vector<1000x128xf32>,
    %get3A_16 = arith.constant 0 : index
    %get3A_17 = arith.constant 0 : index
    %get3A_18 = vector.load %arg5[%get3A_16, %get3A_17] : memref<128x128xf32, #tpu.memory_space<vmem>>, vector<128x128xf32>
    %dot_general3A = arith.constant dense<0.000000e+00> : vector<1000x128xf32>
    %dot_general3A_19 = tpu.matmul %add3A_13, %get3A_18, %dot_general3A {dimension_numbers = #tpu.dot_dimension_numbers<[1], [0], [0], [1], [0, 0, 1, 1], [], []>, transpose_lhs_hint = false} : vector<1000x128xf32>, vector<128x128xf32>, vector<1000x128xf32> -> vector<1000x128xf32>
    %mul3A_20 = vector.broadcast %get3A_1 : vector<1000x1xf32> to vector<1000x128xf32>
    %mul3A_21 = arith.mulf %mul3A_20, %dot_general3A_19 : vector<1000x128xf32>
    %swap3A_22 = arith.constant 0 : index
    %swap3A_23 = arith.constant 0 : index
    %swap3A_24 = vector.load %arg7[%swap3A_22, %swap3A_23] : memref<1000x128xf32, #tpu.memory_space<vmem>>, vector<1000x128xf32>
    tpu.vector_store %arg7[%swap3A_22, %swap3A_23], %mul3A_21 {strides = array<i32>} : memref<1000x128xf32, #tpu.memory_space<vmem>>, vector<1000x128xf32>,
    return
  }
  func.func @transform_0(%arg0: i32) -> (i32, i32) {
    %c0_i32 = arith.constant 0 : i32
    %c0_i32_0 = arith.constant 0 : i32
    return %arg0, %c0_i32 : i32, i32
  }
  func.func @transform_1(%arg0: i32) -> (i32, i32) {
    %c0_i32 = arith.constant 0 : i32
    %c0_i32_0 = arith.constant 0 : i32
    return %arg0, %c0_i32 : i32, i32
  }
  func.func @transform_2(%arg0: i32) -> (i32, i32) {
    %c0_i32 = arith.constant 0 : i32
    %c0_i32_0 = arith.constant 0 : i32
    return %arg0, %c0_i32 : i32, i32
  }
  func.func @transform_3(%arg0: i32) -> (i32, i32) {
    %c0_i32 = arith.constant 0 : i32
    %c0_i32_0 = arith.constant 0 : i32
    %c0_i32_1 = arith.constant 0 : i32
    return %c0_i32, %c0_i32_0 : i32, i32
  }
  func.func @transform_4(%arg0: i32) -> (i32, i32) {
    %c0_i32 = arith.constant 0 : i32
    %c0_i32_0 = arith.constant 0 : i32
    %c0_i32_1 = arith.constant 0 : i32
    return %c0_i32, %c0_i32_0 : i32, i32
  }
  func.func @transform_5(%arg0: i32) -> (i32, i32) {
    %c0_i32 = arith.constant 0 : i32
    %c0_i32_0 = arith.constant 0 : i32
    return %arg0, %c0_i32 : i32, i32
  }
  func.func @transform_6(%arg0: i32) -> (i32, i32) {
    %c0_i32 = arith.constant 0 : i32
    %c0_i32_0 = arith.constant 0 : i32
    return %arg0, %c0_i32 : i32, i32
  }
}

module attributes {stable_mosaic.version = 14 : i64} {
  func.func @_tc_c_body(%arg0: i32, %arg1: memref<1000x128xf32, #tpu.memory_space<vmem>>, %arg2: memref<1000x128xf32, #tpu.memory_space<vmem>>, %arg3: memref<1000x1xf32, #tpu.memory_space<vmem>>, %arg4: memref<1x128xf32, #tpu.memory_space<vmem>>, %arg5: memref<1000x128xf32, #tpu.memory_space<vmem>>, %arg6: memref<1000x128xf32, #tpu.memory_space<vmem>>, %arg7: memref<128x64xf32, #tpu.memory_space<vmem>>, %arg8: memref<128x64xf32, #tpu.memory_space<vmem>>, %arg9: memref<128x64xf32, #tpu.memory_space<vmem>>, %arg10: memref<1x64xf32, #tpu.memory_space<vmem>>, %arg11: memref<1000x64xf32, #tpu.memory_space<vmem>>) attributes {dimension_semantics = [#tpu.dimension_semantics<arbitrary>], iteration_bounds = array<i64: 10>, scalar_prefetch = 0 : i64, scratch_operands = 0 : i64, tpu.core_type = #tpu.core_type<tc>, window_params = [{transform_indices = @transform_0, window_bounds = array<i64: 1000, 128>}, {transform_indices = @transform_1, window_bounds = array<i64: 1000, 128>}, {transform_indices = @transform_2, window_bounds = array<i64: 1000, 1>}, {pipeline_mode = #tpu.pipeline_mode<synchronous>, transform_indices = @transform_3, window_bounds = array<i64: 1, 128>}, {transform_indices = @transform_4, window_bounds = array<i64: 1000, 128>}, {transform_indices = @transform_5, window_bounds = array<i64: 1000, 128>}, {pipeline_mode = #tpu.pipeline_mode<synchronous>, transform_indices = @transform_6, window_bounds = array<i64: 128, 64>}, {pipeline_mode = #tpu.pipeline_mode<synchronous>, transform_indices = @transform_7, window_bounds = array<i64: 128, 64>}, {pipeline_mode = #tpu.pipeline_mode<synchronous>, transform_indices = @transform_8, window_bounds = array<i64: 128, 64>}, {pipeline_mode = #tpu.pipeline_mode<synchronous>, transform_indices = @transform_9, window_bounds = array<i64: 1, 64>}, {transform_indices = @transform_10, window_bounds = array<i64: 1000, 64>}]} {
    %get3A = arith.constant 0 : index
    %get3A_0 = arith.constant 0 : index
    %get3A_1 = vector.load %arg3[%get3A, %get3A_0] : memref<1000x1xf32, #tpu.memory_space<vmem>>, vector<1000x1xf32>
    %get3A_2 = arith.constant 0 : index
    %get3A_3 = arith.constant 0 : index
    %get3A_4 = vector.load %arg1[%get3A_2, %get3A_3] : memref<1000x128xf32, #tpu.memory_space<vmem>>, vector<1000x128xf32>
    %get3A_5 = arith.constant 0 : index
    %get3A_6 = arith.constant 0 : index
    %get3A_7 = vector.load %arg2[%get3A_5, %get3A_6] : memref<1000x128xf32, #tpu.memory_space<vmem>>, vector<1000x128xf32>
    %add3A = arith.addf %get3A_4, %get3A_7 : vector<1000x128xf32>
    %mul3A = vector.broadcast %get3A_1 : vector<1000x1xf32> to vector<1000x128xf32>
    %mul3A_8 = arith.mulf %mul3A, %add3A : vector<1000x128xf32>
    %get3A_9 = arith.constant 0 : index
    %get3A_10 = arith.constant 0 : index
    %get3A_11 = vector.load %arg4[%get3A_9, %get3A_10] : memref<1x128xf32, #tpu.memory_space<vmem>>, vector<1x128xf32>
    %add3A_12 = vector.broadcast %get3A_11 : vector<1x128xf32> to vector<1000x128xf32>
    %add3A_13 = arith.addf %mul3A_8, %add3A_12 : vector<1000x128xf32>
    %get3A_14 = arith.constant 0 : index
    %get3A_15 = arith.constant 0 : index
    %get3A_16 = vector.load %arg5[%get3A_14, %get3A_15] : memref<1000x128xf32, #tpu.memory_space<vmem>>, vector<1000x128xf32>
    %get3A_17 = arith.constant 0 : index
    %get3A_18 = arith.constant 0 : index
    %get3A_19 = vector.load %arg7[%get3A_17, %get3A_18] : memref<128x64xf32, #tpu.memory_space<vmem>>, vector<128x64xf32>
    %dot_general3A = arith.constant dense<0.000000e+00> : vector<1000x64xf32>
    %dot_general3A_20 = tpu.matmul %get3A_16, %get3A_19, %dot_general3A {dimension_numbers = #tpu.dot_dimension_numbers<[1], [0], [0], [1], [0, 0, 1, 1], [], []>, transpose_lhs_hint = false} : vector<1000x128xf32>, vector<128x64xf32>, vector<1000x64xf32> -> vector<1000x64xf32>
    %get3A_21 = arith.constant 0 : index
    %get3A_22 = arith.constant 0 : index
    %get3A_23 = vector.load %arg6[%get3A_21, %get3A_22] : memref<1000x128xf32, #tpu.memory_space<vmem>>, vector<1000x128xf32>
    %get3A_24 = arith.constant 0 : index
    %get3A_25 = arith.constant 0 : index
    %get3A_26 = vector.load %arg8[%get3A_24, %get3A_25] : memref<128x64xf32, #tpu.memory_space<vmem>>, vector<128x64xf32>
    %dot_general3A_27 = arith.constant dense<0.000000e+00> : vector<1000x64xf32>
    %dot_general3A_28 = tpu.matmul %get3A_23, %get3A_26, %dot_general3A_27 {dimension_numbers = #tpu.dot_dimension_numbers<[1], [0], [0], [1], [0, 0, 1, 1], [], []>, transpose_lhs_hint = false} : vector<1000x128xf32>, vector<128x64xf32>, vector<1000x64xf32> -> vector<1000x64xf32>
    %add3A_29 = arith.addf %dot_general3A_20, %dot_general3A_28 : vector<1000x64xf32>
    %get3A_30 = arith.constant 0 : index
    %get3A_31 = arith.constant 0 : index
    %get3A_32 = vector.load %arg9[%get3A_30, %get3A_31] : memref<128x64xf32, #tpu.memory_space<vmem>>, vector<128x64xf32>
    %dot_general3A_33 = arith.constant dense<0.000000e+00> : vector<1000x64xf32>
    %dot_general3A_34 = tpu.matmul %add3A_13, %get3A_32, %dot_general3A_33 {dimension_numbers = #tpu.dot_dimension_numbers<[1], [0], [0], [1], [0, 0, 1, 1], [], []>, transpose_lhs_hint = false} : vector<1000x128xf32>, vector<128x64xf32>, vector<1000x64xf32> -> vector<1000x64xf32>
    %add3A_35 = arith.addf %add3A_29, %dot_general3A_34 : vector<1000x64xf32>
    %get3A_36 = arith.constant 0 : index
    %get3A_37 = arith.constant 0 : index
    %get3A_38 = vector.load %arg10[%get3A_36, %get3A_37] : memref<1x64xf32, #tpu.memory_space<vmem>>, vector<1x64xf32>
    %add3A_39 = vector.broadcast %get3A_38 : vector<1x64xf32> to vector<1000x64xf32>
    %add3A_40 = arith.addf %add3A_35, %add3A_39 : vector<1000x64xf32>
    %swap3A = arith.constant 0 : index
    %swap3A_41 = arith.constant 0 : index
    %swap3A_42 = vector.load %arg11[%swap3A, %swap3A_41] : memref<1000x64xf32, #tpu.memory_space<vmem>>, vector<1000x64xf32>
    tpu.vector_store %arg11[%swap3A, %swap3A_41], %add3A_40 {strides = array<i32>} : memref<1000x64xf32, #tpu.memory_space<vmem>>, vector<1000x64xf32>,
    return
  }
  func.func @transform_0(%arg0: i32) -> (i32, i32) {
    %c0_i32 = arith.constant 0 : i32
    %c0_i32_0 = arith.constant 0 : i32
    return %arg0, %c0_i32 : i32, i32
  }
  func.func @transform_1(%arg0: i32) -> (i32, i32) {
    %c0_i32 = arith.constant 0 : i32
    %c0_i32_0 = arith.constant 0 : i32
    return %arg0, %c0_i32 : i32, i32
  }
  func.func @transform_2(%arg0: i32) -> (i32, i32) {
    %c0_i32 = arith.constant 0 : i32
    %c0_i32_0 = arith.constant 0 : i32
    return %arg0, %c0_i32 : i32, i32
  }
  func.func @transform_3(%arg0: i32) -> (i32, i32) {
    %c0_i32 = arith.constant 0 : i32
    %c0_i32_0 = arith.constant 0 : i32
    %c0_i32_1 = arith.constant 0 : i32
    return %c0_i32, %c0_i32_0 : i32, i32
  }
  func.func @transform_4(%arg0: i32) -> (i32, i32) {
    %c0_i32 = arith.constant 0 : i32
    %c0_i32_0 = arith.constant 0 : i32
    return %arg0, %c0_i32 : i32, i32
  }
  func.func @transform_5(%arg0: i32) -> (i32, i32) {
    %c0_i32 = arith.constant 0 : i32
    %c0_i32_0 = arith.constant 0 : i32
    return %arg0, %c0_i32 : i32, i32
  }
  func.func @transform_6(%arg0: i32) -> (i32, i32) {
    %c0_i32 = arith.constant 0 : i32
    %c0_i32_0 = arith.constant 0 : i32
    %c0_i32_1 = arith.constant 0 : i32
    return %c0_i32, %c0_i32_0 : i32, i32
  }
  func.func @transform_7(%arg0: i32) -> (i32, i32) {
    %c0_i32 = arith.constant 0 : i32
    %c0_i32_0 = arith.constant 0 : i32
    %c0_i32_1 = arith.constant 0 : i32
    return %c0_i32, %c0_i32_0 : i32, i32
  }
  func.func @transform_8(%arg0: i32) -> (i32, i32) {
    %c0_i32 = arith.constant 0 : i32
    %c0_i32_0 = arith.constant 0 : i32
    %c0_i32_1 = arith.constant 0 : i32
    return %c0_i32, %c0_i32_0 : i32, i32
  }
  func.func @transform_9(%arg0: i32) -> (i32, i32) {
    %c0_i32 = arith.constant 0 : i32
    %c0_i32_0 = arith.constant 0 : i32
    %c0_i32_1 = arith.constant 0 : i32
    return %c0_i32, %c0_i32_0 : i32, i32
  }
  func.func @transform_10(%arg0: i32) -> (i32, i32) {
    %c0_i32 = arith.constant 0 : i32
    %c0_i32_0 = arith.constant 0 : i32
    return %arg0, %c0_i32 : i32, i32
  }
}

</mosaic_0001>

<sc_bundles>
// kernel: kernel.11.cloned.1.call-start
scs
__scs_entry_jumppad:
0x0: {  	(pc) =	sbr.rel $0x88, $3  }
0x1: {  	(tag) =	ssettag $0x0;
	lr =	simm.s32 $0x1  }
0x2: {  	[smem:$0x3F97] =	sst lr;
	_ =	strace $0xD0000000  }
0x3: {  	_ = 	snop  }
0x4: {  	_ = 	snop  }
0x5: {  	_ = 	snop  }
0x6: {  	_ = 	snop  }
0x7: {  	_ = 	snop  }
__scs_overlays_trampoline_lowered:
0x8: {  	[smem:$0x3FA6] =	sst s0  }
0x9: {  	[smem:$0x3FA7] =	sst s1  }
0xa: {  	[smem:$0x3FA8] =	sst s2  }
0xb: {  	[smem:$0x3FA9] =	sst s3  }
0xc: {  	[smem:$0x3FAA] =	sst s4  }
0xd: {  	[smem:$0x3FAB] =	sst s5  }
0xe: {  	[smem:$0x3FAC] =	sst s6  }
0xf: {  	[smem:$0x3FAD] =	sst s7  }
0x10: {  	[smem:$0x3FAE] =	sst s8  }
0x11: {  	[smem:$0x3FAF] =	sst s9;
	s0 =	simm.s32 @!p0 $0x0  }
0x12: {  	s1 =	sld [smem:$0x3F95];
	s0 =	simm.s32 @p0 $0x1  }
0x13: {  	[smem:$0x3FB0] =	sst s0;
	s0 =	simm.s32 @!p1 $0x0  }
0x14: {  	s2 =	sld [smem:$0x3F94];
	s0 =	simm.s32 @p1 $0x1  }
0x15: {  	[smem:$0x3FB1] =	sst s0;
	s0 =	simm.s32 @!p2 $0x0  }
0x16: {  	s3 =	sld [smem:$0x3FDB];
	s0 =	simm.s32 @p2 $0x1  }
0x17: {  	s4 =	simm.s32 $0x1BF5;
	[smem:$0x3FB3] =	sst s0  }
0x18: {  	s0 =	sld [smem:$0x3F96];
	_ =	swait.ge [sflag:s4], $0x0  }
0x19: {  	s7 =	sld [smem:$0x3F97]  }
0x1a: {  	s8 =	sadd.s32 $0xFFFFE003, lr  }
0x1b: {  	s9 =	sadd.s32 $0xFFFFFEF7, lr;
	s5 =	simm.s32 $0xFFFFFFFF;
	p2 =	slt.u32 s8, $0xFFFFF086  }
0x1c: {  	p1 =	slt.u32 s9, $0xF7A;
	s5 =	simm.s32 @!p2 $0x0  }
0x1d: {  	s5 =	simm.s32 @p1 $0x1;
	p0 =	seq.s32 s7, s2  }
0x1e: {  	s7 =	smul.u32 @!p0 $0xF7A, s2;
	p2 =	seq.s32 @!p0 s5, $0x0  }
0x1f: {  	s9 =	smul.u32 $0xF7A, s1;
	s8 =	simm.s32 @!p0 $0x1BF5;
	p2 =	por !p2, p0  }
0x20: {  	[sflag:s8] =	ssyncset.s32 @!p0 $0xFFFFF086;
	s6 =	sadd.s32 @!p0 s3, s7;
	s7 =	simm.s32 @!p0 $0x108  }
0x21: {  	s3 =	sadd.s32 s3, s9;
	s6 =	sadd.s32 @!p0 $0x88, s6;
	s7 =	simm.s32 @p2 $0x1082  }
0x22: {  	[simem:s7], [sflag:s8] =	dma.local @!p0 [hbm:s6], $0xF7A  }
0x23: {  	s9 =	sor.u32 $0xD0000000, s2;
	s6 =	simm.s32 $0x108;
	_ =	swait.ge @!p0 [sflag:s8], $0x0  }
0x24: {  	s3 =	sadd.s32 $0x88, s3;
	s6 =	simm.s32 @!p1 $0x1082;
	[sflag:s4] =	ssyncset.s32 $0xFFFFF086  }
0x25: {  	[simem:s6], [sflag:s4] =	dma.local [hbm:s3], $0xF7A  }
0x26: {  	[smem:$0x3F97] =	sst s1;
	(tag) =	ssettag s2;
	_ =	strace s9  }
0x27: {  	s1 =	sld [smem:$0x3FA7]  }
0x28: {  	s2 =	sld [smem:$0x3FA8]  }
0x29: {  	s4 =	sld [smem:$0x3FAA]  }
0x2a: {  	p0 =	seq.s32 s5, $0x0;
	s5 =	sld [smem:$0x3FAB]  }
0x2b: {  	s6 =	sld [smem:$0x3FAC]  }
0x2c: {  	s7 =	sld [smem:$0x3FAD]  }
0x2d: {  	s3 =	simm.s32 $0x108;
	s8 =	sld [smem:$0x3FAE]  }
0x2e: {  	s3 =	simm.s32 @!p0 $0x1082;
	s9 =	sld [smem:$0x3FAF]  }
0x2f: {  	lr =	sadd.s32 s0, s3;
	s0 =	sld [smem:$0x3FA6]  }
0x30: {  	s3 =	sld [smem:$0x3FA9]  }
0x31: {  	[smem:$0x3FB2] =	sst s10  }
0x32: {  	s10 =	sld [smem:$0x3FB0];
	_ =	sdelay $0x3  }
0x33: {  	p0 =	seq.s32 s10, $0x1;
	s10 =	sld [smem:$0x3FB2];
	_ =	sdelay $0x3  }
0x34: {  	[smem:$0x3FB2] =	sst s10  }
0x35: {  	s10 =	sld [smem:$0x3FB1];
	_ =	sdelay $0x3  }
0x36: {  	p1 =	seq.s32 s10, $0x1;
	s10 =	sld [smem:$0x3FB2];
	_ =	sdelay $0x3  }
0x37: {  	[smem:$0x3FB2] =	sst s10  }
0x38: {  	s10 =	sld [smem:$0x3FB3]  }
0x39: {  	_ = 	snop;
	(pc) =	sbr.ind lr, $3  }
0x3a: {  	_ = 	snop  }
0x3b: {  	_ = 	snop  }
0x3c: {  	p2 =	seq.s32 s10, $0x1;
	s10 =	sld [smem:$0x3FB2]  }
0x3d: {  	_ =	shalt  }
0x3e: {  	_ =	shalt  }
0x3f: {  	_ =	shalt  }
0x40: {  	_ =	shalt  }
0x41: {  	_ =	shalt  }
0x42: {  	_ =	shalt  }
0x43: {  	_ =	shalt  }
0x44: {  	_ =	shalt  }
0x45: {  	_ =	shalt  }
0x46: {  	_ =	shalt  }
0x47: {  	_ =	shalt  }
0x48: {  	_ =	shalt  }
0x49: {  	_ =	shalt  }
0x4a: {  	_ =	shalt  }
0x4b: {  	_ =	shalt  }
0x4c: {  	_ =	shalt  }
0x4d: {  	_ =	shalt  }
0x4e: {  	_ =	shalt  }
0x4f: {  	_ =	shalt  }
0x50: {  	_ =	shalt  }
0x51: {  	_ =	shalt  }
0x52: {  	_ =	shalt  }
0x53: {  	_ =	shalt  }
0x54: {  	_ =	shalt  }
0x55: {  	_ =	shalt  }
0x56: {  	_ =	shalt  }
0x57: {  	_ =	shalt  }
0x58: {  	_ =	shalt  }
0x59: {  	_ =	shalt  }
0x5a: {  	_ =	shalt  }
0x5b: {  	_ =	shalt  }
0x5c: {  	_ =	shalt  }
0x5d: {  	_ =	shalt  }
0x5e: {  	_ =	shalt  }
0x5f: {  	_ =	shalt  }
0x60: {  	_ =	shalt  }
0x61: {  	_ =	shalt  }
0x62: {  	_ =	shalt  }
0x63: {  	_ =	shalt  }
0x64: {  	_ =	shalt  }
0x65: {  	_ =	shalt  }
0x66: {  	_ =	shalt  }
0x67: {  	_ =	shalt  }
0x68: {  	_ =	shalt  }
0x69: {  	_ =	shalt  }
0x6a: {  	_ =	shalt  }
0x6b: {  	_ =	shalt  }
0x6c: {  	_ =	shalt  }
0x6d: {  	_ =	shalt  }
0x6e: {  	_ =	shalt  }
0x6f: {  	_ =	shalt  }
0x70: {  	_ =	shalt  }
0x71: {  	_ =	shalt  }
0x72: {  	_ =	shalt  }
0x73: {  	_ =	shalt  }
0x74: {  	_ =	shalt  }
0x75: {  	_ =	shalt  }
0x76: {  	_ =	shalt  }
0x77: {  	_ =	shalt  }
0x78: {  	_ =	shalt  }
0x79: {  	_ =	shalt  }
0x7a: {  	_ =	shalt  }
0x7b: {  	_ =	shalt  }
0x7c: {  	_ =	shalt  }
0x7d: {  	_ =	shalt  }
0x7e: {  	_ =	shalt  }
0x7f: {  	_ =	shalt  }
0x80: {  	_ =	shalt  }
0x81: {  	_ =	shalt  }
0x82: {  	_ =	shalt  }
0x83: {  	_ =	shalt  }
0x84: {  	_ =	shalt  }
0x85: {  	_ =	shalt  }
0x86: {  	_ =	shalt  }
0x87: {  	_ =	shalt  }
.Lfunc_end0:
.L_simem_size_0:
called_computation.1_lowered:
.L_overlay_start_0:
0x88: {  	s2 =	sld [smem:$0x3FD9]  }
0x89: {  	s3 =	sld [smem:$0x3FFE];
	_ =	sdelay $0x1  }
0x8a: {  	s1 =	srdreg.scid  }
0x8b: {  	s0 =	sand.u32 $0x1, s1  }
0x8c: {  	s17 =	sshll.u32 s0, $0xA;
	s2 =	sadd.s32 s3, s2  }
0x8d: {  	s2 =	sadd.s32 s2, s17  }
0x8e: {  	[smem:$0x3FBE] =	sst s2  }
0x8f: {  	_ = 	snop  }
0x90: {  	s2 =	sld [smem:$0x3FD0];
	(tm) =	ssettm $0x1  }
0x91: {  	s18 =	sld [smem:$0x3FFB];
	_ =	sdelay $0x3  }
0x92: {  	_ =	strace s18  }
0x93: {  	s3 =	sld [smem:$0x3FFC];
	_ =	sdelay $0x3  }
0x94: {  	_ =	strace s3  }
0x95: {  	s3 =	sld [smem:$0x3FFD];
	_ =	sdelay $0x3  }
0x96: {  	_ =	strace s3  }
0x97: {  	_ =	strace $0x8FFFFFFF  }
0x98: {  	s19 =	sld [smem:$0x3FDB];
	_ =	sdelay $0x1  }
0x99: {  	s4 =	simm.s32 $_scs_section_size  }
0x9a: {  	s5 =	simm.s32 $_size__tile_overlayer_lowered;
	s6 =	simm.s32 $_tile_overlayer_lowered  }
0x9b: {  	s22 =	simm.s32 $0x1BFF;
	s21 =	sshll.u32 s6, $0x1;
	s3 =	sadd.s32 s4, s19  }
0x9c: {  	s7 =	simm.s32 $0x0;
	s20 =	sshll.u32 s5, $0x1;
	s5 =	sadd.s32 s21, s3  }
0x9d: {  	[timem:s7], [sflag:s22] =	dma.local [hbm:s5], s20  }
0x9e: {  	_ =	swait.ge [sflag:s22], s20  }
0x9f: {  	s4 =	ssub.s32 $0x0, s20;
	[sflag:s22] =	ssyncset.done $0x0  }
0xa0: {  	[sflag:s22] =	ssyncadd.s32 s4;
	_ =	sdelay $0x1  }
0xa1: {  	s23 =	simm.s32 $0x1B8B  }
0xa2: {  	_ =	swait.ge [sflag:s23], $0x1  }
0xa3: {  	[sflag:s23] =	ssyncset.done $0x0  }
0xa4: {  	s25 =	simm.s32 $0x1B8E;
	s24 =	sld [smem:$0x3FFE];
	[sflag:s23] =	ssyncadd.s32 $0xFFFFFFFF  }
0xa5: {  	s26 =	simm.s32 $execute0_lowered;
	[smem:$0x3FD2] =	sst s25  }
0xa6: {  	s5 =	sshll.u32 s26, $0x1;
	_ =	strace $0x80000049;
	[dreg:$0x1] =	wrdreg $0xFFFFFFFF  }
0xa7: {  	s28 =	simm.s32 $_size_execute0_lowered;
	s3 =	sadd.s32 s3, s5;
	[dreg:$0x0] =	wrdreg $0x0  }
0xa8: {  	s5 =	sshll.u32 s28, $0x1;
	[dreg:$0x2] =	wrdreg s3  }
0xa9: {  	[dreg:$0x3] =	wrdreg s5  }
0xaa: {  	[dreg:$0x4] =	wrdreg $0xC0  }
0xab: {  	_ =	task [dreg:s7], $0x5FFFF  }
0xac: {  	[dreg:$0x1] =	wrdreg $0xFFFFFFFF  }
0xad: {  	[dreg:$0x0] =	wrdreg $0x60  }
0xae: {  	[dreg:$0x2] =	wrdreg s24  }
0xaf: {  	[dreg:$0x3] =	wrdreg s2  }
0xb0: {  	[dreg:$0x4] =	wrdreg $0x81000  }
0xb1: {  	[dreg:$0x5] =	wrdreg $0x9  }
0xb2: {  	_ =	task.clear_ibuf [dreg:s7], $0x6FFFF;
	_ =	strace $0x90000049  }
0xb3: {  	s29 =	simm.s32 $0x9;
	_ =	strace $0x8000004B  }
0xb4: {  	_ =	swait.ge [sflag:s29], $0x1  }
0xb5: {  	[sflag:s29] =	ssyncadd.s32 $0xFFFFFFFF  }
0xb6: {  	_ =	strace $0x9000004B  }
0xb7: {  	_ =	sfence  }
0xb8: {  	s30 =	sld [smem:$0x0];
	_ =	sdelay $0x2  }
0xb9: {  	s31 =	sshll.u32 s1, $0xD;
	s1 =	sshrl.u32 s1, $0x2  }
0xba: {  	s3 =	sand.u32 $0x4000, s31;
	s1 =	sadd.s32 s1, s30  }
0xbb: {  	s0 =	sor.u32 s3, s0;
	s1 =	sshll.u32 s1, $0x11  }
0xbc: {  	s0 =	sor.u32 s1, s0  }
0xbd: {  	s0 =	sadd.s32 $0x8F2B, s0  }
0xbe: {  	[sflag:s0] =	ssyncadd.remote.s32 $0x1  }
0xbf: {  	_ =	sfence.sel $0xFFFF  }
0xc0: {  	[dreg:$0x0] =	wrdreg $0xFFFFFFFF;
	(pc) =	sbr.abs _section_cstart, $3  }
0xc1: {  	[dreg:$0x1] =	wrdreg $0xFFFFFFFF  }
0xc2: {  	_ =	task.clear_ibuf [dreg:s7], $0x2FFFF;
	_ =	strace $0x9FFFFFFF  }
0xc3: {  	(tm) =	ssettm $0x7FFFFFFF  }
tec
execute0_lowered:
.L_overlay_start_1:
0x0: {  	(tag) =	ssettag $0x1  }
0x1: {  	s5 =	rddreg [dreg:$0x0]  }
0x2: {  	s13 =	rddreg [dreg:$0x1]  }
0x3: {  	s1 =	rddreg [dreg:$0x2]  }
0x4: {  	s0 =	rddreg [dreg:$0x3];
	s3 =	simm.s32 $0x0;
	s2 =	stileid.u32  }
0x5: {  	s4 =	srdreg.scid;
	s10 =	simm.s32 $0x4F;
	s9 =	smul.u32 $0x280, s2  }
0x6: {  	[smem:$0x7FF] =	sst s3;
	s6 =	sand.u32 $0x1, s4;
	s26 =	smul.u32 $0x50000, s2  }
0x7: {  	s25 =	sshll.u32 s2, $0x8;
	s4 =	sadd.s32 $0xCA00, s5;
	s20 =	smul.u32 $0x2800, s2  }
0x8: {  	p0 =	slt.u32 s2, $0x2;
	s7 =	sshll.u32 s6, $0x7;
	s8 =	smul.u32 $0x28000, s6  }
0x9: {  	_ =	strace $0x8000004A;
	s28 =	ssub.s32 $0x2, s6;
	s10 =	simm.s32 @!p0 $0x4E  }
0xa: {  	s7 =	sor.u32 s7, s25;
	s6 =	sshrl.u32 s28, $0x1;
	s15 =	sadd.s32 $0x80, s9  }
0xb: {  	s17 =	sadd.s32 $0x100, s9;
	s18 =	sadd.s32 $0x180, s9;
	s19 =	sadd.s32 $0x200, s9  }
0xc: {  	s14 =	sshrl.u32 s7, $0x3;
	s11 =	sadd.s32 s8, s5;
	s7 =	sshrl.u32 s26, $0x2  }
0xd: {  	s16 =	ssub.s32 s28, s6;
	s29 =	sshll.u32 s15, $0x7;
	s30 =	sshll.u32 s17, $0x7  }
0xe: {  	s31 =	sshll.u32 s18, $0x7;
	s9 =	sshll.u32 s19, $0x7;
	s21 =	sshll.u32 s15, $0x4  }
0xf: {  	s22 =	sshll.u32 s17, $0x4;
	s24 =	sshll.u32 s18, $0x4;
	s25 =	sshll.u32 s19, $0x4  }
0x10: {  	s15 =	simm.s32 $0x2;
	s17 =	simm.s32 $0x100;
	s18 =	simm.s32 $0x1  }
0x11: {  	s12 =	sadd.s32 s14, s5;
	s5 =	sadd.s32 s7, s1;
	s6 =	sadd.s32 s29, s1  }
0x12: {  	s7 =	sadd.s32 s30, s1;
	s8 =	sadd.s32 s31, s1;
	s9 =	sadd.s32 s9, s1  }
0x13: {  	s23 =	sadd.s32 $0x33C00, s11;
	s11 =	smax.u32 s16, $0x1;
	s13 =	sadd.s32 s14, s13  }
0x14: {  	s14 =	simm.s32 $0x4100;
	s16 =	simm.s32 $0x80;
	s12 =	sadd.s32 $0x2C00, s12  }
0x15: {  	s19 =	sadd.s32 s20, s23;
	s20 =	sadd.s32 s21, s23;
	s21 =	sadd.s32 s22, s23  }
0x16: {  	v0 =	vimm.f32 $0.0e+00;
	s22 =	sadd.s32 s24, s23;
	s23 =	sadd.s32 s25, s23;
	s24 =	simm.s32 $0x0  }
.LBB2_1:
0x17: {  	s25 =	simm.s32 $0x0;
	s26 =	simm.s32 $0x200  }
.LBB2_2:
0x18: {  	p0 =	sne.s32 s26, $0xFE00;
	[tilespmem:s25+$0x4170] =	vst v0  }
0x19: {  	[tilespmem:s25+$0x4100] =	vst v0  }
0x1a: {  	[tilespmem:s25+$0x4110] =	vst v0  }
.Ltmp0:
0x1b: {  	[tilespmem:s25+$0x4120] =	vst v0;
	(pc) =	sbr.rel @p0 .LBB2_2-.Ltmp0, $4  }
0x1c: {  	[tilespmem:s25+$0x4130] =	vst v0  }
0x1d: {  	[tilespmem:s25+$0x4140] =	vst v0  }
0x1e: {  	[tilespmem:s25+$0x4150] =	vst v0  }
0x1f: {  	[tilespmem:s25+$0x4160] =	vst v0;
	s25 =	sshra.s32 s26, $0x2;
	s26 =	sadd.s32 $0x200, s26  }
0x20: {  	[tilespmem:s25+$0x4170] =	vst v0  }
0x21: {  	[tilespmem:s25+$0x4100] =	vst v0  }
0x22: {  	[tilespmem:s25+$0x4110] =	vst v0  }
0x23: {  	[tilespmem:s25+$0x4120] =	vst v0  }
0x24: {  	[tilespmem:s25+$0x4130] =	vst v0  }
0x25: {  	[tilespmem:s25+$0x4140] =	vst v0  }
0x26: {  	[tilespmem:s25+$0x4150] =	vst v0  }
0x27: {  	[tilespmem:s25+$0x4160] =	vst v0  }
0x28: {  	[spmem:s5] =	stream.linear.scatter [tilespmem:s14], [sflag:$0x2], $0x4000, $0x38;
	[tilespmem:$0x1C100] =	vst v63  }
0x29: {  	_ =	swait.ge [sflag:s15], $0x4000  }
0x2a: {  	[sflag:s15] =	ssyncset.done $0x0  }
0x2b: {  	[sflag:s15] =	ssyncadd.s32 $0xFFFFC000  }
0x2c: {  	[spmem:s6] =	stream.linear.scatter [tilespmem:s14], [sflag:$0x2], $0x4000, $0x38;
	[tilespmem:$0x1C100] =	vst v63  }
0x2d: {  	_ =	swait.ge [sflag:s15], $0x4000  }
0x2e: {  	[sflag:s15] =	ssyncset.done $0x0  }
0x2f: {  	[sflag:s15] =	ssyncadd.s32 $0xFFFFC000  }
0x30: {  	[spmem:s7] =	stream.linear.scatter [tilespmem:s14], [sflag:$0x2], $0x4000, $0x38;
	[tilespmem:$0x1C100] =	vst v63  }
0x31: {  	_ =	swait.ge [sflag:s15], $0x4000  }
0x32: {  	[sflag:s15] =	ssyncset.done $0x0  }
0x33: {  	[sflag:s15] =	ssyncadd.s32 $0xFFFFC000  }
0x34: {  	[spmem:s8] =	stream.linear.scatter [tilespmem:s14], [sflag:$0x2], $0x4000, $0x38;
	[tilespmem:$0x1C100] =	vst v63  }
0x35: {  	_ =	swait.ge [sflag:s15], $0x4000  }
0x36: {  	[sflag:s15] =	ssyncset.done $0x0  }
0x37: {  	[sflag:s15] =	ssyncadd.s32 $0xFFFFC000  }
0x38: {  	[spmem:s9] =	stream.linear.scatter [tilespmem:s14], [sflag:$0x2], $0x4000, $0x38;
	[tilespmem:$0x1C100] =	vst v63  }
0x39: {  	_ =	swait.ge [sflag:s15], $0x4000  }
0x3a: {  	[sflag:s15] =	ssyncset.done $0x0  }
0x3b: {  	[sflag:s15] =	ssyncadd.s32 $0xFFFFC000  }
0x3c: {  	[bflag:$0x0] =	sbarrier.arrive $0xFFFF  }
0x3d: {  	[tilespmem:s3], [sflag:$0x2] =	stream.linear.gather [hbm4b:s13+s3], $0x80, $0x38;
	[tilespmem:$0x1C100] =	vst v63  }
0x3e: {  	_ =	swait.ge [sflag:s15], $0x80  }
0x3f: {  	[sflag:s15] =	ssyncset.done $0x0  }
0x40: {  	[sflag:s15] =	ssyncadd.s32 $0xFFFFFF80  }
0x41: {  	[tilespmem:s16], [sflag:$0x2] =	stream.linear.gather [hbm4b:s12+s3], $0x80, $0x38;
	[tilespmem:$0x1C100] =	vst v63  }
0x42: {  	_ =	swait.ge [sflag:s15], $0x80  }
0x43: {  	[sflag:s15] =	ssyncset.done $0x0  }
0x44: {  	[sflag:s15] =	ssyncadd.s32 $0xFFFFFF80  }
0x45: {  	[tilespmem:s17], [sflag:$0x1] =	stream.indirect.gather [hbm4b:s4+s16], $0x80, s3, s16, $0xb8;
	[tilespmem:$0x1C100] =	vst v63  }
0x46: {  	p0 =	sne.s32 s10, $0x1;
	_ =	swait.ge [sflag:s18], $0x4000  }
.Ltmp1:
0x47: {  	[sflag:s18] =	ssyncset.done $0x0;
	(pc) =	sbr.rel @!p0 .LBB2_5-.Ltmp1, $4  }
0x48: {  	[sflag:s18] =	ssyncadd.s32 $0xFFFFC000  }
0x49: {  	[spmem:s1] =	stream.indirect.scatter.add.f32 [tilespmem:s17], [sflag:$0x2], $0x80, s16, s16, $0xb8;
	[tilespmem:$0x1C100] =	vst v63  }
0x4a: {  	s25 =	sadd.s32 $0xFFFFFFFF, s10;
	_ =	swait.ge [sflag:s15], $0x4000  }
0x4b: {  	s26 =	smov.u32 s12;
	s28 =	smov.u32 s13;
	[sflag:s15] =	ssyncset.done $0x0  }
.LBB2_4:
0x4c: {  	[sflag:s15] =	ssyncadd.s32 $0xFFFFC000;
	s26 =	sadd.s32 $0x200, s26;
	s28 =	sadd.s32 $0x200, s28  }
0x4d: {  	[tilespmem:s3], [sflag:$0x2] =	stream.linear.gather [hbm4b:s28+s3], $0x80, $0x38;
	[tilespmem:$0x1C100] =	vst v63  }
0x4e: {  	p0 =	sne.s32 s25, $0x1;
	s25 =	sadd.s32 $0xFFFFFFFF, s25;
	_ =	swait.ge [sflag:s15], $0x80  }
0x4f: {  	[sflag:s15] =	ssyncset.done $0x0  }
0x50: {  	[sflag:s15] =	ssyncadd.s32 $0xFFFFFF80  }
0x51: {  	[tilespmem:s16], [sflag:$0x2] =	stream.linear.gather [hbm4b:s26+s3], $0x80, $0x38;
	[tilespmem:$0x1C100] =	vst v63  }
0x52: {  	_ =	swait.ge [sflag:s15], $0x80  }
0x53: {  	[sflag:s15] =	ssyncset.done $0x0  }
0x54: {  	[sflag:s15] =	ssyncadd.s32 $0xFFFFFF80  }
0x55: {  	[tilespmem:s17], [sflag:$0x1] =	stream.indirect.gather [hbm4b:s4+s16], $0x80, s3, s16, $0xb8;
	[tilespmem:$0x1C100] =	vst v63  }
0x56: {  	_ =	swait.ge [sflag:s18], $0x4000  }
.Ltmp2:
0x57: {  	[sflag:s18] =	ssyncset.done $0x0;
	(pc) =	sbr.rel @p0 .LBB2_4-.Ltmp2, $4  }
0x58: {  	[sflag:s18] =	ssyncadd.s32 $0xFFFFC000  }
0x59: {  	[spmem:s1] =	stream.indirect.scatter.add.f32 [tilespmem:s17], [sflag:$0x2], $0x80, s16, s16, $0xb8;
	[tilespmem:$0x1C100] =	vst v63  }
0x5a: {  	_ =	swait.ge [sflag:s15], $0x4000  }
0x5b: {  	[sflag:s15] =	ssyncset.done $0x0  }
.LBB2_5:
0x5c: {  	[sflag:s15] =	ssyncadd.s32 $0xFFFFC000;
	s25 =	sshll.u32 s2, $0x6  }
0x5d: {  	s26 =	sshrl.u32 s5, $0x3;
	[bflag:$0x0] =	sbarrier.arrive $0xFFFF;
	s25 =	sor.u32 $0x1C02, s25  }
0x5e: {  	[hbm:s19], [sflag:s25] =	dma.local [spmem:s26], $0x800  }
0x5f: {  	_ =	swait.ge [sflag:s15], $0x800  }
0x60: {  	[sflag:s15] =	ssyncset.done $0x0  }
0x61: {  	s28 =	sshrl.u32 s6, $0x3;
	[sflag:s15] =	ssyncadd.s32 $0xFFFFF800  }
0x62: {  	[hbm:s20], [sflag:s25] =	dma.local [spmem:s28], $0x800  }
0x63: {  	_ =	swait.ge [sflag:s15], $0x800  }
0x64: {  	[sflag:s15] =	ssyncset.done $0x0  }
0x65: {  	s29 =	sshrl.u32 s7, $0x3;
	[sflag:s15] =	ssyncadd.s32 $0xFFFFF800  }
0x66: {  	[hbm:s21], [sflag:s25] =	dma.local [spmem:s29], $0x800  }
0x67: {  	_ =	swait.ge [sflag:s15], $0x800  }
0x68: {  	[sflag:s15] =	ssyncset.done $0x0  }
0x69: {  	s30 =	sshrl.u32 s8, $0x3;
	[sflag:s15] =	ssyncadd.s32 $0xFFFFF800  }
0x6a: {  	[hbm:s22], [sflag:s25] =	dma.local [spmem:s30], $0x800  }
0x6b: {  	s24 =	sadd.s32 $0x1, s24;
	_ =	swait.ge [sflag:s15], $0x800  }
0x6c: {  	p0 =	sne.s32 s24, s11;
	[sflag:s15] =	ssyncset.done $0x0  }
.Ltmp3:
0x6d: {  	s31 =	sshrl.u32 s9, $0x3;
	[sflag:s15] =	ssyncadd.s32 $0xFFFFF800;
	(pc) =	sbr.rel @p0 .LBB2_1-.Ltmp3, $4  }
0x6e: {  	[hbm:s23], [sflag:s25] =	dma.local [spmem:s31], $0x800  }
0x6f: {  	_ =	swait.ge [sflag:s15], $0x800  }
0x70: {  	[sflag:s15] =	ssyncset.done $0x0  }
0x71: {  	[sflag:s15] =	ssyncadd.s32 $0xFFFFF800  }
0x72: {  	_ =	sfence.sel $0x180000  }
0x73: {  	[bflag:$0x0] =	sbarrier.arrive $0xFFFF  }
0x74: {  	p0 =	sne.s32 s2, $0x0;
	_ =	strace $0x9000004A  }
0x75: {  	s0 =	sadd.s32 @!p0 $0x100000, s0;
	[bflag:$0x2] =	sbarrier.arrive $0xFFFF  }
0x76: {  	[sflag:s0] =	ssyncadd.tile.s32 @!p0 $0x1;
	_ =	shalt  }
.Lfunc_end2:
_tile_overlayer_lowered:
.L_overlay_start_2:
0x77: {  	(tag) =	ssettag $0x2  }
0x78: {  	s0 =	rddreg [dreg:$0x0];
	s2 =	stileid.u32  }
0x79: {  	s1 =	rddreg [dreg:$0x1];
	p0 =	sne.s32 s2, $0x0  }
0x7a: {  	s3 =	rddreg [dreg:$0x2];
	[bflag:$0x3] =	sbarrier.arrive $0xFFFF;
	s2 =	simm.s32 @!p0 $0x1C02  }
0x7b: {  	[timem:s3], [sflag:s2] =	dma.local @!p0 [hbm:s0], s1  }
0x7c: {  	s0 =	simm.s32 @!p0 $0x2  }
0x7d: {  	_ =	swait.ge @!p0 [sflag:s0], s1  }
0x7e: {  	s1 =	ssub.s32 @!p0 $0x0, s1;
	[sflag:s0] =	ssyncset.done @!p0 $0x0  }
0x7f: {  	[sflag:s0] =	ssyncadd.s32 @!p0 s1  }
0x80: {  	[bflag:$0x3] =	sbarrier.arrive $0xFFFF  }
0x81: {  	_ =	shalt  }

// kernel: kernel.14.cloned.1.call-start
scs
__scs_entry_jumppad:
0x0: {  	(pc) =	sbr.rel $0x88, $3  }
0x1: {  	(tag) =	ssettag $0x0;
	lr =	simm.s32 $0x1  }
0x2: {  	[smem:$0x3F97] =	sst lr;
	_ =	strace $0xD0000000  }
0x3: {  	_ = 	snop  }
0x4: {  	_ = 	snop  }
0x5: {  	_ = 	snop  }
0x6: {  	_ = 	snop  }
0x7: {  	_ = 	snop  }
__scs_overlays_trampoline_lowered:
0x8: {  	[smem:$0x3FA6] =	sst s0  }
0x9: {  	[smem:$0x3FA7] =	sst s1  }
0xa: {  	[smem:$0x3FA8] =	sst s2  }
0xb: {  	[smem:$0x3FA9] =	sst s3  }
0xc: {  	[smem:$0x3FAA] =	sst s4  }
0xd: {  	[smem:$0x3FAB] =	sst s5  }
0xe: {  	[smem:$0x3FAC] =	sst s6  }
0xf: {  	[smem:$0x3FAD] =	sst s7  }
0x10: {  	[smem:$0x3FAE] =	sst s8  }
0x11: {  	[smem:$0x3FAF] =	sst s9;
	s0 =	simm.s32 @!p0 $0x0  }
0x12: {  	s1 =	sld [smem:$0x3F95];
	s0 =	simm.s32 @p0 $0x1  }
0x13: {  	[smem:$0x3FB0] =	sst s0;
	s0 =	simm.s32 @!p1 $0x0  }
0x14: {  	s2 =	sld [smem:$0x3F94];
	s0 =	simm.s32 @p1 $0x1  }
0x15: {  	[smem:$0x3FB1] =	sst s0;
	s0 =	simm.s32 @!p2 $0x0  }
0x16: {  	s3 =	sld [smem:$0x3FDB];
	s0 =	simm.s32 @p2 $0x1  }
0x17: {  	s4 =	simm.s32 $0x1BF5;
	[smem:$0x3FB3] =	sst s0  }
0x18: {  	s0 =	sld [smem:$0x3F96];
	_ =	swait.ge [sflag:s4], $0x0  }
0x19: {  	s7 =	sld [smem:$0x3F97]  }
0x1a: {  	s8 =	sadd.s32 $0xFFFFE003, lr  }
0x1b: {  	s9 =	sadd.s32 $0xFFFFFEF7, lr;
	s5 =	simm.s32 $0xFFFFFFFF;
	p2 =	slt.u32 s8, $0xFFFFF086  }
0x1c: {  	p1 =	slt.u32 s9, $0xF7A;
	s5 =	simm.s32 @!p2 $0x0  }
0x1d: {  	s5 =	simm.s32 @p1 $0x1;
	p0 =	seq.s32 s7, s2  }
0x1e: {  	s7 =	smul.u32 @!p0 $0xF7A, s2;
	p2 =	seq.s32 @!p0 s5, $0x0  }
0x1f: {  	s9 =	smul.u32 $0xF7A, s1;
	s8 =	simm.s32 @!p0 $0x1BF5;
	p2 =	por !p2, p0  }
0x20: {  	[sflag:s8] =	ssyncset.s32 @!p0 $0xFFFFF086;
	s6 =	sadd.s32 @!p0 s3, s7;
	s7 =	simm.s32 @!p0 $0x108  }
0x21: {  	s3 =	sadd.s32 s3, s9;
	s6 =	sadd.s32 @!p0 $0x88, s6;
	s7 =	simm.s32 @p2 $0x1082  }
0x22: {  	[simem:s7], [sflag:s8] =	dma.local @!p0 [hbm:s6], $0xF7A  }
0x23: {  	s9 =	sor.u32 $0xD0000000, s2;
	s6 =	simm.s32 $0x108;
	_ =	swait.ge @!p0 [sflag:s8], $0x0  }
0x24: {  	s3 =	sadd.s32 $0x88, s3;
	s6 =	simm.s32 @!p1 $0x1082;
	[sflag:s4] =	ssyncset.s32 $0xFFFFF086  }
0x25: {  	[simem:s6], [sflag:s4] =	dma.local [hbm:s3], $0xF7A  }
0x26: {  	[smem:$0x3F97] =	sst s1;
	(tag) =	ssettag s2;
	_ =	strace s9  }
0x27: {  	s1 =	sld [smem:$0x3FA7]  }
0x28: {  	s2 =	sld [smem:$0x3FA8]  }
0x29: {  	s4 =	sld [smem:$0x3FAA]  }
0x2a: {  	p0 =	seq.s32 s5, $0x0;
	s5 =	sld [smem:$0x3FAB]  }
0x2b: {  	s6 =	sld [smem:$0x3FAC]  }
0x2c: {  	s7 =	sld [smem:$0x3FAD]  }
0x2d: {  	s3 =	simm.s32 $0x108;
	s8 =	sld [smem:$0x3FAE]  }
0x2e: {  	s3 =	simm.s32 @!p0 $0x1082;
	s9 =	sld [smem:$0x3FAF]  }
0x2f: {  	lr =	sadd.s32 s0, s3;
	s0 =	sld [smem:$0x3FA6]  }
0x30: {  	s3 =	sld [smem:$0x3FA9]  }
0x31: {  	[smem:$0x3FB2] =	sst s10  }
0x32: {  	s10 =	sld [smem:$0x3FB0];
	_ =	sdelay $0x3  }
0x33: {  	p0 =	seq.s32 s10, $0x1;
	s10 =	sld [smem:$0x3FB2];
	_ =	sdelay $0x3  }
0x34: {  	[smem:$0x3FB2] =	sst s10  }
0x35: {  	s10 =	sld [smem:$0x3FB1];
	_ =	sdelay $0x3  }
0x36: {  	p1 =	seq.s32 s10, $0x1;
	s10 =	sld [smem:$0x3FB2];
	_ =	sdelay $0x3  }
0x37: {  	[smem:$0x3FB2] =	sst s10  }
0x38: {  	s10 =	sld [smem:$0x3FB3]  }
0x39: {  	_ = 	snop;
	(pc) =	sbr.ind lr, $3  }
0x3a: {  	_ = 	snop  }
0x3b: {  	_ = 	snop  }
0x3c: {  	p2 =	seq.s32 s10, $0x1;
	s10 =	sld [smem:$0x3FB2]  }
0x3d: {  	_ =	shalt  }
0x3e: {  	_ =	shalt  }
0x3f: {  	_ =	shalt  }
0x40: {  	_ =	shalt  }
0x41: {  	_ =	shalt  }
0x42: {  	_ =	shalt  }
0x43: {  	_ =	shalt  }
0x44: {  	_ =	shalt  }
0x45: {  	_ =	shalt  }
0x46: {  	_ =	shalt  }
0x47: {  	_ =	shalt  }
0x48: {  	_ =	shalt  }
0x49: {  	_ =	shalt  }
0x4a: {  	_ =	shalt  }
0x4b: {  	_ =	shalt  }
0x4c: {  	_ =	shalt  }
0x4d: {  	_ =	shalt  }
0x4e: {  	_ =	shalt  }
0x4f: {  	_ =	shalt  }
0x50: {  	_ =	shalt  }
0x51: {  	_ =	shalt  }
0x52: {  	_ =	shalt  }
0x53: {  	_ =	shalt  }
0x54: {  	_ =	shalt  }
0x55: {  	_ =	shalt  }
0x56: {  	_ =	shalt  }
0x57: {  	_ =	shalt  }
0x58: {  	_ =	shalt  }
0x59: {  	_ =	shalt  }
0x5a: {  	_ =	shalt  }
0x5b: {  	_ =	shalt  }
0x5c: {  	_ =	shalt  }
0x5d: {  	_ =	shalt  }
0x5e: {  	_ =	shalt  }
0x5f: {  	_ =	shalt  }
0x60: {  	_ =	shalt  }
0x61: {  	_ =	shalt  }
0x62: {  	_ =	shalt  }
0x63: {  	_ =	shalt  }
0x64: {  	_ =	shalt  }
0x65: {  	_ =	shalt  }
0x66: {  	_ =	shalt  }
0x67: {  	_ =	shalt  }
0x68: {  	_ =	shalt  }
0x69: {  	_ =	shalt  }
0x6a: {  	_ =	shalt  }
0x6b: {  	_ =	shalt  }
0x6c: {  	_ =	shalt  }
0x6d: {  	_ =	shalt  }
0x6e: {  	_ =	shalt  }
0x6f: {  	_ =	shalt  }
0x70: {  	_ =	shalt  }
0x71: {  	_ =	shalt  }
0x72: {  	_ =	shalt  }
0x73: {  	_ =	shalt  }
0x74: {  	_ =	shalt  }
0x75: {  	_ =	shalt  }
0x76: {  	_ =	shalt  }
0x77: {  	_ =	shalt  }
0x78: {  	_ =	shalt  }
0x79: {  	_ =	shalt  }
0x7a: {  	_ =	shalt  }
0x7b: {  	_ =	shalt  }
0x7c: {  	_ =	shalt  }
0x7d: {  	_ =	shalt  }
0x7e: {  	_ =	shalt  }
0x7f: {  	_ =	shalt  }
0x80: {  	_ =	shalt  }
0x81: {  	_ =	shalt  }
0x82: {  	_ =	shalt  }
0x83: {  	_ =	shalt  }
0x84: {  	_ =	shalt  }
0x85: {  	_ =	shalt  }
0x86: {  	_ =	shalt  }
0x87: {  	_ =	shalt  }
.Lfunc_end0:
.L_simem_size_0:
called_computation.2_lowered:
.L_overlay_start_0:
0x88: {  	s2 =	sld [smem:$0x3FD9]  }
0x89: {  	s3 =	sld [smem:$0x3FFE];
	_ =	sdelay $0x1  }
0x8a: {  	s1 =	srdreg.scid  }
0x8b: {  	s0 =	sand.u32 $0x1, s1  }
0x8c: {  	s17 =	sshll.u32 s0, $0xA;
	s2 =	sadd.s32 s3, s2  }
0x8d: {  	s2 =	sadd.s32 s2, s17  }
0x8e: {  	[smem:$0x3FBE] =	sst s2  }
0x8f: {  	_ = 	snop  }
0x90: {  	s2 =	sld [smem:$0x3FD0];
	(tm) =	ssettm $0x1  }
0x91: {  	s18 =	sld [smem:$0x3FFB];
	_ =	sdelay $0x3  }
0x92: {  	_ =	strace s18  }
0x93: {  	s3 =	sld [smem:$0x3FFC];
	_ =	sdelay $0x3  }
0x94: {  	_ =	strace s3  }
0x95: {  	s3 =	sld [smem:$0x3FFD];
	_ =	sdelay $0x3  }
0x96: {  	_ =	strace s3  }
0x97: {  	_ =	strace $0x8FFFFFFF  }
0x98: {  	s19 =	sld [smem:$0x3FDB];
	_ =	sdelay $0x1  }
0x99: {  	s4 =	simm.s32 $_scs_section_size  }
0x9a: {  	s5 =	simm.s32 $_size__tile_overlayer_lowered;
	s6 =	simm.s32 $_tile_overlayer_lowered  }
0x9b: {  	s22 =	simm.s32 $0x1BFF;
	s21 =	sshll.u32 s6, $0x1;
	s3 =	sadd.s32 s4, s19  }
0x9c: {  	s7 =	simm.s32 $0x0;
	s20 =	sshll.u32 s5, $0x1;
	s5 =	sadd.s32 s21, s3  }
0x9d: {  	[timem:s7], [sflag:s22] =	dma.local [hbm:s5], s20  }
0x9e: {  	_ =	swait.ge [sflag:s22], s20  }
0x9f: {  	s4 =	ssub.s32 $0x0, s20;
	[sflag:s22] =	ssyncset.done $0x0  }
0xa0: {  	[sflag:s22] =	ssyncadd.s32 s4;
	_ =	sdelay $0x1  }
0xa1: {  	s23 =	simm.s32 $0x1B8B  }
0xa2: {  	_ =	swait.ge [sflag:s23], $0x1  }
0xa3: {  	[sflag:s23] =	ssyncset.done $0x0  }
0xa4: {  	s25 =	simm.s32 $0x1B8E;
	s24 =	sld [smem:$0x3FFE];
	[sflag:s23] =	ssyncadd.s32 $0xFFFFFFFF  }
0xa5: {  	s26 =	simm.s32 $execute0_lowered;
	[smem:$0x3FD2] =	sst s25  }
0xa6: {  	s5 =	sshll.u32 s26, $0x1;
	_ =	strace $0x8000004C;
	[dreg:$0x1] =	wrdreg $0xFFFFFFFF  }
0xa7: {  	s28 =	simm.s32 $_size_execute0_lowered;
	s3 =	sadd.s32 s3, s5;
	[dreg:$0x0] =	wrdreg $0x0  }
0xa8: {  	s5 =	sshll.u32 s28, $0x1;
	[dreg:$0x2] =	wrdreg s3  }
0xa9: {  	[dreg:$0x3] =	wrdreg s5  }
0xaa: {  	[dreg:$0x4] =	wrdreg $0xC0  }
0xab: {  	_ =	task [dreg:s7], $0x5FFFF  }
0xac: {  	[dreg:$0x1] =	wrdreg $0xFFFFFFFF  }
0xad: {  	[dreg:$0x0] =	wrdreg $0x60  }
0xae: {  	[dreg:$0x2] =	wrdreg s24  }
0xaf: {  	[dreg:$0x3] =	wrdreg s2  }
0xb0: {  	[dreg:$0x4] =	wrdreg $0x81000  }
0xb1: {  	[dreg:$0x5] =	wrdreg $0x9  }
0xb2: {  	_ =	task.clear_ibuf [dreg:s7], $0x6FFFF;
	_ =	strace $0x9000004C  }
0xb3: {  	s29 =	simm.s32 $0x9;
	_ =	strace $0x8000004E  }
0xb4: {  	_ =	swait.ge [sflag:s29], $0x1  }
0xb5: {  	[sflag:s29] =	ssyncadd.s32 $0xFFFFFFFF  }
0xb6: {  	_ =	strace $0x9000004E  }
0xb7: {  	_ =	sfence  }
0xb8: {  	s30 =	sld [smem:$0x0];
	_ =	sdelay $0x2  }
0xb9: {  	s31 =	sshll.u32 s1, $0xD;
	s1 =	sshrl.u32 s1, $0x2  }
0xba: {  	s3 =	sand.u32 $0x4000, s31;
	s1 =	sadd.s32 s1, s30  }
0xbb: {  	s0 =	sor.u32 s3, s0;
	s1 =	sshll.u32 s1, $0x11  }
0xbc: {  	s0 =	sor.u32 s1, s0  }
0xbd: {  	s0 =	sadd.s32 $0x8F2B, s0  }
0xbe: {  	[sflag:s0] =	ssyncadd.remote.s32 $0x1  }
0xbf: {  	_ =	sfence.sel $0xFFFF  }
0xc0: {  	[dreg:$0x0] =	wrdreg $0xFFFFFFFF;
	(pc) =	sbr.abs _section_cstart, $3  }
0xc1: {  	[dreg:$0x1] =	wrdreg $0xFFFFFFFF  }
0xc2: {  	_ =	task.clear_ibuf [dreg:s7], $0x2FFFF;
	_ =	strace $0x9FFFFFFF  }
0xc3: {  	(tm) =	ssettm $0x7FFFFFFF  }
tec
execute0_lowered:
.L_overlay_start_1:
0x0: {  	(tag) =	ssettag $0x1  }
0x1: {  	s5 =	rddreg [dreg:$0x0]  }
0x2: {  	s13 =	rddreg [dreg:$0x1]  }
0x3: {  	s1 =	rddreg [dreg:$0x2]  }
0x4: {  	s0 =	rddreg [dreg:$0x3];
	s3 =	simm.s32 $0x0;
	s2 =	stileid.u32  }
0x5: {  	s4 =	srdreg.scid;
	s10 =	simm.s32 $0x4F;
	s9 =	smul.u32 $0x280, s2  }
0x6: {  	[smem:$0x7FF] =	sst s3;
	s6 =	sand.u32 $0x1, s4;
	s26 =	smul.u32 $0x50000, s2  }
0x7: {  	s25 =	sshll.u32 s2, $0x8;
	s4 =	sadd.s32 $0xCA00, s5;
	s20 =	smul.u32 $0x2800, s2  }
0x8: {  	p0 =	slt.u32 s2, $0x2;
	s7 =	sshll.u32 s6, $0x7;
	s8 =	smul.u32 $0x28000, s6  }
0x9: {  	_ =	strace $0x8000004D;
	s28 =	ssub.s32 $0x2, s6;
	s10 =	simm.s32 @!p0 $0x4E  }
0xa: {  	s7 =	sor.u32 s7, s25;
	s6 =	sshrl.u32 s28, $0x1;
	s15 =	sadd.s32 $0x80, s9  }
0xb: {  	s17 =	sadd.s32 $0x100, s9;
	s18 =	sadd.s32 $0x180, s9;
	s19 =	sadd.s32 $0x200, s9  }
0xc: {  	s14 =	sshrl.u32 s7, $0x3;
	s11 =	sadd.s32 s8, s5;
	s7 =	sshrl.u32 s26, $0x2  }
0xd: {  	s16 =	ssub.s32 s28, s6;
	s29 =	sshll.u32 s15, $0x7;
	s30 =	sshll.u32 s17, $0x7  }
0xe: {  	s31 =	sshll.u32 s18, $0x7;
	s9 =	sshll.u32 s19, $0x7;
	s21 =	sshll.u32 s15, $0x4  }
0xf: {  	s22 =	sshll.u32 s17, $0x4;
	s24 =	sshll.u32 s18, $0x4;
	s25 =	sshll.u32 s19, $0x4  }
0x10: {  	s15 =	simm.s32 $0x2;
	s17 =	simm.s32 $0x100;
	s18 =	simm.s32 $0x1  }
0x11: {  	s12 =	sadd.s32 s14, s5;
	s5 =	sadd.s32 s7, s1;
	s6 =	sadd.s32 s29, s1  }
0x12: {  	s7 =	sadd.s32 s30, s1;
	s8 =	sadd.s32 s31, s1;
	s9 =	sadd.s32 s9, s1  }
0x13: {  	s23 =	sadd.s32 $0x33C00, s11;
	s11 =	smax.u32 s16, $0x1;
	s13 =	sadd.s32 s14, s13  }
0x14: {  	s14 =	simm.s32 $0x4100;
	s16 =	simm.s32 $0x80;
	s12 =	sadd.s32 $0x2C00, s12  }
0x15: {  	s19 =	sadd.s32 s20, s23;
	s20 =	sadd.s32 s21, s23;
	s21 =	sadd.s32 s22, s23  }
0x16: {  	v0 =	vimm.f32 $0.0e+00;
	s22 =	sadd.s32 s24, s23;
	s23 =	sadd.s32 s25, s23;
	s24 =	simm.s32 $0x0  }
.LBB2_1:
0x17: {  	s25 =	simm.s32 $0x0;
	s26 =	simm.s32 $0x200  }
.LBB2_2:
0x18: {  	p0 =	sne.s32 s26, $0xFE00;
	[tilespmem:s25+$0x4170] =	vst v0  }
0x19: {  	[tilespmem:s25+$0x4100] =	vst v0  }
0x1a: {  	[tilespmem:s25+$0x4110] =	vst v0  }
.Ltmp0:
0x1b: {  	[tilespmem:s25+$0x4120] =	vst v0;
	(pc) =	sbr.rel @p0 .LBB2_2-.Ltmp0, $4  }
0x1c: {  	[tilespmem:s25+$0x4130] =	vst v0  }
0x1d: {  	[tilespmem:s25+$0x4140] =	vst v0  }
0x1e: {  	[tilespmem:s25+$0x4150] =	vst v0  }
0x1f: {  	[tilespmem:s25+$0x4160] =	vst v0;
	s25 =	sshra.s32 s26, $0x2;
	s26 =	sadd.s32 $0x200, s26  }
0x20: {  	[tilespmem:s25+$0x4170] =	vst v0  }
0x21: {  	[tilespmem:s25+$0x4100] =	vst v0  }
0x22: {  	[tilespmem:s25+$0x4110] =	vst v0  }
0x23: {  	[tilespmem:s25+$0x4120] =	vst v0  }
0x24: {  	[tilespmem:s25+$0x4130] =	vst v0  }
0x25: {  	[tilespmem:s25+$0x4140] =	vst v0  }
0x26: {  	[tilespmem:s25+$0x4150] =	vst v0  }
0x27: {  	[tilespmem:s25+$0x4160] =	vst v0  }
0x28: {  	[spmem:s5] =	stream.linear.scatter [tilespmem:s14], [sflag:$0x2], $0x4000, $0x38;
	[tilespmem:$0x1C100] =	vst v63  }
0x29: {  	_ =	swait.ge [sflag:s15], $0x4000  }
0x2a: {  	[sflag:s15] =	ssyncset.done $0x0  }
0x2b: {  	[sflag:s15] =	ssyncadd.s32 $0xFFFFC000  }
0x2c: {  	[spmem:s6] =	stream.linear.scatter [tilespmem:s14], [sflag:$0x2], $0x4000, $0x38;
	[tilespmem:$0x1C100] =	vst v63  }
0x2d: {  	_ =	swait.ge [sflag:s15], $0x4000  }
0x2e: {  	[sflag:s15] =	ssyncset.done $0x0  }
0x2f: {  	[sflag:s15] =	ssyncadd.s32 $0xFFFFC000  }
0x30: {  	[spmem:s7] =	stream.linear.scatter [tilespmem:s14], [sflag:$0x2], $0x4000, $0x38;
	[tilespmem:$0x1C100] =	vst v63  }
0x31: {  	_ =	swait.ge [sflag:s15], $0x4000  }
0x32: {  	[sflag:s15] =	ssyncset.done $0x0  }
0x33: {  	[sflag:s15] =	ssyncadd.s32 $0xFFFFC000  }
0x34: {  	[spmem:s8] =	stream.linear.scatter [tilespmem:s14], [sflag:$0x2], $0x4000, $0x38;
	[tilespmem:$0x1C100] =	vst v63  }
0x35: {  	_ =	swait.ge [sflag:s15], $0x4000  }
0x36: {  	[sflag:s15] =	ssyncset.done $0x0  }
0x37: {  	[sflag:s15] =	ssyncadd.s32 $0xFFFFC000  }
0x38: {  	[spmem:s9] =	stream.linear.scatter [tilespmem:s14], [sflag:$0x2], $0x4000, $0x38;
	[tilespmem:$0x1C100] =	vst v63  }
0x39: {  	_ =	swait.ge [sflag:s15], $0x4000  }
0x3a: {  	[sflag:s15] =	ssyncset.done $0x0  }
0x3b: {  	[sflag:s15] =	ssyncadd.s32 $0xFFFFC000  }
0x3c: {  	[bflag:$0x0] =	sbarrier.arrive $0xFFFF  }
0x3d: {  	[tilespmem:s3], [sflag:$0x2] =	stream.linear.gather [hbm4b:s13+s3], $0x80, $0x38;
	[tilespmem:$0x1C100] =	vst v63  }
0x3e: {  	_ =	swait.ge [sflag:s15], $0x80  }
0x3f: {  	[sflag:s15] =	ssyncset.done $0x0  }
0x40: {  	[sflag:s15] =	ssyncadd.s32 $0xFFFFFF80  }
0x41: {  	[tilespmem:s16], [sflag:$0x2] =	stream.linear.gather [hbm4b:s12+s3], $0x80, $0x38;
	[tilespmem:$0x1C100] =	vst v63  }
0x42: {  	_ =	swait.ge [sflag:s15], $0x80  }
0x43: {  	[sflag:s15] =	ssyncset.done $0x0  }
0x44: {  	[sflag:s15] =	ssyncadd.s32 $0xFFFFFF80  }
0x45: {  	[tilespmem:s17], [sflag:$0x1] =	stream.indirect.gather [hbm4b:s4+s16], $0x80, s3, s16, $0xb8;
	[tilespmem:$0x1C100] =	vst v63  }
0x46: {  	p0 =	sne.s32 s10, $0x1;
	_ =	swait.ge [sflag:s18], $0x4000  }
.Ltmp1:
0x47: {  	[sflag:s18] =	ssyncset.done $0x0;
	(pc) =	sbr.rel @!p0 .LBB2_5-.Ltmp1, $4  }
0x48: {  	[sflag:s18] =	ssyncadd.s32 $0xFFFFC000  }
0x49: {  	[spmem:s1] =	stream.indirect.scatter.add.f32 [tilespmem:s17], [sflag:$0x2], $0x80, s16, s16, $0xb8;
	[tilespmem:$0x1C100] =	vst v63  }
0x4a: {  	s25 =	sadd.s32 $0xFFFFFFFF, s10;
	_ =	swait.ge [sflag:s15], $0x4000  }
0x4b: {  	s26 =	smov.u32 s12;
	s28 =	smov.u32 s13;
	[sflag:s15] =	ssyncset.done $0x0  }
.LBB2_4:
0x4c: {  	[sflag:s15] =	ssyncadd.s32 $0xFFFFC000;
	s26 =	sadd.s32 $0x200, s26;
	s28 =	sadd.s32 $0x200, s28  }
0x4d: {  	[tilespmem:s3], [sflag:$0x2] =	stream.linear.gather [hbm4b:s28+s3], $0x80, $0x38;
	[tilespmem:$0x1C100] =	vst v63  }
0x4e: {  	p0 =	sne.s32 s25, $0x1;
	s25 =	sadd.s32 $0xFFFFFFFF, s25;
	_ =	swait.ge [sflag:s15], $0x80  }
0x4f: {  	[sflag:s15] =	ssyncset.done $0x0  }
0x50: {  	[sflag:s15] =	ssyncadd.s32 $0xFFFFFF80  }
0x51: {  	[tilespmem:s16], [sflag:$0x2] =	stream.linear.gather [hbm4b:s26+s3], $0x80, $0x38;
	[tilespmem:$0x1C100] =	vst v63  }
0x52: {  	_ =	swait.ge [sflag:s15], $0x80  }
0x53: {  	[sflag:s15] =	ssyncset.done $0x0  }
0x54: {  	[sflag:s15] =	ssyncadd.s32 $0xFFFFFF80  }
0x55: {  	[tilespmem:s17], [sflag:$0x1] =	stream.indirect.gather [hbm4b:s4+s16], $0x80, s3, s16, $0xb8;
	[tilespmem:$0x1C100] =	vst v63  }
0x56: {  	_ =	swait.ge [sflag:s18], $0x4000  }
.Ltmp2:
0x57: {  	[sflag:s18] =	ssyncset.done $0x0;
	(pc) =	sbr.rel @p0 .LBB2_4-.Ltmp2, $4  }
0x58: {  	[sflag:s18] =	ssyncadd.s32 $0xFFFFC000  }
0x59: {  	[spmem:s1] =	stream.indirect.scatter.add.f32 [tilespmem:s17], [sflag:$0x2], $0x80, s16, s16, $0xb8;
	[tilespmem:$0x1C100] =	vst v63  }
0x5a: {  	_ =	swait.ge [sflag:s15], $0x4000  }
0x5b: {  	[sflag:s15] =	ssyncset.done $0x0  }
.LBB2_5:
0x5c: {  	[sflag:s15] =	ssyncadd.s32 $0xFFFFC000;
	s25 =	sshll.u32 s2, $0x6  }
0x5d: {  	s26 =	sshrl.u32 s5, $0x3;
	[bflag:$0x0] =	sbarrier.arrive $0xFFFF;
	s25 =	sor.u32 $0x1C02, s25  }
0x5e: {  	[hbm:s19], [sflag:s25] =	dma.local [spmem:s26], $0x800  }
0x5f: {  	_ =	swait.ge [sflag:s15], $0x800  }
0x60: {  	[sflag:s15] =	ssyncset.done $0x0  }
0x61: {  	s28 =	sshrl.u32 s6, $0x3;
	[sflag:s15] =	ssyncadd.s32 $0xFFFFF800  }
0x62: {  	[hbm:s20], [sflag:s25] =	dma.local [spmem:s28], $0x800  }
0x63: {  	_ =	swait.ge [sflag:s15], $0x800  }
0x64: {  	[sflag:s15] =	ssyncset.done $0x0  }
0x65: {  	s29 =	sshrl.u32 s7, $0x3;
	[sflag:s15] =	ssyncadd.s32 $0xFFFFF800  }
0x66: {  	[hbm:s21], [sflag:s25] =	dma.local [spmem:s29], $0x800  }
0x67: {  	_ =	swait.ge [sflag:s15], $0x800  }
0x68: {  	[sflag:s15] =	ssyncset.done $0x0  }
0x69: {  	s30 =	sshrl.u32 s8, $0x3;
	[sflag:s15] =	ssyncadd.s32 $0xFFFFF800  }
0x6a: {  	[hbm:s22], [sflag:s25] =	dma.local [spmem:s30], $0x800  }
0x6b: {  	s24 =	sadd.s32 $0x1, s24;
	_ =	swait.ge [sflag:s15], $0x800  }
0x6c: {  	p0 =	sne.s32 s24, s11;
	[sflag:s15] =	ssyncset.done $0x0  }
.Ltmp3:
0x6d: {  	s31 =	sshrl.u32 s9, $0x3;
	[sflag:s15] =	ssyncadd.s32 $0xFFFFF800;
	(pc) =	sbr.rel @p0 .LBB2_1-.Ltmp3, $4  }
0x6e: {  	[hbm:s23], [sflag:s25] =	dma.local [spmem:s31], $0x800  }
0x6f: {  	_ =	swait.ge [sflag:s15], $0x800  }
0x70: {  	[sflag:s15] =	ssyncset.done $0x0  }
0x71: {  	[sflag:s15] =	ssyncadd.s32 $0xFFFFF800  }
0x72: {  	_ =	sfence.sel $0x180000  }
0x73: {  	[bflag:$0x0] =	sbarrier.arrive $0xFFFF  }
0x74: {  	p0 =	sne.s32 s2, $0x0;
	_ =	strace $0x9000004D  }
0x75: {  	s0 =	sadd.s32 @!p0 $0x100000, s0;
	[bflag:$0x2] =	sbarrier.arrive $0xFFFF  }
0x76: {  	[sflag:s0] =	ssyncadd.tile.s32 @!p0 $0x1;
	_ =	shalt  }
.Lfunc_end2:
_tile_overlayer_lowered:
.L_overlay_start_2:
0x77: {  	(tag) =	ssettag $0x2  }
0x78: {  	s0 =	rddreg [dreg:$0x0];
	s2 =	stileid.u32  }
0x79: {  	s1 =	rddreg [dreg:$0x1];
	p0 =	sne.s32 s2, $0x0  }
0x7a: {  	s3 =	rddreg [dreg:$0x2];
	[bflag:$0x3] =	sbarrier.arrive $0xFFFF;
	s2 =	simm.s32 @!p0 $0x1C02  }
0x7b: {  	[timem:s3], [sflag:s2] =	dma.local @!p0 [hbm:s0], s1  }
0x7c: {  	s0 =	simm.s32 @!p0 $0x2  }
0x7d: {  	_ =	swait.ge @!p0 [sflag:s0], s1  }
0x7e: {  	s1 =	ssub.s32 @!p0 $0x0, s1;
	[sflag:s0] =	ssyncset.done @!p0 $0x0  }
0x7f: {  	[sflag:s0] =	ssyncadd.s32 @!p0 s1  }
0x80: {  	[bflag:$0x3] =	sbarrier.arrive $0xFFFF  }
0x81: {  	_ =	shalt  }

// kernel: kernel.8.cloned.1.call-start
scs
__scs_entry_jumppad:
0x0: {  	(pc) =	sbr.rel $0x88, $3  }
0x1: {  	(tag) =	ssettag $0x0;
	lr =	simm.s32 $0x1  }
0x2: {  	[smem:$0x3F97] =	sst lr;
	_ =	strace $0xD0000000  }
0x3: {  	_ = 	snop  }
0x4: {  	_ = 	snop  }
0x5: {  	_ = 	snop  }
0x6: {  	_ = 	snop  }
0x7: {  	_ = 	snop  }
__scs_overlays_trampoline_lowered:
0x8: {  	[smem:$0x3FA6] =	sst s0  }
0x9: {  	[smem:$0x3FA7] =	sst s1  }
0xa: {  	[smem:$0x3FA8] =	sst s2  }
0xb: {  	[smem:$0x3FA9] =	sst s3  }
0xc: {  	[smem:$0x3FAA] =	sst s4  }
0xd: {  	[smem:$0x3FAB] =	sst s5  }
0xe: {  	[smem:$0x3FAC] =	sst s6  }
0xf: {  	[smem:$0x3FAD] =	sst s7  }
0x10: {  	[smem:$0x3FAE] =	sst s8  }
0x11: {  	[smem:$0x3FAF] =	sst s9;
	s0 =	simm.s32 @!p0 $0x0  }
0x12: {  	s1 =	sld [smem:$0x3F95];
	s0 =	simm.s32 @p0 $0x1  }
0x13: {  	[smem:$0x3FB0] =	sst s0;
	s0 =	simm.s32 @!p1 $0x0  }
0x14: {  	s2 =	sld [smem:$0x3F94];
	s0 =	simm.s32 @p1 $0x1  }
0x15: {  	[smem:$0x3FB1] =	sst s0;
	s0 =	simm.s32 @!p2 $0x0  }
0x16: {  	s3 =	sld [smem:$0x3FDB];
	s0 =	simm.s32 @p2 $0x1  }
0x17: {  	s4 =	simm.s32 $0x1BF5;
	[smem:$0x3FB3] =	sst s0  }
0x18: {  	s0 =	sld [smem:$0x3F96];
	_ =	swait.ge [sflag:s4], $0x0  }
0x19: {  	s7 =	sld [smem:$0x3F97]  }
0x1a: {  	s8 =	sadd.s32 $0xFFFFE003, lr  }
0x1b: {  	s9 =	sadd.s32 $0xFFFFFEF7, lr;
	s5 =	simm.s32 $0xFFFFFFFF;
	p2 =	slt.u32 s8, $0xFFFFF086  }
0x1c: {  	p1 =	slt.u32 s9, $0xF7A;
	s5 =	simm.s32 @!p2 $0x0  }
0x1d: {  	s5 =	simm.s32 @p1 $0x1;
	p0 =	seq.s32 s7, s2  }
0x1e: {  	s7 =	smul.u32 @!p0 $0xF7A, s2;
	p2 =	seq.s32 @!p0 s5, $0x0  }
0x1f: {  	s9 =	smul.u32 $0xF7A, s1;
	s8 =	simm.s32 @!p0 $0x1BF5;
	p2 =	por !p2, p0  }
0x20: {  	[sflag:s8] =	ssyncset.s32 @!p0 $0xFFFFF086;
	s6 =	sadd.s32 @!p0 s3, s7;
	s7 =	simm.s32 @!p0 $0x108  }
0x21: {  	s3 =	sadd.s32 s3, s9;
	s6 =	sadd.s32 @!p0 $0x88, s6;
	s7 =	simm.s32 @p2 $0x1082  }
0x22: {  	[simem:s7], [sflag:s8] =	dma.local @!p0 [hbm:s6], $0xF7A  }
0x23: {  	s9 =	sor.u32 $0xD0000000, s2;
	s6 =	simm.s32 $0x108;
	_ =	swait.ge @!p0 [sflag:s8], $0x0  }
0x24: {  	s3 =	sadd.s32 $0x88, s3;
	s6 =	simm.s32 @!p1 $0x1082;
	[sflag:s4] =	ssyncset.s32 $0xFFFFF086  }
0x25: {  	[simem:s6], [sflag:s4] =	dma.local [hbm:s3], $0xF7A  }
0x26: {  	[smem:$0x3F97] =	sst s1;
	(tag) =	ssettag s2;
	_ =	strace s9  }
0x27: {  	s1 =	sld [smem:$0x3FA7]  }
0x28: {  	s2 =	sld [smem:$0x3FA8]  }
0x29: {  	s4 =	sld [smem:$0x3FAA]  }
0x2a: {  	p0 =	seq.s32 s5, $0x0;
	s5 =	sld [smem:$0x3FAB]  }
0x2b: {  	s6 =	sld [smem:$0x3FAC]  }
0x2c: {  	s7 =	sld [smem:$0x3FAD]  }
0x2d: {  	s3 =	simm.s32 $0x108;
	s8 =	sld [smem:$0x3FAE]  }
0x2e: {  	s3 =	simm.s32 @!p0 $0x1082;
	s9 =	sld [smem:$0x3FAF]  }
0x2f: {  	lr =	sadd.s32 s0, s3;
	s0 =	sld [smem:$0x3FA6]  }
0x30: {  	s3 =	sld [smem:$0x3FA9]  }
0x31: {  	[smem:$0x3FB2] =	sst s10  }
0x32: {  	s10 =	sld [smem:$0x3FB0];
	_ =	sdelay $0x3  }
0x33: {  	p0 =	seq.s32 s10, $0x1;
	s10 =	sld [smem:$0x3FB2];
	_ =	sdelay $0x3  }
0x34: {  	[smem:$0x3FB2] =	sst s10  }
0x35: {  	s10 =	sld [smem:$0x3FB1];
	_ =	sdelay $0x3  }
0x36: {  	p1 =	seq.s32 s10, $0x1;
	s10 =	sld [smem:$0x3FB2];
	_ =	sdelay $0x3  }
0x37: {  	[smem:$0x3FB2] =	sst s10  }
0x38: {  	s10 =	sld [smem:$0x3FB3]  }
0x39: {  	_ = 	snop;
	(pc) =	sbr.ind lr, $3  }
0x3a: {  	_ = 	snop  }
0x3b: {  	_ = 	snop  }
0x3c: {  	p2 =	seq.s32 s10, $0x1;
	s10 =	sld [smem:$0x3FB2]  }
0x3d: {  	_ =	shalt  }
0x3e: {  	_ =	shalt  }
0x3f: {  	_ =	shalt  }
0x40: {  	_ =	shalt  }
0x41: {  	_ =	shalt  }
0x42: {  	_ =	shalt  }
0x43: {  	_ =	shalt  }
0x44: {  	_ =	shalt  }
0x45: {  	_ =	shalt  }
0x46: {  	_ =	shalt  }
0x47: {  	_ =	shalt  }
0x48: {  	_ =	shalt  }
0x49: {  	_ =	shalt  }
0x4a: {  	_ =	shalt  }
0x4b: {  	_ =	shalt  }
0x4c: {  	_ =	shalt  }
0x4d: {  	_ =	shalt  }
0x4e: {  	_ =	shalt  }
0x4f: {  	_ =	shalt  }
0x50: {  	_ =	shalt  }
0x51: {  	_ =	shalt  }
0x52: {  	_ =	shalt  }
0x53: {  	_ =	shalt  }
0x54: {  	_ =	shalt  }
0x55: {  	_ =	shalt  }
0x56: {  	_ =	shalt  }
0x57: {  	_ =	shalt  }
0x58: {  	_ =	shalt  }
0x59: {  	_ =	shalt  }
0x5a: {  	_ =	shalt  }
0x5b: {  	_ =	shalt  }
0x5c: {  	_ =	shalt  }
0x5d: {  	_ =	shalt  }
0x5e: {  	_ =	shalt  }
0x5f: {  	_ =	shalt  }
0x60: {  	_ =	shalt  }
0x61: {  	_ =	shalt  }
0x62: {  	_ =	shalt  }
0x63: {  	_ =	shalt  }
0x64: {  	_ =	shalt  }
0x65: {  	_ =	shalt  }
0x66: {  	_ =	shalt  }
0x67: {  	_ =	shalt  }
0x68: {  	_ =	shalt  }
0x69: {  	_ =	shalt  }
0x6a: {  	_ =	shalt  }
0x6b: {  	_ =	shalt  }
0x6c: {  	_ =	shalt  }
0x6d: {  	_ =	shalt  }
0x6e: {  	_ =	shalt  }
0x6f: {  	_ =	shalt  }
0x70: {  	_ =	shalt  }
0x71: {  	_ =	shalt  }
0x72: {  	_ =	shalt  }
0x73: {  	_ =	shalt  }
0x74: {  	_ =	shalt  }
0x75: {  	_ =	shalt  }
0x76: {  	_ =	shalt  }
0x77: {  	_ =	shalt  }
0x78: {  	_ =	shalt  }
0x79: {  	_ =	shalt  }
0x7a: {  	_ =	shalt  }
0x7b: {  	_ =	shalt  }
0x7c: {  	_ =	shalt  }
0x7d: {  	_ =	shalt  }
0x7e: {  	_ =	shalt  }
0x7f: {  	_ =	shalt  }
0x80: {  	_ =	shalt  }
0x81: {  	_ =	shalt  }
0x82: {  	_ =	shalt  }
0x83: {  	_ =	shalt  }
0x84: {  	_ =	shalt  }
0x85: {  	_ =	shalt  }
0x86: {  	_ =	shalt  }
0x87: {  	_ =	shalt  }
.Lfunc_end0:
.L_simem_size_0:
called_computation_lowered:
.L_overlay_start_0:
0x88: {  	s2 =	sld [smem:$0x3FD9]  }
0x89: {  	s3 =	sld [smem:$0x3FFE];
	_ =	sdelay $0x1  }
0x8a: {  	s1 =	srdreg.scid  }
0x8b: {  	s0 =	sand.u32 $0x1, s1  }
0x8c: {  	s16 =	sshll.u32 s0, $0xA;
	s2 =	sadd.s32 s3, s2  }
0x8d: {  	s2 =	sadd.s32 s2, s16  }
0x8e: {  	[smem:$0x3FBE] =	sst s2  }
0x8f: {  	_ = 	snop  }
0x90: {  	(tm) =	ssettm $0x1  }
0x91: {  	s17 =	sld [smem:$0x3FFB];
	_ =	sdelay $0x3  }
0x92: {  	_ =	strace s17  }
0x93: {  	s2 =	sld [smem:$0x3FFC];
	_ =	sdelay $0x3  }
0x94: {  	_ =	strace s2  }
0x95: {  	s2 =	sld [smem:$0x3FFD];
	_ =	sdelay $0x3  }
0x96: {  	_ =	strace s2  }
0x97: {  	_ =	strace $0x8FFFFFFF  }
0x98: {  	s18 =	sld [smem:$0x3FDB];
	_ =	sdelay $0x1  }
0x99: {  	s19 =	simm.s32 $_scs_section_size  }
0x9a: {  	s4 =	simm.s32 $_size__tile_overlayer_lowered;
	s5 =	simm.s32 $_tile_overlayer_lowered  }
0x9b: {  	s22 =	simm.s32 $0x1BFF;
	s21 =	sshll.u32 s5, $0x1;
	s2 =	sadd.s32 s19, s18  }
0x9c: {  	s6 =	simm.s32 $0x0;
	s20 =	sshll.u32 s4, $0x1;
	s4 =	sadd.s32 s21, s2  }
0x9d: {  	[timem:s6], [sflag:s22] =	dma.local [hbm:s4], s20  }
0x9e: {  	_ =	swait.ge [sflag:s22], s20  }
0x9f: {  	s3 =	ssub.s32 $0x0, s20;
	[sflag:s22] =	ssyncset.done $0x0  }
0xa0: {  	[sflag:s22] =	ssyncadd.s32 s3;
	_ =	sdelay $0x1  }
0xa1: {  	s23 =	simm.s32 $0x1B8B  }
0xa2: {  	_ =	swait.ge [sflag:s23], $0x1  }
0xa3: {  	[sflag:s23] =	ssyncset.done $0x0  }
0xa4: {  	s25 =	simm.s32 $0x1B8E;
	s24 =	sld [smem:$0x3FFE];
	[sflag:s23] =	ssyncadd.s32 $0xFFFFFFFF  }
0xa5: {  	s26 =	simm.s32 $execute0_lowered;
	[smem:$0x3FD2] =	sst s25  }
0xa6: {  	s4 =	sshll.u32 s26, $0x1;
	_ =	strace $0x80000046;
	[dreg:$0x1] =	wrdreg $0xFFFFFFFF  }
0xa7: {  	s28 =	simm.s32 $_size_execute0_lowered;
	s2 =	sadd.s32 s2, s4;
	[dreg:$0x0] =	wrdreg $0x0  }
0xa8: {  	s4 =	sshll.u32 s28, $0x1;
	[dreg:$0x2] =	wrdreg s2  }
0xa9: {  	[dreg:$0x3] =	wrdreg s4  }
0xaa: {  	[dreg:$0x4] =	wrdreg $0xC0  }
0xab: {  	_ =	task [dreg:s6], $0x5FFFF  }
0xac: {  	[dreg:$0x1] =	wrdreg $0xFFFFFFFF  }
0xad: {  	[dreg:$0x0] =	wrdreg $0x60  }
0xae: {  	[dreg:$0x2] =	wrdreg s24  }
0xaf: {  	[dreg:$0x3] =	wrdreg $0x3800  }
0xb0: {  	[dreg:$0x4] =	wrdreg $0x9  }
0xb1: {  	_ =	task.clear_ibuf [dreg:s6], $0x5FFFF;
	_ =	strace $0x90000046  }
0xb2: {  	s29 =	simm.s32 $0x9;
	_ =	strace $0x80000048  }
0xb3: {  	_ =	swait.ge [sflag:s29], $0x1  }
0xb4: {  	[sflag:s29] =	ssyncadd.s32 $0xFFFFFFFF  }
0xb5: {  	_ =	strace $0x90000048  }
0xb6: {  	_ =	sfence  }
0xb7: {  	s30 =	sld [smem:$0x0];
	_ =	sdelay $0x2  }
0xb8: {  	s31 =	sshll.u32 s1, $0xD;
	s1 =	sshrl.u32 s1, $0x2  }
0xb9: {  	s3 =	sand.u32 $0x4000, s31;
	s1 =	sadd.s32 s1, s30  }
0xba: {  	s0 =	sor.u32 s3, s0;
	s1 =	sshll.u32 s1, $0x11  }
0xbb: {  	s0 =	sor.u32 s1, s0  }
0xbc: {  	s0 =	sadd.s32 $0x8F2B, s0  }
0xbd: {  	[sflag:s0] =	ssyncadd.remote.s32 $0x1  }
0xbe: {  	_ =	sfence.sel $0xFFFF  }
0xbf: {  	[dreg:$0x0] =	wrdreg $0xFFFFFFFF;
	(pc) =	sbr.abs _section_cstart, $3  }
0xc0: {  	[dreg:$0x1] =	wrdreg $0xFFFFFFFF  }
0xc1: {  	_ =	task.clear_ibuf [dreg:s6], $0x2FFFF;
	_ =	strace $0x9FFFFFFF  }
0xc2: {  	(tm) =	ssettm $0x7FFFFFFF  }
0xc3: {  	_ =	shalt  }
tec
execute0_lowered:
.L_overlay_start_1:
0x0: {  	(tag) =	ssettag $0x1  }
0x1: {  	s4 =	rddreg [dreg:$0x0]  }
0x2: {  	s2 =	rddreg [dreg:$0x1]  }
0x3: {  	s0 =	rddreg [dreg:$0x2]  }
0x4: {  	s5 =	srdreg.scid;
	s3 =	simm.s32 $0x0;
	s1 =	stileid.u32  }
0x5: {  	s10 =	simm.s32 $0x1;
	s11 =	simm.s32 $0x80;
	s14 =	simm.s32 $0x20  }
0x6: {  	s15 =	simm.s32 $0x10;
	s16 =	simm.s32 $0x0;
	s5 =	sand.u32 $0x1, s5  }
0x7: {  	s6 =	sshll.u32 s1, $0x8;
	s8 =	smul.u32 $0x500, s1;
	[smem:$0x7FF] =	sst s3  }
0x8: {  	s29 =	smul.u32 $0xA00, s1;
	p0 =	slt.u32 s1, $0x2;
	s12 =	sshll.u32 s1, $0x6  }
0x9: {  	s7 =	sshll.u32 s5, $0x7;
	_ =	strace $0x80000047;
	s5 =	ssub.s32 $0x2, s5  }
0xa: {  	s12 =	sor.u32 $0x1C01, s12;
	s6 =	sor.u32 s7, s6;
	s7 =	sor.u32 s7, s8  }
0xb: {  	s31 =	sshrl.u32 s5, $0x1;
	s6 =	sshrl.u32 s6, $0x3;
	s7 =	sshrl.u32 s7, $0x3  }
0xc: {  	s8 =	sshrl.u32 s29, $0x2;
	s9 =	sadd.s32 s6, s4;
	s30 =	sadd.s32 s7, s4  }
0xd: {  	s4 =	simm.s32 $0x4F;
	s7 =	ssub.s32 s5, s31;
	s5 =	sadd.s32 s8, s2  }
0xe: {  	s4 =	simm.s32 @!p0 $0x4E;
	s6 =	sadd.s32 $0xCA00, s30;
	s7 =	smax.u32 s7, $0x1  }
0xf: {  	v0 =	vimm.f32 $1.000000000e+00;
	v1 =	vimm.f32 $0.0e+00;
	s8 =	sadd.s32 $0x2C00, s9;
	s9 =	simm.s32 $0x100;
	s13 =	sshrl.u32 s5, $0x3  }
.LBB2_1:
0x10: {  	[tilespmem:$0x80] =	vst v0  }
0x11: {  	[tilespmem:$0x90] =	vst v0  }
0x12: {  	[tilespmem:$0xA0] =	vst v0  }
0x13: {  	[tilespmem:$0xB0] =	vst v0  }
0x14: {  	[tilespmem:$0xC0] =	vst v0  }
0x15: {  	[tilespmem:$0xD0] =	vst v0  }
0x16: {  	[tilespmem:$0xE0] =	vst v0  }
0x17: {  	[tilespmem:$0xF0] =	vst v0  }
0x18: {  	[tilespmem:$0x100] =	vst v1  }
0x19: {  	[tilespmem:$0x110] =	vst v1  }
0x1a: {  	[tilespmem:$0x120] =	vst v1  }
0x1b: {  	[tilespmem:$0x130] =	vst v1  }
0x1c: {  	[tilespmem:$0x140] =	vst v1  }
0x1d: {  	[tilespmem:$0x150] =	vst v1  }
0x1e: {  	[tilespmem:$0x160] =	vst v1  }
0x1f: {  	[tilespmem:$0x170] =	vst v1  }
0x20: {  	[tilespmem:$0x180] =	vst v1  }
0x21: {  	[tilespmem:$0x190] =	vst v1  }
0x22: {  	[tilespmem:$0x1A0] =	vst v1  }
0x23: {  	[tilespmem:$0x1B0] =	vst v1  }
0x24: {  	[tilespmem:$0x1C0] =	vst v1  }
0x25: {  	[tilespmem:$0x1D0] =	vst v1  }
0x26: {  	[tilespmem:$0x1E0] =	vst v1  }
0x27: {  	[tilespmem:$0x1F0] =	vst v1  }
0x28: {  	[tilespmem:$0x200] =	vst v1  }
0x29: {  	[tilespmem:$0x210] =	vst v1  }
0x2a: {  	[tilespmem:$0x220] =	vst v1  }
0x2b: {  	[tilespmem:$0x230] =	vst v1  }
0x2c: {  	[tilespmem:$0x240] =	vst v1  }
0x2d: {  	[tilespmem:$0x250] =	vst v1  }
0x2e: {  	[tilespmem:$0x260] =	vst v1  }
0x2f: {  	[tilespmem:$0x270] =	vst v1  }
0x30: {  	[tilespmem:$0x280] =	vst v1  }
0x31: {  	[tilespmem:$0x290] =	vst v1  }
0x32: {  	[tilespmem:$0x2A0] =	vst v1  }
0x33: {  	[tilespmem:$0x2B0] =	vst v1  }
0x34: {  	[tilespmem:$0x2C0] =	vst v1  }
0x35: {  	[tilespmem:$0x2D0] =	vst v1  }
0x36: {  	[tilespmem:$0x2E0] =	vst v1  }
0x37: {  	[tilespmem:$0x2F0] =	vst v1  }
0x38: {  	[tilespmem:$0x300] =	vst v1  }
0x39: {  	[tilespmem:$0x310] =	vst v1  }
0x3a: {  	[tilespmem:$0x320] =	vst v1  }
0x3b: {  	[tilespmem:$0x330] =	vst v1  }
0x3c: {  	[tilespmem:$0x340] =	vst v1  }
0x3d: {  	[tilespmem:$0x350] =	vst v1  }
0x3e: {  	[tilespmem:$0x360] =	vst v1  }
0x3f: {  	[tilespmem:$0x370] =	vst v1  }
0x40: {  	[spmem:s5] =	stream.linear.scatter [tilespmem:s9], [sflag:$0x1], $0x280, $0x38;
	[tilespmem:$0x600] =	vst v63  }
0x41: {  	_ =	swait.ge [sflag:s10], $0x280  }
0x42: {  	[sflag:s10] =	ssyncset.done $0x0  }
0x43: {  	[sflag:s10] =	ssyncadd.s32 $0xFFFFFD80  }
0x44: {  	[bflag:$0x0] =	sbarrier.arrive $0xFFFF  }
0x45: {  	[tilespmem:s3], [sflag:$0x1] =	stream.linear.gather [hbm4b:s8+s3], $0x80, $0x38;
	[tilespmem:$0x600] =	vst v63  }
0x46: {  	p0 =	sne.s32 s4, $0x1;
	_ =	swait.ge [sflag:s10], $0x80  }
.Ltmp0:
0x47: {  	[sflag:s10] =	ssyncset.done $0x0;
	(pc) =	sbr.rel @!p0 .LBB2_3-.Ltmp0, $4  }
0x48: {  	[sflag:s10] =	ssyncadd.s32 $0xFFFFFF80  }
0x49: {  	[spmem:s2] =	stream.indirect.scatter.add.f32 [tilespmem:s11], [sflag:$0x1], $0x1, s3, s11, $0xb8;
	[tilespmem:$0x600] =	vst v63  }
0x4a: {  	_ =	swait.ge [sflag:s10], $0x80  }
0x4b: {  	s17 =	sadd.s32 $0xFFFFFFFF, s4;
	s18 =	smov.u32 s8;
	[sflag:s10] =	ssyncset.done $0x0  }
.LBB2_2:
0x4c: {  	p0 =	sne.s32 s17, $0x1;
	[sflag:s10] =	ssyncadd.s32 $0xFFFFFF80;
	s18 =	sadd.s32 $0x200, s18  }
0x4d: {  	[tilespmem:s3], [sflag:$0x1] =	stream.linear.gather [hbm4b:s18+s3], $0x80, $0x38;
	[tilespmem:$0x600] =	vst v63  }
0x4e: {  	s17 =	sadd.s32 $0xFFFFFFFF, s17;
	_ =	swait.ge [sflag:s10], $0x80  }
.Ltmp1:
0x4f: {  	[sflag:s10] =	ssyncset.done $0x0;
	(pc) =	sbr.rel @p0 .LBB2_2-.Ltmp1, $4  }
0x50: {  	[sflag:s10] =	ssyncadd.s32 $0xFFFFFF80  }
0x51: {  	[spmem:s2] =	stream.indirect.scatter.add.f32 [tilespmem:s11], [sflag:$0x1], $0x1, s3, s11, $0xb8;
	[tilespmem:$0x600] =	vst v63  }
0x52: {  	_ =	swait.ge [sflag:s10], $0x80  }
0x53: {  	[sflag:s10] =	ssyncset.done $0x0  }
.LBB2_3:
0x54: {  	s16 =	sadd.s32 $0x1, s16  }
0x55: {  	[sflag:s10] =	ssyncadd.s32 $0xFFFFFF80;
	p0 =	sne.s32 s16, s7  }
.Ltmp2:
0x56: {  	[bflag:$0x0] =	sbarrier.arrive $0xFFFF;
	(pc) =	sbr.rel @p0 .LBB2_1-.Ltmp2, $4  }
0x57: {  	[hbm:s6@s14], [sflag:s12] =	dma.strided [spmem:s13@s15], $0x50, s10, $0x10   }
0x58: {  	_ =	swait.ge [sflag:s10], $0x50  }
0x59: {  	[sflag:s10] =	ssyncset.done $0x0  }
0x5a: {  	[sflag:s10] =	ssyncadd.s32 $0xFFFFFFB0  }
0x5b: {  	_ =	sfence.sel $0x180000  }
0x5c: {  	[bflag:$0x0] =	sbarrier.arrive $0xFFFF  }
0x5d: {  	p0 =	sne.s32 s1, $0x0;
	_ =	strace $0x90000047  }
0x5e: {  	s0 =	sadd.s32 @!p0 $0x100000, s0;
	[bflag:$0x2] =	sbarrier.arrive $0xFFFF  }
0x5f: {  	[sflag:s0] =	ssyncadd.tile.s32 @!p0 $0x1;
	_ =	shalt  }
.Lfunc_end2:
_tile_overlayer_lowered:
.L_overlay_start_2:
0x60: {  	(tag) =	ssettag $0x2  }
0x61: {  	s0 =	rddreg [dreg:$0x0];
	s2 =	stileid.u32  }
0x62: {  	s1 =	rddreg [dreg:$0x1];
	p0 =	sne.s32 s2, $0x0  }
0x63: {  	s3 =	rddreg [dreg:$0x2];
	[bflag:$0x3] =	sbarrier.arrive $0xFFFF;
	s2 =	simm.s32 @!p0 $0x1C01  }
0x64: {  	[timem:s3], [sflag:s2] =	dma.local @!p0 [hbm:s0], s1  }
0x65: {  	s0 =	simm.s32 @!p0 $0x1  }
0x66: {  	_ =	swait.ge @!p0 [sflag:s0], s1  }
0x67: {  	s1 =	ssub.s32 @!p0 $0x0, s1;
	[sflag:s0] =	ssyncset.done @!p0 $0x0  }
0x68: {  	[sflag:s0] =	ssyncadd.s32 @!p0 s1  }
0x69: {  	[bflag:$0x3] =	sbarrier.arrive $0xFFFF  }
0x6a: {  	_ =	shalt  }

</sc_bundles>
